<compile_context>
chip_gen: v7x
topology: tpu7x:2x2x1
jax: 0.10.2.dev20260603
libtpu: 0.0.44.dev20260713+nightly
codegen_flags: <defaults>
</compile_context>

<pallas_src>
import functools

import jax
import jax.numpy as jnp
from jax import lax
from jax.experimental import pallas as pl
from jax.experimental.pallas import tpu as pltpu
from jax.experimental.pallas import tpu_sc as plsc

NC = 2
NS = 16
NW = NC * NS
LANES = 16
CHUNK = 128


def _sc_mesh():
    return plsc.VectorSubcoreMesh(core_axis_name="c", subcore_axis_name="s")


def _fill_rows(buf, nrows, width, value):
    val = jnp.full((LANES,), value, jnp.float32)

    def body(i, _):
        for k in range(width // LANES):
            buf[i, pl.ds(k * LANES, LANES)] = val
        return 0

    lax.fori_loop(0, nrows, body, 0)


def _make_deg_kernel(rows, cpt):
    @functools.partial(
        pl.kernel,
        mesh=_sc_mesh(),
        out_type=jax.ShapeDtypeStruct((NC, rows, 128), jnp.float32),
        scratch_types=[
            pltpu.VMEM((cpt, CHUNK), jnp.int32),
            pltpu.VMEM((CHUNK, 128), jnp.float32),
            pltpu.VMEM_SHARED((rows, 128), jnp.float32),
            pltpu.SemaphoreType.DMA,
        ],
    )
    def deg_kernel(dst_hbm, out_hbm, idx_v, rows_v, deg_sh, sem):
        c = lax.axis_index("c")
        s = lax.axis_index("s")
        wid = c * NS + s

        _fill_rows(rows_v, CHUNK, 128, 0.0)
        nblk = rows // CHUNK
        kmax = -(-nblk // NS)

        def zblk(k, _):
            b = s + k * NS

            @pl.when(b < nblk)
            def _():
                pltpu.sync_copy(rows_v, deg_sh.at[pl.ds(b * CHUNK, CHUNK)])

            return 0

        lax.fori_loop(0, kmax, zblk, 0)
        plsc.subcore_barrier()

        _fill_rows(rows_v, CHUNK, 128, 1.0)
        pltpu.sync_copy(dst_hbm.at[pl.ds(wid * cpt, cpt)], idx_v)

        def body(g, _):
            for b in range(8):
                pltpu.make_async_copy(
                    rows_v, deg_sh.at[idx_v.at[g * 8 + b]], sem,
                ).start(add=True)
            for b in range(8):
                pltpu.make_async_copy(
                    rows_v, deg_sh.at[idx_v.at[g * 8 + b]], sem,
                ).wait()
            return 0

        lax.fori_loop(0, cpt // 8, body, 0)
        plsc.subcore_barrier()

        def oblk(k, _):
            b = s + k * NS

            @pl.when(b < nblk)
            def _():
                pltpu.sync_copy(deg_sh.at[pl.ds(b * CHUNK, CHUNK)], rows_v)
                pltpu.sync_copy(rows_v, out_hbm.at[c, pl.ds(b * CHUNK, CHUNK)])

            return 0

        lax.fori_loop(0, kmax, oblk, 0)

    return deg_kernel


def _make_agg_kernel(rows, cpt_a, cpt_b):
    cpt_max = max(cpt_a, cpt_b)

    @functools.partial(
        pl.kernel,
        mesh=_sc_mesh(),
        out_type=jax.ShapeDtypeStruct((NC, rows, 128), jnp.float32),
        scratch_types=[
            pltpu.VMEM((cpt_max // 2, CHUNK), jnp.int32),
            pltpu.VMEM((cpt_max // 2, CHUNK), jnp.int32),
            pltpu.VMEM((CHUNK, 128), jnp.float32),
            pltpu.VMEM((CHUNK, 128), jnp.float32),
            pltpu.VMEM_SHARED((rows, 128), jnp.float32),
            pltpu.SemaphoreType.DMA,
            pltpu.SemaphoreType.DMA,
        ],
    )
    def agg_kernel(h_hbm, src_hbm, dst_hbm, out_hbm,
                   src_v, dst_v, rows_v, rows_w, agg_sh, sem0, sem1):
        c = lax.axis_index("c")
        s = lax.axis_index("s")
        my_cpt = jnp.where(c == 0, cpt_a, cpt_b)
        my_base = jnp.where(c == 0, s * cpt_a, NS * cpt_a + s * cpt_b)

        _fill_rows(rows_v, CHUNK, 128, 0.0)
        nblk = rows // CHUNK
        kmax = -(-nblk // NS)

        def zblk(k, _):
            b = s + k * NS

            @pl.when(b < nblk)
            def _():
                pltpu.sync_copy(rows_v, agg_sh.at[pl.ds(b * CHUNK, CHUNK)])

            return 0

        lax.fori_loop(0, kmax, zblk, 0)
        plsc.subcore_barrier()

        bufs = (rows_v, rows_w)
        sems = (sem0, sem1)
        hp = my_cpt // 2

        for p in range(2):
            base = pl.multiple_of(my_base + p * hp, 8)
            pltpu.sync_copy(src_hbm.at[pl.ds(base, cpt_max // 2)], src_v)
            pltpu.sync_copy(dst_hbm.at[pl.ds(base, cpt_max // 2)], dst_v)
            pltpu.make_async_copy(h_hbm.at[src_v.at[0]], rows_v, sem0).start()

            def body(i, _):
                j0 = i * 2
                for b in range(2):
                    j = j0 + b

                    @pl.when(j + 1 < hp)
                    def _():
                        pltpu.make_async_copy(
                            h_hbm.at[src_v.at[j + 1]], bufs[1 - b],
                            sems[1 - b],
                        ).start()

                    pltpu.make_async_copy(
                        h_hbm.at[src_v.at[j]], bufs[b], sems[b]).wait()
                    pltpu.sync_copy(bufs[b], agg_sh.at[dst_v.at[j]], add=True)
                return 0

            lax.fori_loop(0, hp // 2, body, 0)
        plsc.subcore_barrier()

        def oblk(k, _):
            b = s + k * NS

            @pl.when(b < nblk)
            def _():
                pltpu.sync_copy(agg_sh.at[pl.ds(b * CHUNK, CHUNK)], rows_v)
                pltpu.sync_copy(rows_v, out_hbm.at[c, pl.ds(b * CHUNK, CHUNK)])

            return 0

        lax.fori_loop(0, kmax, oblk, 0)

    return agg_kernel


def _tc_scale1(x_pad, W1, degp, n):
    rows = x_pad.shape[0]
    grid = rows // 128

    def body(x_ref, w_ref, deg_ref, dinv_ref, hp_ref):
        i = pl.program_id(0)
        deg = deg_ref[0, :, :1] + deg_ref[1, :, :1] + 1.0
        row_id = lax.broadcasted_iota(jnp.int32, (128, LANES), 0) + i * 128
        dinv = jnp.where(row_id < n, lax.rsqrt(deg), 0.0)
        dinv_ref[...] = dinv
        h = jnp.dot(x_ref[...], w_ref[...], preferred_element_type=jnp.float32)
        hp_ref[...] = h * dinv[:, :1]

    return pl.pallas_call(
        body,
        grid=(grid,),
        in_specs=[
            pl.BlockSpec((128, 128), lambda i: (i, 0)),
            pl.BlockSpec((128, 128), lambda i: (0, 0)),
            pl.BlockSpec((NC, 128, 128), lambda i: (0, i, 0)),
        ],
        out_specs=[
            pl.BlockSpec((128, LANES), lambda i: (i, 0)),
            pl.BlockSpec((128, 128), lambda i: (i, 0)),
        ],
        out_shape=[
            jax.ShapeDtypeStruct((rows, LANES), jnp.float32),
            jax.ShapeDtypeStruct((rows, 128), jnp.float32),
        ],
    )(x_pad, W1, degp)


def _tc_mid(aggp, hp, dinv16, W2, b1):
    rows = hp.shape[0]
    grid = rows // 128

    def body(agg_ref, hp_ref, dinv_ref, w_ref, b_ref, out_ref):
        dinv = dinv_ref[...][:, :1]
        pre = (agg_ref[0] + agg_ref[1] + hp_ref[...]) * dinv + b_ref[...]
        h1 = jnp.maximum(pre, 0.0)
        out_ref[...] = jnp.dot(
            h1, w_ref[...], preferred_element_type=jnp.float32) * dinv

    return pl.pallas_call(
        body,
        grid=(grid,),
        in_specs=[
            pl.BlockSpec((NC, 128, 128), lambda i: (0, i, 0)),
            pl.BlockSpec((128, 128), lambda i: (i, 0)),
            pl.BlockSpec((128, LANES), lambda i: (i, 0)),
            pl.BlockSpec((128, 128), lambda i: (0, 0)),
            pl.BlockSpec((1, 128), lambda i: (0, 0)),
        ],
        out_specs=pl.BlockSpec((128, 128), lambda i: (i, 0)),
        out_shape=jax.ShapeDtypeStruct((rows, 128), jnp.float32),
    )(aggp, hp, dinv16, W2, b1)


def _tc_final(aggp, hp, dinv16, b2):
    rows = hp.shape[0]
    grid = rows // 128

    def body(agg_ref, hp_ref, dinv_ref, b_ref, out_ref):
        dinv = dinv_ref[...][:, :1]
        out_ref[...] = (agg_ref[0] + agg_ref[1] + hp_ref[...]) * dinv + b_ref[...]

    return pl.pallas_call(
        body,
        grid=(grid,),
        in_specs=[
            pl.BlockSpec((NC, 128, 128), lambda i: (0, i, 0)),
            pl.BlockSpec((128, 128), lambda i: (i, 0)),
            pl.BlockSpec((128, LANES), lambda i: (i, 0)),
            pl.BlockSpec((1, 128), lambda i: (0, 0)),
        ],
        out_specs=pl.BlockSpec((128, 128), lambda i: (i, 0)),
        out_shape=jax.ShapeDtypeStruct((rows, 128), jnp.float32),
    )(aggp, hp, dinv16, b2)


def kernel(x, edge_index, W1, b1, W2, b2):
    n, d = x.shape
    e = edge_index.shape[1]

    rows = ((n + 1 + 127) // 128) * 128
    while rows % (NS * 2) != 0:
        rows += 128

    cpt = -(-e // (NW * CHUNK))
    cpt = ((cpt + 7) // 8) * 8
    e_pad = NW * CHUNK * cpt

    cpt_a = ((2 * cpt * 4 // 5) // 16) * 16
    cpt_b = 2 * cpt - cpt_a
    over = max(cpt_a, cpt_b) // 2

    src = edge_index[0]
    dst = edge_index[1]
    e_arr = e_pad + over * CHUNK
    pad = jnp.full((e_arr - e,), n, dtype=jnp.int32)
    src2 = jnp.concatenate([src, pad]).reshape(e_arr // CHUNK, CHUNK)
    dst2 = jnp.concatenate([dst, pad]).reshape(e_arr // CHUNK, CHUNK)
    x_pad = jnp.pad(x, ((0, rows - n), (0, 0)))
    b1r = b1.reshape(1, d)
    b2r = b2.reshape(1, d)

    deg_kernel = _make_deg_kernel(rows, cpt)
    agg_kernel = _make_agg_kernel(rows, cpt_a, cpt_b)

    degp = deg_kernel(dst2)
    dinv16, h1p = _tc_scale1(x_pad, W1, degp, n)
    agg1 = agg_kernel(h1p, src2, dst2)
    h2p = _tc_mid(agg1, h1p, dinv16, W2, b1r)
    agg2 = agg_kernel(h2p, src2, dst2)
    out = _tc_final(agg2, h2p, dinv16, b2r)
    return out[:n]

# --- scband reference (transcript-rebuilt; emitter-appended) ---
"""Pipeline reference for scband-gcnpatient-network-34711925686750 (READ-ONLY COPY).

The authoritative reference and input builder live on the scoring server;
editing this copy changes nothing except your own understanding.
"""

import jax, jax.numpy as jnp
import numpy as np

N = 10000
E = 320000
D = 128


def gcn_conv(x, edge_index, W, b):
    # Faithful to PyG GCNConv defaults: add self-loops, symmetric deg^{-1/2} norm,
    # linear transform, gather messages, scatter-add to dst, add bias.
    n = x.shape[0]
    loops = jnp.arange(n, dtype=edge_index.dtype)
    src = jnp.concatenate([edge_index[0], loops])
    dst = jnp.concatenate([edge_index[1], loops])
    deg = jnp.zeros((n,), dtype=x.dtype).at[dst].add(1.0)
    deg_inv_sqrt = jnp.where(deg > 0, 1.0 / jnp.sqrt(deg), 0.0)
    norm = deg_inv_sqrt[src] * deg_inv_sqrt[dst]
    h = x @ W
    msg = h[src] * norm[:, None]
    out = jnp.zeros_like(h).at[dst].add(msg)
    return out + b


def setup_inputs(seed: int = 0) -> dict:
    key = jax.random.key(seed)
    k1, k2, k3, k4, k5, k6 = jax.random.split(key, 6)
    x = jax.random.normal(k1, (N, D), dtype=jnp.float32)
    edge_index = jax.random.randint(k2, (2, E), 0, N, dtype=jnp.int32)
    s = 1.0 / np.sqrt(D)
    W1 = jax.random.normal(k3, (D, D), dtype=jnp.float32) * s
    b1 = jnp.zeros((D,), dtype=jnp.float32)
    W2 = jax.random.normal(k4, (D, D), dtype=jnp.float32) * s
    b2 = jnp.zeros((D,), dtype=jnp.float32)
    return {"x": x, "edge_index": edge_index, "W1": W1, "b1": b1, "W2": W2, "b2": b2}


def reference(x, edge_index, W1, b1, W2, b2):
    # Layer 1 + ReLU (dropout is identity in eval mode)
    h = gcn_conv(x, edge_index, W1, b1)
    h = jax.nn.relu(h)
    # Layer 2 (no activation after last layer)
    out = gcn_conv(h, edge_index, W2, b2)
    return out

if __name__ == "__main__":
    import jax
    _d = setup_inputs()
    print(jax.jit(kernel)(*tuple(_d.values())))

</pallas_src>

<mosaic_0001>
#map = affine_map<(d0, d1) -> (0, 0)>
#map1 = affine_map<(d0, d1) -> (0, 0, 0)>
module attributes {stable_mosaic.version = 14 : i64} {
  func.func @agg_kernel(%arg0: i32, %arg1: i32, %arg2: memref<10112x128xf32, #tpu.memory_space<hbm>>, %arg3: memref<2624x128xi32, #tpu.memory_space<hbm>>, %arg4: memref<2624x128xi32, #tpu.memory_space<hbm>>, %arg5: memref<2x10112x128xf32, #tpu.memory_space<hbm>>, %arg6: memref<64x128xi32, #tpu.memory_space<vmem>>, %arg7: memref<64x128xi32, #tpu.memory_space<vmem>>, %arg8: memref<128x128xf32, #tpu.memory_space<vmem>>, %arg9: memref<128x128xf32, #tpu.memory_space<vmem>>, %arg10: memref<10112x128xf32, #tpu.memory_space<vmem_shared>>, %arg11: memref<!tpu.dma_semaphore, #tpu.memory_space<semaphore_mem>>, %arg12: memref<!tpu.dma_semaphore, #tpu.memory_space<semaphore_mem>>) attributes {dimension_semantics = [#tpu.dimension_semantics<core_parallel>, #tpu.dimension_semantics<subcore_parallel>], iteration_bounds = array<i64: 2, 16>, scalar_prefetch = 0 : i64, scratch_operands = 7 : i64, tpu.core_type = #tpu.core_type<sc_vector_subcore>, window_params = [{transform_indices = #map}, {transform_indices = #map}, {transform_indices = #map}, {transform_indices = #map1}]} {
    %eq3A = arith.constant 0 : i32
    %eq3A_0 = arith.cmpi eq, %arg0, %eq3A : i32
    %jit3A = arith.constant 128 : i32
    %jit3A_1 = arith.constant 32 : i32
    %select_n3A = arith.select %eq3A_0, %jit3A, %jit3A_1 : i32
    %eq3A_2 = arith.constant 0 : i32
    %eq3A_3 = arith.cmpi eq, %arg0, %eq3A_2 : i32
    %mul3A = arith.constant 128 : i32
    %mul3A_4 = arith.muli %arg1, %mul3A : i32
    %mul3A_5 = arith.constant 32 : i32
    %mul3A_6 = arith.muli %arg1, %mul3A_5 : i32
    %add3A = arith.constant 2048 : i32
    %add3A_7 = arith.addi %add3A, %mul3A_6 : i32
    %select_n3A_8 = arith.select %eq3A_3, %mul3A_4, %add3A_7 : i32
    %broadcast_in_dim3A = arith.constant 0.000000e+00 : f32
    %broadcast_in_dim3A_9 = vector.broadcast %broadcast_in_dim3A : f32 to vector<16xf32>
    %scan3A = arith.constant 0 : i32
    %scan3A_10 = arith.constant 0 : i32
    %scan3A_11 = arith.constant 128 : i32
    %scan3A_12 = arith.addi %scan3A_10, %scan3A_11 : i32
    %scan3A_13 = arith.constant 1 : i32
    %scan3A_14 = scf.for %scan3A_140 = %scan3A_10 to %scan3A_12 step %scan3A_13 iter_args(%scan3A_141 = %scan3A) -> (i32)  : i32 {
      %swap3A = arith.index_cast %scan3A_140 : i32 to index
      %swap3A_142 = arith.constant 0 : index
      %swap3A_143 = tpu.vector_load %arg8[%swap3A, %swap3A_142] {strides = array<i32>} : memref<128x128xf32, #tpu.memory_space<vmem>>, vector<1x16xf32>,
      %swap3A_144 = vector.shape_cast %swap3A_143 : vector<1x16xf32> to vector<16xf32>
      %swap3A_145 = vector.shape_cast %broadcast_in_dim3A_9 : vector<16xf32> to vector<1x16xf32>
      tpu.vector_store %arg8[%swap3A, %swap3A_142], %swap3A_145 {strides = array<i32>} : memref<128x128xf32, #tpu.memory_space<vmem>>, vector<1x16xf32>,
      %swap3A_146 = arith.index_cast %scan3A_140 : i32 to index
      %swap3A_147 = arith.constant 16 : index
      %swap3A_148 = tpu.vector_load %arg8[%swap3A_146, %swap3A_147] {strides = array<i32>} : memref<128x128xf32, #tpu.memory_space<vmem>>, vector<1x16xf32>,
      %swap3A_149 = vector.shape_cast %swap3A_148 : vector<1x16xf32> to vector<16xf32>
      %swap3A_150 = vector.shape_cast %broadcast_in_dim3A_9 : vector<16xf32> to vector<1x16xf32>
      tpu.vector_store %arg8[%swap3A_146, %swap3A_147], %swap3A_150 {strides = array<i32>} : memref<128x128xf32, #tpu.memory_space<vmem>>, vector<1x16xf32>,
      %swap3A_151 = arith.index_cast %scan3A_140 : i32 to index
      %swap3A_152 = arith.constant 32 : index
      %swap3A_153 = tpu.vector_load %arg8[%swap3A_151, %swap3A_152] {strides = array<i32>} : memref<128x128xf32, #tpu.memory_space<vmem>>, vector<1x16xf32>,
      %swap3A_154 = vector.shape_cast %swap3A_153 : vector<1x16xf32> to vector<16xf32>
      %swap3A_155 = vector.shape_cast %broadcast_in_dim3A_9 : vector<16xf32> to vector<1x16xf32>
      tpu.vector_store %arg8[%swap3A_151, %swap3A_152], %swap3A_155 {strides = array<i32>} : memref<128x128xf32, #tpu.memory_space<vmem>>, vector<1x16xf32>,
      %swap3A_156 = arith.index_cast %scan3A_140 : i32 to index
      %swap3A_157 = arith.constant 48 : index
      %swap3A_158 = tpu.vector_load %arg8[%swap3A_156, %swap3A_157] {strides = array<i32>} : memref<128x128xf32, #tpu.memory_space<vmem>>, vector<1x16xf32>,
      %swap3A_159 = vector.shape_cast %swap3A_158 : vector<1x16xf32> to vector<16xf32>
      %swap3A_160 = vector.shape_cast %broadcast_in_dim3A_9 : vector<16xf32> to vector<1x16xf32>
      tpu.vector_store %arg8[%swap3A_156, %swap3A_157], %swap3A_160 {strides = array<i32>} : memref<128x128xf32, #tpu.memory_space<vmem>>, vector<1x16xf32>,
      %swap3A_161 = arith.index_cast %scan3A_140 : i32 to index
      %swap3A_162 = arith.constant 64 : index
      %swap3A_163 = tpu.vector_load %arg8[%swap3A_161, %swap3A_162] {strides = array<i32>} : memref<128x128xf32, #tpu.memory_space<vmem>>, vector<1x16xf32>,
      %swap3A_164 = vector.shape_cast %swap3A_163 : vector<1x16xf32> to vector<16xf32>
      %swap3A_165 = vector.shape_cast %broadcast_in_dim3A_9 : vector<16xf32> to vector<1x16xf32>
      tpu.vector_store %arg8[%swap3A_161, %swap3A_162], %swap3A_165 {strides = array<i32>} : memref<128x128xf32, #tpu.memory_space<vmem>>, vector<1x16xf32>,
      %swap3A_166 = arith.index_cast %scan3A_140 : i32 to index
      %swap3A_167 = arith.constant 80 : index
      %swap3A_168 = tpu.vector_load %arg8[%swap3A_166, %swap3A_167] {strides = array<i32>} : memref<128x128xf32, #tpu.memory_space<vmem>>, vector<1x16xf32>,
      %swap3A_169 = vector.shape_cast %swap3A_168 : vector<1x16xf32> to vector<16xf32>
      %swap3A_170 = vector.shape_cast %broadcast_in_dim3A_9 : vector<16xf32> to vector<1x16xf32>
      tpu.vector_store %arg8[%swap3A_166, %swap3A_167], %swap3A_170 {strides = array<i32>} : memref<128x128xf32, #tpu.memory_space<vmem>>, vector<1x16xf32>,
      %swap3A_171 = arith.index_cast %scan3A_140 : i32 to index
      %swap3A_172 = arith.constant 96 : index
      %swap3A_173 = tpu.vector_load %arg8[%swap3A_171, %swap3A_172] {strides = array<i32>} : memref<128x128xf32, #tpu.memory_space<vmem>>, vector<1x16xf32>,
      %swap3A_174 = vector.shape_cast %swap3A_173 : vector<1x16xf32> to vector<16xf32>
      %swap3A_175 = vector.shape_cast %broadcast_in_dim3A_9 : vector<16xf32> to vector<1x16xf32>
      tpu.vector_store %arg8[%swap3A_171, %swap3A_172], %swap3A_175 {strides = array<i32>} : memref<128x128xf32, #tpu.memory_space<vmem>>, vector<1x16xf32>,
      %swap3A_176 = arith.index_cast %scan3A_140 : i32 to index
      %swap3A_177 = arith.constant 112 : index
      %swap3A_178 = tpu.vector_load %arg8[%swap3A_176, %swap3A_177] {strides = array<i32>} : memref<128x128xf32, #tpu.memory_space<vmem>>, vector<1x16xf32>,
      %swap3A_179 = vector.shape_cast %swap3A_178 : vector<1x16xf32> to vector<16xf32>
      %swap3A_180 = vector.shape_cast %broadcast_in_dim3A_9 : vector<16xf32> to vector<1x16xf32>
      tpu.vector_store %arg8[%swap3A_176, %swap3A_177], %swap3A_180 {strides = array<i32>} : memref<128x128xf32, #tpu.memory_space<vmem>>, vector<1x16xf32>,
      %scan3A_181 = arith.constant 0 : i32
      scf.yield %scan3A_181 : i32
    }
    %scan3A_15 = arith.constant 128 : i32
    %scan3A_16 = arith.constant 0 : i32
    %scan3A_17 = arith.constant 0 : i32
    %scan3A_18 = arith.constant 5 : i32
    %scan3A_19 = arith.addi %scan3A_17, %scan3A_18 : i32
    %scan3A_20 = arith.constant 1 : i32
    %scan3A_21 = scf.for %scan3A_140 = %scan3A_17 to %scan3A_19 step %scan3A_20 iter_args(%scan3A_141 = %scan3A_16) -> (i32)  : i32 {
      %mul3A_142 = arith.constant 16 : i32
      %mul3A_143 = arith.muli %scan3A_140, %mul3A_142 : i32
      %add3A_144 = arith.addi %arg1, %mul3A_143 : i32
      %lt3A = arith.constant 79 : i32
      %lt3A_145 = arith.cmpi slt, %add3A_144, %lt3A : i32
      %convert_element_type3A = arith.extui %lt3A_145 : i1 to i32
      %cond3A = arith.constant 0 : i32
      %cond3A_146 = arith.cmpi ne, %convert_element_type3A, %cond3A : i32
      scf.if %cond3A_146 {
        %mul3A_148 = arith.constant 128 : i32
        %mul3A_149 = arith.muli %add3A_144, %mul3A_148 : i32
        "tpu.region"() ({
          %run_scoped3A = tpu.sem_alloc : memref<!tpu.dma_semaphore, #tpu.memory_space<semaphore_mem>>
          %dma_start3A_150 = arith.constant 0 : i32
          %dma_start3A_151 = tpu.memref_slice %arg10[%mul3A_149, %dma_start3A_150] : memref<10112x128xf32, #tpu.memory_space<vmem_shared>> -> memref<128x128xf32, #tpu.memory_space<vmem_shared>>
          %dma_start3A_152 = arith.constant 0 : i32
          %dma_start3A_153 = tpu.memref_slice %arg10[%mul3A_149, %dma_start3A_152] : memref<10112x128xf32, #tpu.memory_space<vmem_shared>> -> memref<128x128xf32, #tpu.memory_space<vmem_shared>>
          tpu.enqueue_dma source(%arg8 : memref<128x128xf32, #tpu.memory_space<vmem>>) target(%dma_start3A_153 : memref<128x128xf32, #tpu.memory_space<vmem_shared>>) target_semaphore(%run_scoped3A : memref<!tpu.dma_semaphore, #tpu.memory_space<semaphore_mem>>)
          %dma_wait3A = arith.constant 0 : i32
          %dma_wait3A_154 = tpu.memref_slice %arg10[%mul3A_149, %dma_wait3A] : memref<10112x128xf32, #tpu.memory_space<vmem_shared>> -> memref<128x128xf32, #tpu.memory_space<vmem_shared>>
          %dma_wait3A_155 = arith.constant 0 : i32
          %dma_wait3A_156 = tpu.memref_slice %arg10[%mul3A_149, %dma_wait3A_155] : memref<10112x128xf32, #tpu.memory_space<vmem_shared>> -> memref<128x128xf32, #tpu.memory_space<vmem_shared>>
          tpu.wait_dma2 semaphore(%run_scoped3A : memref<!tpu.dma_semaphore, #tpu.memory_space<semaphore_mem>>) src(%arg8 : memref<128x128xf32, #tpu.memory_space<vmem>>) dst(%dma_wait3A_156 : memref<128x128xf32, #tpu.memory_space<vmem_shared>>)
          tpu.yield
        }) : () -> ()
      } else {
      }
      %scan3A_147 = arith.constant 0 : i32
      scf.yield %scan3A_147 : i32
    }
    %scan3A_22 = arith.constant 5 : i32
    %barrier3A = arith.constant 0 : index
    tpu.barrier barrier_id(%barrier3A)
    %jit3A_23 = arith.constant 2 : i32
    %div3A = arith.divsi %select_n3A, %jit3A_23 : i32
    %sign3A = arith.constant 0 : i32
    %sign3A_24 = arith.cmpi sgt, %select_n3A, %sign3A : i32
    %sign3A_25 = arith.extui %sign3A_24 : i1 to i32
    %sign3A_26 = arith.constant 0 : i32
    %sign3A_27 = arith.cmpi slt, %select_n3A, %sign3A_26 : i32
    %sign3A_28 = arith.extui %sign3A_27 : i1 to i32
    %sign3A_29 = arith.subi %sign3A_25, %sign3A_28 : i32
    %sign3A_30 = arith.constant 0 : i32
    %sign3A_31 = arith.cmpi sgt, %jit3A_23, %sign3A_30 : i32
    %sign3A_32 = arith.extui %sign3A_31 : i1 to i32
    %sign3A_33 = arith.constant 0 : i32
    %sign3A_34 = arith.cmpi slt, %jit3A_23, %sign3A_33 : i32
    %sign3A_35 = arith.extui %sign3A_34 : i1 to i32
    %sign3A_36 = arith.subi %sign3A_32, %sign3A_35 : i32
    %ne3A = arith.cmpi ne, %sign3A_29, %sign3A_36 : i32
    %rem3A = arith.remsi %select_n3A, %jit3A_23 : i32
    %ne3A_37 = arith.constant 0 : i32
    %ne3A_38 = arith.cmpi ne, %rem3A, %ne3A_37 : i32
    %and3A = arith.andi %ne3A, %ne3A_38 : i1
    %sub3A = arith.constant 1 : i32
    %sub3A_39 = arith.subi %div3A, %sub3A : i32
    %select_n3A_40 = arith.select %and3A, %sub3A_39, %div3A : i32
    %mul3A_41 = arith.constant 0 : i32
    %mul3A_42 = arith.muli %mul3A_41, %select_n3A_40 : i32
    %add3A_43 = arith.addi %select_n3A_8, %mul3A_42 : i32
    %multiple_of3A = tpu.assume_multiple %add3A_43, 8 : i32
    "tpu.region"() ({
      %run_scoped3A = tpu.sem_alloc : memref<!tpu.dma_semaphore, #tpu.memory_space<semaphore_mem>>
      %dma_start3A_140 = arith.constant 0 : i32
      %dma_start3A_141 = tpu.memref_slice %arg3[%multiple_of3A, %dma_start3A_140] : memref<2624x128xi32, #tpu.memory_space<hbm>> -> memref<64x128xi32, #tpu.memory_space<hbm>>
      %dma_start3A_142 = arith.constant 0 : i32
      %dma_start3A_143 = tpu.memref_slice %arg3[%multiple_of3A, %dma_start3A_142] : memref<2624x128xi32, #tpu.memory_space<hbm>> -> memref<64x128xi32, #tpu.memory_space<hbm>>
      tpu.enqueue_dma source(%dma_start3A_143 : memref<64x128xi32, #tpu.memory_space<hbm>>) target(%arg6 : memref<64x128xi32, #tpu.memory_space<vmem>>) target_semaphore(%run_scoped3A : memref<!tpu.dma_semaphore, #tpu.memory_space<semaphore_mem>>)
      %dma_wait3A = arith.constant 0 : i32
      %dma_wait3A_144 = tpu.memref_slice %arg3[%multiple_of3A, %dma_wait3A] : memref<2624x128xi32, #tpu.memory_space<hbm>> -> memref<64x128xi32, #tpu.memory_space<hbm>>
      %dma_wait3A_145 = arith.constant 0 : i32
      %dma_wait3A_146 = tpu.memref_slice %arg3[%multiple_of3A, %dma_wait3A_145] : memref<2624x128xi32, #tpu.memory_space<hbm>> -> memref<64x128xi32, #tpu.memory_space<hbm>>
      tpu.wait_dma2 semaphore(%run_scoped3A : memref<!tpu.dma_semaphore, #tpu.memory_space<semaphore_mem>>) src(%dma_wait3A_146 : memref<64x128xi32, #tpu.memory_space<hbm>>) dst(%arg6 : memref<64x128xi32, #tpu.memory_space<vmem>>)
      tpu.yield
    }) : () -> ()
    "tpu.region"() ({
      %run_scoped3A = tpu.sem_alloc : memref<!tpu.dma_semaphore, #tpu.memory_space<semaphore_mem>>
      %dma_start3A_140 = arith.constant 0 : i32
      %dma_start3A_141 = tpu.memref_slice %arg4[%multiple_of3A, %dma_start3A_140] : memref<2624x128xi32, #tpu.memory_space<hbm>> -> memref<64x128xi32, #tpu.memory_space<hbm>>
      %dma_start3A_142 = arith.constant 0 : i32
      %dma_start3A_143 = tpu.memref_slice %arg4[%multiple_of3A, %dma_start3A_142] : memref<2624x128xi32, #tpu.memory_space<hbm>> -> memref<64x128xi32, #tpu.memory_space<hbm>>
      tpu.enqueue_dma source(%dma_start3A_143 : memref<64x128xi32, #tpu.memory_space<hbm>>) target(%arg7 : memref<64x128xi32, #tpu.memory_space<vmem>>) target_semaphore(%run_scoped3A : memref<!tpu.dma_semaphore, #tpu.memory_space<semaphore_mem>>)
      %dma_wait3A = arith.constant 0 : i32
      %dma_wait3A_144 = tpu.memref_slice %arg4[%multiple_of3A, %dma_wait3A] : memref<2624x128xi32, #tpu.memory_space<hbm>> -> memref<64x128xi32, #tpu.memory_space<hbm>>
      %dma_wait3A_145 = arith.constant 0 : i32
      %dma_wait3A_146 = tpu.memref_slice %arg4[%multiple_of3A, %dma_wait3A_145] : memref<2624x128xi32, #tpu.memory_space<hbm>> -> memref<64x128xi32, #tpu.memory_space<hbm>>
      tpu.wait_dma2 semaphore(%run_scoped3A : memref<!tpu.dma_semaphore, #tpu.memory_space<semaphore_mem>>) src(%dma_wait3A_146 : memref<64x128xi32, #tpu.memory_space<hbm>>) dst(%arg7 : memref<64x128xi32, #tpu.memory_space<vmem>>)
      tpu.yield
    }) : () -> ()
    %dma_start3A = arith.constant 0 : i32
    %dma_start3A_44 = arith.constant 0 : i32
    %dma_start3A_45 = tpu.memref_slice %arg6[%dma_start3A, %dma_start3A_44] : memref<64x128xi32, #tpu.memory_space<vmem>> -> memref<1x128xi32, #tpu.memory_space<vmem>>
    %dma_start3A_46 = tpu.memref_squeeze %dma_start3A_45 : memref<1x128xi32, #tpu.memory_space<vmem>> -> memref<128xi32, #tpu.memory_space<vmem>>
    %dma_start3A_47 = arith.constant 0 : i32
    %dma_start3A_48 = arith.constant 0 : i32
    %dma_start3A_49 = tpu.memref_slice %arg2[%dma_start3A_47, %dma_start3A_48] : memref<10112x128xf32, #tpu.memory_space<hbm>> -> memref<10112x128xf32, #tpu.memory_space<hbm>>
    tpu.enqueue_indirect_dma source(%dma_start3A_49 : memref<10112x128xf32, #tpu.memory_space<hbm>>) target(%arg8 : memref<128x128xf32, #tpu.memory_space<vmem>>) offsets(%dma_start3A_46 : memref<128xi32, #tpu.memory_space<vmem>>) semaphore(%arg11 : memref<!tpu.dma_semaphore, #tpu.memory_space<semaphore_mem>>)
    %jit3A_50 = arith.constant 2 : i32
    %div3A_51 = arith.divsi %select_n3A_40, %jit3A_50 : i32
    %sign3A_52 = arith.constant 0 : i32
    %sign3A_53 = arith.cmpi sgt, %select_n3A_40, %sign3A_52 : i32
    %sign3A_54 = arith.extui %sign3A_53 : i1 to i32
    %sign3A_55 = arith.constant 0 : i32
    %sign3A_56 = arith.cmpi slt, %select_n3A_40, %sign3A_55 : i32
    %sign3A_57 = arith.extui %sign3A_56 : i1 to i32
    %sign3A_58 = arith.subi %sign3A_54, %sign3A_57 : i32
    %sign3A_59 = arith.constant 0 : i32
    %sign3A_60 = arith.cmpi sgt, %jit3A_50, %sign3A_59 : i32
    %sign3A_61 = arith.extui %sign3A_60 : i1 to i32
    %sign3A_62 = arith.constant 0 : i32
    %sign3A_63 = arith.cmpi slt, %jit3A_50, %sign3A_62 : i32
    %sign3A_64 = arith.extui %sign3A_63 : i1 to i32
    %sign3A_65 = arith.subi %sign3A_61, %sign3A_64 : i32
    %ne3A_66 = arith.cmpi ne, %sign3A_58, %sign3A_65 : i32
    %rem3A_67 = arith.remsi %select_n3A_40, %jit3A_50 : i32
    %ne3A_68 = arith.constant 0 : i32
    %ne3A_69 = arith.cmpi ne, %rem3A_67, %ne3A_68 : i32
    %and3A_70 = arith.andi %ne3A_66, %ne3A_69 : i1
    %sub3A_71 = arith.constant 1 : i32
    %sub3A_72 = arith.subi %div3A_51, %sub3A_71 : i32
    %select_n3A_73 = arith.select %and3A_70, %sub3A_72, %div3A_51 : i32
    %while3A = arith.constant 0 : i32
    %while3A_74 = arith.constant 0 : i32
    %while3A_75 = arith.subi %select_n3A_73, %while3A : i32
    %while3A_76 = arith.addi %while3A, %while3A_75 : i32
    %while3A_77 = arith.constant 1 : i32
    %while3A_78 = arith.divsi %while3A_75, %while3A_77 : i32
    %while3A_79 = arith.muli %while3A_78, %while3A_77 : i32
    %while3A_80 = arith.addi %while3A, %while3A_79 : i32
    %while3A_81 = arith.constant 1 : i32
    %while3A_82 = scf.for %while3A_140 = %while3A to %while3A_80 step %while3A_81 iter_args(%while3A_141 = %while3A_74) -> (i32)  : i32 {
      %mul3A_142 = arith.constant 2 : i32
      %mul3A_143 = arith.muli %while3A_140, %mul3A_142 : i32
      %add3A_144 = arith.constant 0 : i32
      %add3A_145 = arith.addi %mul3A_143, %add3A_144 : i32
      %add3A_146 = arith.constant 1 : i32
      %add3A_147 = arith.addi %add3A_145, %add3A_146 : i32
      %lt3A = arith.cmpi slt, %add3A_147, %select_n3A_40 : i32
      %convert_element_type3A = arith.extui %lt3A : i1 to i32
      %cond3A = arith.constant 0 : i32
      %cond3A_148 = arith.cmpi ne, %convert_element_type3A, %cond3A : i32
      scf.if %cond3A_148 {
        %add3A_169 = arith.constant 1 : i32
        %add3A_170 = arith.addi %add3A_145, %add3A_169 : i32
        %dma_start3A_171 = arith.constant 0 : i32
        %dma_start3A_172 = tpu.memref_slice %arg6[%add3A_170, %dma_start3A_171] : memref<64x128xi32, #tpu.memory_space<vmem>> -> memref<1x128xi32, #tpu.memory_space<vmem>>
        %dma_start3A_173 = tpu.memref_squeeze %dma_start3A_172 : memref<1x128xi32, #tpu.memory_space<vmem>> -> memref<128xi32, #tpu.memory_space<vmem>>
        %dma_start3A_174 = arith.constant 0 : i32
        %dma_start3A_175 = arith.constant 0 : i32
        %dma_start3A_176 = tpu.memref_slice %arg2[%dma_start3A_174, %dma_start3A_175] : memref<10112x128xf32, #tpu.memory_space<hbm>> -> memref<10112x128xf32, #tpu.memory_space<hbm>>
        tpu.enqueue_indirect_dma source(%dma_start3A_176 : memref<10112x128xf32, #tpu.memory_space<hbm>>) target(%arg9 : memref<128x128xf32, #tpu.memory_space<vmem>>) offsets(%dma_start3A_173 : memref<128xi32, #tpu.memory_space<vmem>>) semaphore(%arg12 : memref<!tpu.dma_semaphore, #tpu.memory_space<semaphore_mem>>)
      } else {
      }
      %dma_wait3A = arith.constant 0 : i32
      %dma_wait3A_149 = tpu.memref_slice %arg6[%add3A_145, %dma_wait3A] : memref<64x128xi32, #tpu.memory_space<vmem>> -> memref<1x128xi32, #tpu.memory_space<vmem>>
      %dma_wait3A_150 = tpu.memref_squeeze %dma_wait3A_149 : memref<1x128xi32, #tpu.memory_space<vmem>> -> memref<128xi32, #tpu.memory_space<vmem>>
      %dma_wait3A_151 = arith.constant 0 : i32
      %dma_wait3A_152 = arith.constant 0 : i32
      %dma_wait3A_153 = tpu.memref_slice %arg2[%dma_wait3A_151, %dma_wait3A_152] : memref<10112x128xf32, #tpu.memory_space<hbm>> -> memref<10112x128xf32, #tpu.memory_space<hbm>>
      tpu.wait_indirect_dma semaphore(%arg11 : memref<!tpu.dma_semaphore, #tpu.memory_space<semaphore_mem>>) src(%dma_wait3A_153 : memref<10112x128xf32, #tpu.memory_space<hbm>>) dst(%arg8 : memref<128x128xf32, #tpu.memory_space<vmem>>)
      "tpu.region"() ({
        %run_scoped3A = tpu.sem_alloc : memref<!tpu.dma_semaphore, #tpu.memory_space<semaphore_mem>>
        %dma_start3A_169 = arith.constant 0 : i32
        %dma_start3A_170 = tpu.memref_slice %arg7[%add3A_145, %dma_start3A_169] : memref<64x128xi32, #tpu.memory_space<vmem>> -> memref<1x128xi32, #tpu.memory_space<vmem>>
        %dma_start3A_171 = tpu.memref_squeeze %dma_start3A_170 : memref<1x128xi32, #tpu.memory_space<vmem>> -> memref<128xi32, #tpu.memory_space<vmem>>
        %dma_start3A_172 = arith.constant 0 : i32
        %dma_start3A_173 = arith.constant 0 : i32
        %dma_start3A_174 = tpu.memref_slice %arg10[%dma_start3A_172, %dma_start3A_173] : memref<10112x128xf32, #tpu.memory_space<vmem_shared>> -> memref<10112x128xf32, #tpu.memory_space<vmem_shared>>
        tpu.enqueue_indirect_dma source(%arg8 : memref<128x128xf32, #tpu.memory_space<vmem>>) target(%dma_start3A_174 : memref<10112x128xf32, #tpu.memory_space<vmem_shared>>) offsets(%dma_start3A_171 : memref<128xi32, #tpu.memory_space<vmem>>) semaphore(%run_scoped3A : memref<!tpu.dma_semaphore, #tpu.memory_space<semaphore_mem>>) {add = true}
        %dma_wait3A_175 = arith.constant 0 : i32
        %dma_wait3A_176 = tpu.memref_slice %arg7[%add3A_145, %dma_wait3A_175] : memref<64x128xi32, #tpu.memory_space<vmem>> -> memref<1x128xi32, #tpu.memory_space<vmem>>
        %dma_wait3A_177 = tpu.memref_squeeze %dma_wait3A_176 : memref<1x128xi32, #tpu.memory_space<vmem>> -> memref<128xi32, #tpu.memory_space<vmem>>
        %dma_wait3A_178 = arith.constant 0 : i32
        %dma_wait3A_179 = arith.constant 0 : i32
        %dma_wait3A_180 = tpu.memref_slice %arg10[%dma_wait3A_178, %dma_wait3A_179] : memref<10112x128xf32, #tpu.memory_space<vmem_shared>> -> memref<10112x128xf32, #tpu.memory_space<vmem_shared>>
        tpu.wait_indirect_dma semaphore(%run_scoped3A : memref<!tpu.dma_semaphore, #tpu.memory_space<semaphore_mem>>) src(%arg8 : memref<128x128xf32, #tpu.memory_space<vmem>>) dst(%dma_wait3A_180 : memref<10112x128xf32, #tpu.memory_space<vmem_shared>>)
        tpu.yield
      }) : () -> ()
      %add3A_154 = arith.constant 1 : i32
      %add3A_155 = arith.addi %mul3A_143, %add3A_154 : i32
      %add3A_156 = arith.constant 1 : i32
      %add3A_157 = arith.addi %add3A_155, %add3A_156 : i32
      %lt3A_158 = arith.cmpi slt, %add3A_157, %select_n3A_40 : i32
      %convert_element_type3A_159 = arith.extui %lt3A_158 : i1 to i32
      %cond3A_160 = arith.constant 0 : i32
      %cond3A_161 = arith.cmpi ne, %convert_element_type3A_159, %cond3A_160 : i32
      scf.if %cond3A_161 {
        %add3A_169 = arith.constant 1 : i32
        %add3A_170 = arith.addi %add3A_155, %add3A_169 : i32
        %dma_start3A_171 = arith.constant 0 : i32
        %dma_start3A_172 = tpu.memref_slice %arg6[%add3A_170, %dma_start3A_171] : memref<64x128xi32, #tpu.memory_space<vmem>> -> memref<1x128xi32, #tpu.memory_space<vmem>>
        %dma_start3A_173 = tpu.memref_squeeze %dma_start3A_172 : memref<1x128xi32, #tpu.memory_space<vmem>> -> memref<128xi32, #tpu.memory_space<vmem>>
        %dma_start3A_174 = arith.constant 0 : i32
        %dma_start3A_175 = arith.constant 0 : i32
        %dma_start3A_176 = tpu.memref_slice %arg2[%dma_start3A_174, %dma_start3A_175] : memref<10112x128xf32, #tpu.memory_space<hbm>> -> memref<10112x128xf32, #tpu.memory_space<hbm>>
        tpu.enqueue_indirect_dma source(%dma_start3A_176 : memref<10112x128xf32, #tpu.memory_space<hbm>>) target(%arg8 : memref<128x128xf32, #tpu.memory_space<vmem>>) offsets(%dma_start3A_173 : memref<128xi32, #tpu.memory_space<vmem>>) semaphore(%arg11 : memref<!tpu.dma_semaphore, #tpu.memory_space<semaphore_mem>>)
      } else {
      }
      %dma_wait3A_162 = arith.constant 0 : i32
      %dma_wait3A_163 = tpu.memref_slice %arg6[%add3A_155, %dma_wait3A_162] : memref<64x128xi32, #tpu.memory_space<vmem>> -> memref<1x128xi32, #tpu.memory_space<vmem>>
      %dma_wait3A_164 = tpu.memref_squeeze %dma_wait3A_163 : memref<1x128xi32, #tpu.memory_space<vmem>> -> memref<128xi32, #tpu.memory_space<vmem>>
      %dma_wait3A_165 = arith.constant 0 : i32
      %dma_wait3A_166 = arith.constant 0 : i32
      %dma_wait3A_167 = tpu.memref_slice %arg2[%dma_wait3A_165, %dma_wait3A_166] : memref<10112x128xf32, #tpu.memory_space<hbm>> -> memref<10112x128xf32, #tpu.memory_space<hbm>>
      tpu.wait_indirect_dma semaphore(%arg12 : memref<!tpu.dma_semaphore, #tpu.memory_space<semaphore_mem>>) src(%dma_wait3A_167 : memref<10112x128xf32, #tpu.memory_space<hbm>>) dst(%arg9 : memref<128x128xf32, #tpu.memory_space<vmem>>)
      "tpu.region"() ({
        %run_scoped3A = tpu.sem_alloc : memref<!tpu.dma_semaphore, #tpu.memory_space<semaphore_mem>>
        %dma_start3A_169 = arith.constant 0 : i32
        %dma_start3A_170 = tpu.memref_slice %arg7[%add3A_155, %dma_start3A_169] : memref<64x128xi32, #tpu.memory_space<vmem>> -> memref<1x128xi32, #tpu.memory_space<vmem>>
        %dma_start3A_171 = tpu.memref_squeeze %dma_start3A_170 : memref<1x128xi32, #tpu.memory_space<vmem>> -> memref<128xi32, #tpu.memory_space<vmem>>
        %dma_start3A_172 = arith.constant 0 : i32
        %dma_start3A_173 = arith.constant 0 : i32
        %dma_start3A_174 = tpu.memref_slice %arg10[%dma_start3A_172, %dma_start3A_173] : memref<10112x128xf32, #tpu.memory_space<vmem_shared>> -> memref<10112x128xf32, #tpu.memory_space<vmem_shared>>
        tpu.enqueue_indirect_dma source(%arg9 : memref<128x128xf32, #tpu.memory_space<vmem>>) target(%dma_start3A_174 : memref<10112x128xf32, #tpu.memory_space<vmem_shared>>) offsets(%dma_start3A_171 : memref<128xi32, #tpu.memory_space<vmem>>) semaphore(%run_scoped3A : memref<!tpu.dma_semaphore, #tpu.memory_space<semaphore_mem>>) {add = true}
        %dma_wait3A_175 = arith.constant 0 : i32
        %dma_wait3A_176 = tpu.memref_slice %arg7[%add3A_155, %dma_wait3A_175] : memref<64x128xi32, #tpu.memory_space<vmem>> -> memref<1x128xi32, #tpu.memory_space<vmem>>
        %dma_wait3A_177 = tpu.memref_squeeze %dma_wait3A_176 : memref<1x128xi32, #tpu.memory_space<vmem>> -> memref<128xi32, #tpu.memory_space<vmem>>
        %dma_wait3A_178 = arith.constant 0 : i32
        %dma_wait3A_179 = arith.constant 0 : i32
        %dma_wait3A_180 = tpu.memref_slice %arg10[%dma_wait3A_178, %dma_wait3A_179] : memref<10112x128xf32, #tpu.memory_space<vmem_shared>> -> memref<10112x128xf32, #tpu.memory_space<vmem_shared>>
        tpu.wait_indirect_dma semaphore(%run_scoped3A : memref<!tpu.dma_semaphore, #tpu.memory_space<semaphore_mem>>) src(%arg9 : memref<128x128xf32, #tpu.memory_space<vmem>>) dst(%dma_wait3A_180 : memref<10112x128xf32, #tpu.memory_space<vmem_shared>>)
        tpu.yield
      }) : () -> ()
      %while3A_168 = arith.constant 0 : i32
      scf.yield %while3A_168 : i32
    }
    %while3A_83 = arith.constant 1 : i32
    %while3A_84 = scf.for %while3A_140 = %while3A_80 to %while3A_76 step %while3A_83 iter_args(%while3A_141 = %while3A_82) -> (i32)  : i32 {
      %mul3A_142 = arith.constant 2 : i32
      %mul3A_143 = arith.muli %while3A_140, %mul3A_142 : i32
      %add3A_144 = arith.constant 0 : i32
      %add3A_145 = arith.addi %mul3A_143, %add3A_144 : i32
      %add3A_146 = arith.constant 1 : i32
      %add3A_147 = arith.addi %add3A_145, %add3A_146 : i32
      %lt3A = arith.cmpi slt, %add3A_147, %select_n3A_40 : i32
      %convert_element_type3A = arith.extui %lt3A : i1 to i32
      %cond3A = arith.constant 0 : i32
      %cond3A_148 = arith.cmpi ne, %convert_element_type3A, %cond3A : i32
      scf.if %cond3A_148 {
        %add3A_169 = arith.constant 1 : i32
        %add3A_170 = arith.addi %add3A_145, %add3A_169 : i32
        %dma_start3A_171 = arith.constant 0 : i32
        %dma_start3A_172 = tpu.memref_slice %arg6[%add3A_170, %dma_start3A_171] : memref<64x128xi32, #tpu.memory_space<vmem>> -> memref<1x128xi32, #tpu.memory_space<vmem>>
        %dma_start3A_173 = tpu.memref_squeeze %dma_start3A_172 : memref<1x128xi32, #tpu.memory_space<vmem>> -> memref<128xi32, #tpu.memory_space<vmem>>
        %dma_start3A_174 = arith.constant 0 : i32
        %dma_start3A_175 = arith.constant 0 : i32
        %dma_start3A_176 = tpu.memref_slice %arg2[%dma_start3A_174, %dma_start3A_175] : memref<10112x128xf32, #tpu.memory_space<hbm>> -> memref<10112x128xf32, #tpu.memory_space<hbm>>
        tpu.enqueue_indirect_dma source(%dma_start3A_176 : memref<10112x128xf32, #tpu.memory_space<hbm>>) target(%arg9 : memref<128x128xf32, #tpu.memory_space<vmem>>) offsets(%dma_start3A_173 : memref<128xi32, #tpu.memory_space<vmem>>) semaphore(%arg12 : memref<!tpu.dma_semaphore, #tpu.memory_space<semaphore_mem>>)
      } else {
      }
      %dma_wait3A = arith.constant 0 : i32
      %dma_wait3A_149 = tpu.memref_slice %arg6[%add3A_145, %dma_wait3A] : memref<64x128xi32, #tpu.memory_space<vmem>> -> memref<1x128xi32, #tpu.memory_space<vmem>>
      %dma_wait3A_150 = tpu.memref_squeeze %dma_wait3A_149 : memref<1x128xi32, #tpu.memory_space<vmem>> -> memref<128xi32, #tpu.memory_space<vmem>>
      %dma_wait3A_151 = arith.constant 0 : i32
      %dma_wait3A_152 = arith.constant 0 : i32
      %dma_wait3A_153 = tpu.memref_slice %arg2[%dma_wait3A_151, %dma_wait3A_152] : memref<10112x128xf32, #tpu.memory_space<hbm>> -> memref<10112x128xf32, #tpu.memory_space<hbm>>
      tpu.wait_indirect_dma semaphore(%arg11 : memref<!tpu.dma_semaphore, #tpu.memory_space<semaphore_mem>>) src(%dma_wait3A_153 : memref<10112x128xf32, #tpu.memory_space<hbm>>) dst(%arg8 : memref<128x128xf32, #tpu.memory_space<vmem>>)
      "tpu.region"() ({
        %run_scoped3A = tpu.sem_alloc : memref<!tpu.dma_semaphore, #tpu.memory_space<semaphore_mem>>
        %dma_start3A_169 = arith.constant 0 : i32
        %dma_start3A_170 = tpu.memref_slice %arg7[%add3A_145, %dma_start3A_169] : memref<64x128xi32, #tpu.memory_space<vmem>> -> memref<1x128xi32, #tpu.memory_space<vmem>>
        %dma_start3A_171 = tpu.memref_squeeze %dma_start3A_170 : memref<1x128xi32, #tpu.memory_space<vmem>> -> memref<128xi32, #tpu.memory_space<vmem>>
        %dma_start3A_172 = arith.constant 0 : i32
        %dma_start3A_173 = arith.constant 0 : i32
        %dma_start3A_174 = tpu.memref_slice %arg10[%dma_start3A_172, %dma_start3A_173] : memref<10112x128xf32, #tpu.memory_space<vmem_shared>> -> memref<10112x128xf32, #tpu.memory_space<vmem_shared>>
        tpu.enqueue_indirect_dma source(%arg8 : memref<128x128xf32, #tpu.memory_space<vmem>>) target(%dma_start3A_174 : memref<10112x128xf32, #tpu.memory_space<vmem_shared>>) offsets(%dma_start3A_171 : memref<128xi32, #tpu.memory_space<vmem>>) semaphore(%run_scoped3A : memref<!tpu.dma_semaphore, #tpu.memory_space<semaphore_mem>>) {add = true}
        %dma_wait3A_175 = arith.constant 0 : i32
        %dma_wait3A_176 = tpu.memref_slice %arg7[%add3A_145, %dma_wait3A_175] : memref<64x128xi32, #tpu.memory_space<vmem>> -> memref<1x128xi32, #tpu.memory_space<vmem>>
        %dma_wait3A_177 = tpu.memref_squeeze %dma_wait3A_176 : memref<1x128xi32, #tpu.memory_space<vmem>> -> memref<128xi32, #tpu.memory_space<vmem>>
        %dma_wait3A_178 = arith.constant 0 : i32
        %dma_wait3A_179 = arith.constant 0 : i32
        %dma_wait3A_180 = tpu.memref_slice %arg10[%dma_wait3A_178, %dma_wait3A_179] : memref<10112x128xf32, #tpu.memory_space<vmem_shared>> -> memref<10112x128xf32, #tpu.memory_space<vmem_shared>>
        tpu.wait_indirect_dma semaphore(%run_scoped3A : memref<!tpu.dma_semaphore, #tpu.memory_space<semaphore_mem>>) src(%arg8 : memref<128x128xf32, #tpu.memory_space<vmem>>) dst(%dma_wait3A_180 : memref<10112x128xf32, #tpu.memory_space<vmem_shared>>)
        tpu.yield
      }) : () -> ()
      %add3A_154 = arith.constant 1 : i32
      %add3A_155 = arith.addi %mul3A_143, %add3A_154 : i32
      %add3A_156 = arith.constant 1 : i32
      %add3A_157 = arith.addi %add3A_155, %add3A_156 : i32
      %lt3A_158 = arith.cmpi slt, %add3A_157, %select_n3A_40 : i32
      %convert_element_type3A_159 = arith.extui %lt3A_158 : i1 to i32
      %cond3A_160 = arith.constant 0 : i32
      %cond3A_161 = arith.cmpi ne, %convert_element_type3A_159, %cond3A_160 : i32
      scf.if %cond3A_161 {
        %add3A_169 = arith.constant 1 : i32
        %add3A_170 = arith.addi %add3A_155, %add3A_169 : i32
        %dma_start3A_171 = arith.constant 0 : i32
        %dma_start3A_172 = tpu.memref_slice %arg6[%add3A_170, %dma_start3A_171] : memref<64x128xi32, #tpu.memory_space<vmem>> -> memref<1x128xi32, #tpu.memory_space<vmem>>
        %dma_start3A_173 = tpu.memref_squeeze %dma_start3A_172 : memref<1x128xi32, #tpu.memory_space<vmem>> -> memref<128xi32, #tpu.memory_space<vmem>>
        %dma_start3A_174 = arith.constant 0 : i32
        %dma_start3A_175 = arith.constant 0 : i32
        %dma_start3A_176 = tpu.memref_slice %arg2[%dma_start3A_174, %dma_start3A_175] : memref<10112x128xf32, #tpu.memory_space<hbm>> -> memref<10112x128xf32, #tpu.memory_space<hbm>>
        tpu.enqueue_indirect_dma source(%dma_start3A_176 : memref<10112x128xf32, #tpu.memory_space<hbm>>) target(%arg8 : memref<128x128xf32, #tpu.memory_space<vmem>>) offsets(%dma_start3A_173 : memref<128xi32, #tpu.memory_space<vmem>>) semaphore(%arg11 : memref<!tpu.dma_semaphore, #tpu.memory_space<semaphore_mem>>)
      } else {
      }
      %dma_wait3A_162 = arith.constant 0 : i32
      %dma_wait3A_163 = tpu.memref_slice %arg6[%add3A_155, %dma_wait3A_162] : memref<64x128xi32, #tpu.memory_space<vmem>> -> memref<1x128xi32, #tpu.memory_space<vmem>>
      %dma_wait3A_164 = tpu.memref_squeeze %dma_wait3A_163 : memref<1x128xi32, #tpu.memory_space<vmem>> -> memref<128xi32, #tpu.memory_space<vmem>>
      %dma_wait3A_165 = arith.constant 0 : i32
      %dma_wait3A_166 = arith.constant 0 : i32
      %dma_wait3A_167 = tpu.memref_slice %arg2[%dma_wait3A_165, %dma_wait3A_166] : memref<10112x128xf32, #tpu.memory_space<hbm>> -> memref<10112x128xf32, #tpu.memory_space<hbm>>
      tpu.wait_indirect_dma semaphore(%arg12 : memref<!tpu.dma_semaphore, #tpu.memory_space<semaphore_mem>>) src(%dma_wait3A_167 : memref<10112x128xf32, #tpu.memory_space<hbm>>) dst(%arg9 : memref<128x128xf32, #tpu.memory_space<vmem>>)
      "tpu.region"() ({
        %run_scoped3A = tpu.sem_alloc : memref<!tpu.dma_semaphore, #tpu.memory_space<semaphore_mem>>
        %dma_start3A_169 = arith.constant 0 : i32
        %dma_start3A_170 = tpu.memref_slice %arg7[%add3A_155, %dma_start3A_169] : memref<64x128xi32, #tpu.memory_space<vmem>> -> memref<1x128xi32, #tpu.memory_space<vmem>>
        %dma_start3A_171 = tpu.memref_squeeze %dma_start3A_170 : memref<1x128xi32, #tpu.memory_space<vmem>> -> memref<128xi32, #tpu.memory_space<vmem>>
        %dma_start3A_172 = arith.constant 0 : i32
        %dma_start3A_173 = arith.constant 0 : i32
        %dma_start3A_174 = tpu.memref_slice %arg10[%dma_start3A_172, %dma_start3A_173] : memref<10112x128xf32, #tpu.memory_space<vmem_shared>> -> memref<10112x128xf32, #tpu.memory_space<vmem_shared>>
        tpu.enqueue_indirect_dma source(%arg9 : memref<128x128xf32, #tpu.memory_space<vmem>>) target(%dma_start3A_174 : memref<10112x128xf32, #tpu.memory_space<vmem_shared>>) offsets(%dma_start3A_171 : memref<128xi32, #tpu.memory_space<vmem>>) semaphore(%run_scoped3A : memref<!tpu.dma_semaphore, #tpu.memory_space<semaphore_mem>>) {add = true}
        %dma_wait3A_175 = arith.constant 0 : i32
        %dma_wait3A_176 = tpu.memref_slice %arg7[%add3A_155, %dma_wait3A_175] : memref<64x128xi32, #tpu.memory_space<vmem>> -> memref<1x128xi32, #tpu.memory_space<vmem>>
        %dma_wait3A_177 = tpu.memref_squeeze %dma_wait3A_176 : memref<1x128xi32, #tpu.memory_space<vmem>> -> memref<128xi32, #tpu.memory_space<vmem>>
        %dma_wait3A_178 = arith.constant 0 : i32
        %dma_wait3A_179 = arith.constant 0 : i32
        %dma_wait3A_180 = tpu.memref_slice %arg10[%dma_wait3A_178, %dma_wait3A_179] : memref<10112x128xf32, #tpu.memory_space<vmem_shared>> -> memref<10112x128xf32, #tpu.memory_space<vmem_shared>>
        tpu.wait_indirect_dma semaphore(%run_scoped3A : memref<!tpu.dma_semaphore, #tpu.memory_space<semaphore_mem>>) src(%arg9 : memref<128x128xf32, #tpu.memory_space<vmem>>) dst(%dma_wait3A_180 : memref<10112x128xf32, #tpu.memory_space<vmem_shared>>)
        tpu.yield
      }) : () -> ()
      %while3A_168 = arith.constant 0 : i32
      scf.yield %while3A_168 : i32
    }
    %mul3A_85 = arith.constant 1 : i32
    %mul3A_86 = arith.muli %mul3A_85, %select_n3A_40 : i32
    %add3A_87 = arith.addi %select_n3A_8, %mul3A_86 : i32
    %multiple_of3A_88 = tpu.assume_multiple %add3A_87, 8 : i32
    "tpu.region"() ({
      %run_scoped3A = tpu.sem_alloc : memref<!tpu.dma_semaphore, #tpu.memory_space<semaphore_mem>>
      %dma_start3A_140 = arith.constant 0 : i32
      %dma_start3A_141 = tpu.memref_slice %arg3[%multiple_of3A_88, %dma_start3A_140] : memref<2624x128xi32, #tpu.memory_space<hbm>> -> memref<64x128xi32, #tpu.memory_space<hbm>>
      %dma_start3A_142 = arith.constant 0 : i32
      %dma_start3A_143 = tpu.memref_slice %arg3[%multiple_of3A_88, %dma_start3A_142] : memref<2624x128xi32, #tpu.memory_space<hbm>> -> memref<64x128xi32, #tpu.memory_space<hbm>>
      tpu.enqueue_dma source(%dma_start3A_143 : memref<64x128xi32, #tpu.memory_space<hbm>>) target(%arg6 : memref<64x128xi32, #tpu.memory_space<vmem>>) target_semaphore(%run_scoped3A : memref<!tpu.dma_semaphore, #tpu.memory_space<semaphore_mem>>)
      %dma_wait3A = arith.constant 0 : i32
      %dma_wait3A_144 = tpu.memref_slice %arg3[%multiple_of3A_88, %dma_wait3A] : memref<2624x128xi32, #tpu.memory_space<hbm>> -> memref<64x128xi32, #tpu.memory_space<hbm>>
      %dma_wait3A_145 = arith.constant 0 : i32
      %dma_wait3A_146 = tpu.memref_slice %arg3[%multiple_of3A_88, %dma_wait3A_145] : memref<2624x128xi32, #tpu.memory_space<hbm>> -> memref<64x128xi32, #tpu.memory_space<hbm>>
      tpu.wait_dma2 semaphore(%run_scoped3A : memref<!tpu.dma_semaphore, #tpu.memory_space<semaphore_mem>>) src(%dma_wait3A_146 : memref<64x128xi32, #tpu.memory_space<hbm>>) dst(%arg6 : memref<64x128xi32, #tpu.memory_space<vmem>>)
      tpu.yield
    }) : () -> ()
    "tpu.region"() ({
      %run_scoped3A = tpu.sem_alloc : memref<!tpu.dma_semaphore, #tpu.memory_space<semaphore_mem>>
      %dma_start3A_140 = arith.constant 0 : i32
      %dma_start3A_141 = tpu.memref_slice %arg4[%multiple_of3A_88, %dma_start3A_140] : memref<2624x128xi32, #tpu.memory_space<hbm>> -> memref<64x128xi32, #tpu.memory_space<hbm>>
      %dma_start3A_142 = arith.constant 0 : i32
      %dma_start3A_143 = tpu.memref_slice %arg4[%multiple_of3A_88, %dma_start3A_142] : memref<2624x128xi32, #tpu.memory_space<hbm>> -> memref<64x128xi32, #tpu.memory_space<hbm>>
      tpu.enqueue_dma source(%dma_start3A_143 : memref<64x128xi32, #tpu.memory_space<hbm>>) target(%arg7 : memref<64x128xi32, #tpu.memory_space<vmem>>) target_semaphore(%run_scoped3A : memref<!tpu.dma_semaphore, #tpu.memory_space<semaphore_mem>>)
      %dma_wait3A = arith.constant 0 : i32
      %dma_wait3A_144 = tpu.memref_slice %arg4[%multiple_of3A_88, %dma_wait3A] : memref<2624x128xi32, #tpu.memory_space<hbm>> -> memref<64x128xi32, #tpu.memory_space<hbm>>
      %dma_wait3A_145 = arith.constant 0 : i32
      %dma_wait3A_146 = tpu.memref_slice %arg4[%multiple_of3A_88, %dma_wait3A_145] : memref<2624x128xi32, #tpu.memory_space<hbm>> -> memref<64x128xi32, #tpu.memory_space<hbm>>
      tpu.wait_dma2 semaphore(%run_scoped3A : memref<!tpu.dma_semaphore, #tpu.memory_space<semaphore_mem>>) src(%dma_wait3A_146 : memref<64x128xi32, #tpu.memory_space<hbm>>) dst(%arg7 : memref<64x128xi32, #tpu.memory_space<vmem>>)
      tpu.yield
    }) : () -> ()
    %dma_start3A_89 = arith.constant 0 : i32
    %dma_start3A_90 = arith.constant 0 : i32
    %dma_start3A_91 = tpu.memref_slice %arg6[%dma_start3A_89, %dma_start3A_90] : memref<64x128xi32, #tpu.memory_space<vmem>> -> memref<1x128xi32, #tpu.memory_space<vmem>>
    %dma_start3A_92 = tpu.memref_squeeze %dma_start3A_91 : memref<1x128xi32, #tpu.memory_space<vmem>> -> memref<128xi32, #tpu.memory_space<vmem>>
    %dma_start3A_93 = arith.constant 0 : i32
    %dma_start3A_94 = arith.constant 0 : i32
    %dma_start3A_95 = tpu.memref_slice %arg2[%dma_start3A_93, %dma_start3A_94] : memref<10112x128xf32, #tpu.memory_space<hbm>> -> memref<10112x128xf32, #tpu.memory_space<hbm>>
    tpu.enqueue_indirect_dma source(%dma_start3A_95 : memref<10112x128xf32, #tpu.memory_space<hbm>>) target(%arg8 : memref<128x128xf32, #tpu.memory_space<vmem>>) offsets(%dma_start3A_92 : memref<128xi32, #tpu.memory_space<vmem>>) semaphore(%arg11 : memref<!tpu.dma_semaphore, #tpu.memory_space<semaphore_mem>>)
    %jit3A_96 = arith.constant 2 : i32
    %div3A_97 = arith.divsi %select_n3A_40, %jit3A_96 : i32
    %sign3A_98 = arith.constant 0 : i32
    %sign3A_99 = arith.cmpi sgt, %select_n3A_40, %sign3A_98 : i32
    %sign3A_100 = arith.extui %sign3A_99 : i1 to i32
    %sign3A_101 = arith.constant 0 : i32
    %sign3A_102 = arith.cmpi slt, %select_n3A_40, %sign3A_101 : i32
    %sign3A_103 = arith.extui %sign3A_102 : i1 to i32
    %sign3A_104 = arith.subi %sign3A_100, %sign3A_103 : i32
    %sign3A_105 = arith.constant 0 : i32
    %sign3A_106 = arith.cmpi sgt, %jit3A_96, %sign3A_105 : i32
    %sign3A_107 = arith.extui %sign3A_106 : i1 to i32
    %sign3A_108 = arith.constant 0 : i32
    %sign3A_109 = arith.cmpi slt, %jit3A_96, %sign3A_108 : i32
    %sign3A_110 = arith.extui %sign3A_109 : i1 to i32
    %sign3A_111 = arith.subi %sign3A_107, %sign3A_110 : i32
    %ne3A_112 = arith.cmpi ne, %sign3A_104, %sign3A_111 : i32
    %rem3A_113 = arith.remsi %select_n3A_40, %jit3A_96 : i32
    %ne3A_114 = arith.constant 0 : i32
    %ne3A_115 = arith.cmpi ne, %rem3A_113, %ne3A_114 : i32
    %and3A_116 = arith.andi %ne3A_112, %ne3A_115 : i1
    %sub3A_117 = arith.constant 1 : i32
    %sub3A_118 = arith.subi %div3A_97, %sub3A_117 : i32
    %select_n3A_119 = arith.select %and3A_116, %sub3A_118, %div3A_97 : i32
    %while3A_120 = arith.constant 0 : i32
    %while3A_121 = arith.constant 0 : i32
    %while3A_122 = arith.subi %select_n3A_119, %while3A_120 : i32
    %while3A_123 = arith.addi %while3A_120, %while3A_122 : i32
    %while3A_124 = arith.constant 1 : i32
    %while3A_125 = arith.divsi %while3A_122, %while3A_124 : i32
    %while3A_126 = arith.muli %while3A_125, %while3A_124 : i32
    %while3A_127 = arith.addi %while3A_120, %while3A_126 : i32
    %while3A_128 = arith.constant 1 : i32
    %while3A_129 = scf.for %while3A_140 = %while3A_120 to %while3A_127 step %while3A_128 iter_args(%while3A_141 = %while3A_121) -> (i32)  : i32 {
      %mul3A_142 = arith.constant 2 : i32
      %mul3A_143 = arith.muli %while3A_140, %mul3A_142 : i32
      %add3A_144 = arith.constant 0 : i32
      %add3A_145 = arith.addi %mul3A_143, %add3A_144 : i32
      %add3A_146 = arith.constant 1 : i32
      %add3A_147 = arith.addi %add3A_145, %add3A_146 : i32
      %lt3A = arith.cmpi slt, %add3A_147, %select_n3A_40 : i32
      %convert_element_type3A = arith.extui %lt3A : i1 to i32
      %cond3A = arith.constant 0 : i32
      %cond3A_148 = arith.cmpi ne, %convert_element_type3A, %cond3A : i32
      scf.if %cond3A_148 {
        %add3A_169 = arith.constant 1 : i32
        %add3A_170 = arith.addi %add3A_145, %add3A_169 : i32
        %dma_start3A_171 = arith.constant 0 : i32
        %dma_start3A_172 = tpu.memref_slice %arg6[%add3A_170, %dma_start3A_171] : memref<64x128xi32, #tpu.memory_space<vmem>> -> memref<1x128xi32, #tpu.memory_space<vmem>>
        %dma_start3A_173 = tpu.memref_squeeze %dma_start3A_172 : memref<1x128xi32, #tpu.memory_space<vmem>> -> memref<128xi32, #tpu.memory_space<vmem>>
        %dma_start3A_174 = arith.constant 0 : i32
        %dma_start3A_175 = arith.constant 0 : i32
        %dma_start3A_176 = tpu.memref_slice %arg2[%dma_start3A_174, %dma_start3A_175] : memref<10112x128xf32, #tpu.memory_space<hbm>> -> memref<10112x128xf32, #tpu.memory_space<hbm>>
        tpu.enqueue_indirect_dma source(%dma_start3A_176 : memref<10112x128xf32, #tpu.memory_space<hbm>>) target(%arg9 : memref<128x128xf32, #tpu.memory_space<vmem>>) offsets(%dma_start3A_173 : memref<128xi32, #tpu.memory_space<vmem>>) semaphore(%arg12 : memref<!tpu.dma_semaphore, #tpu.memory_space<semaphore_mem>>)
      } else {
      }
      %dma_wait3A = arith.constant 0 : i32
      %dma_wait3A_149 = tpu.memref_slice %arg6[%add3A_145, %dma_wait3A] : memref<64x128xi32, #tpu.memory_space<vmem>> -> memref<1x128xi32, #tpu.memory_space<vmem>>
      %dma_wait3A_150 = tpu.memref_squeeze %dma_wait3A_149 : memref<1x128xi32, #tpu.memory_space<vmem>> -> memref<128xi32, #tpu.memory_space<vmem>>
      %dma_wait3A_151 = arith.constant 0 : i32
      %dma_wait3A_152 = arith.constant 0 : i32
      %dma_wait3A_153 = tpu.memref_slice %arg2[%dma_wait3A_151, %dma_wait3A_152] : memref<10112x128xf32, #tpu.memory_space<hbm>> -> memref<10112x128xf32, #tpu.memory_space<hbm>>
      tpu.wait_indirect_dma semaphore(%arg11 : memref<!tpu.dma_semaphore, #tpu.memory_space<semaphore_mem>>) src(%dma_wait3A_153 : memref<10112x128xf32, #tpu.memory_space<hbm>>) dst(%arg8 : memref<128x128xf32, #tpu.memory_space<vmem>>)
      "tpu.region"() ({
        %run_scoped3A = tpu.sem_alloc : memref<!tpu.dma_semaphore, #tpu.memory_space<semaphore_mem>>
        %dma_start3A_169 = arith.constant 0 : i32
        %dma_start3A_170 = tpu.memref_slice %arg7[%add3A_145, %dma_start3A_169] : memref<64x128xi32, #tpu.memory_space<vmem>> -> memref<1x128xi32, #tpu.memory_space<vmem>>
        %dma_start3A_171 = tpu.memref_squeeze %dma_start3A_170 : memref<1x128xi32, #tpu.memory_space<vmem>> -> memref<128xi32, #tpu.memory_space<vmem>>
        %dma_start3A_172 = arith.constant 0 : i32
        %dma_start3A_173 = arith.constant 0 : i32
        %dma_start3A_174 = tpu.memref_slice %arg10[%dma_start3A_172, %dma_start3A_173] : memref<10112x128xf32, #tpu.memory_space<vmem_shared>> -> memref<10112x128xf32, #tpu.memory_space<vmem_shared>>
        tpu.enqueue_indirect_dma source(%arg8 : memref<128x128xf32, #tpu.memory_space<vmem>>) target(%dma_start3A_174 : memref<10112x128xf32, #tpu.memory_space<vmem_shared>>) offsets(%dma_start3A_171 : memref<128xi32, #tpu.memory_space<vmem>>) semaphore(%run_scoped3A : memref<!tpu.dma_semaphore, #tpu.memory_space<semaphore_mem>>) {add = true}
        %dma_wait3A_175 = arith.constant 0 : i32
        %dma_wait3A_176 = tpu.memref_slice %arg7[%add3A_145, %dma_wait3A_175] : memref<64x128xi32, #tpu.memory_space<vmem>> -> memref<1x128xi32, #tpu.memory_space<vmem>>
        %dma_wait3A_177 = tpu.memref_squeeze %dma_wait3A_176 : memref<1x128xi32, #tpu.memory_space<vmem>> -> memref<128xi32, #tpu.memory_space<vmem>>
        %dma_wait3A_178 = arith.constant 0 : i32
        %dma_wait3A_179 = arith.constant 0 : i32
        %dma_wait3A_180 = tpu.memref_slice %arg10[%dma_wait3A_178, %dma_wait3A_179] : memref<10112x128xf32, #tpu.memory_space<vmem_shared>> -> memref<10112x128xf32, #tpu.memory_space<vmem_shared>>
        tpu.wait_indirect_dma semaphore(%run_scoped3A : memref<!tpu.dma_semaphore, #tpu.memory_space<semaphore_mem>>) src(%arg8 : memref<128x128xf32, #tpu.memory_space<vmem>>) dst(%dma_wait3A_180 : memref<10112x128xf32, #tpu.memory_space<vmem_shared>>)
        tpu.yield
      }) : () -> ()
      %add3A_154 = arith.constant 1 : i32
      %add3A_155 = arith.addi %mul3A_143, %add3A_154 : i32
      %add3A_156 = arith.constant 1 : i32
      %add3A_157 = arith.addi %add3A_155, %add3A_156 : i32
      %lt3A_158 = arith.cmpi slt, %add3A_157, %select_n3A_40 : i32
      %convert_element_type3A_159 = arith.extui %lt3A_158 : i1 to i32
      %cond3A_160 = arith.constant 0 : i32
      %cond3A_161 = arith.cmpi ne, %convert_element_type3A_159, %cond3A_160 : i32
      scf.if %cond3A_161 {
        %add3A_169 = arith.constant 1 : i32
        %add3A_170 = arith.addi %add3A_155, %add3A_169 : i32
        %dma_start3A_171 = arith.constant 0 : i32
        %dma_start3A_172 = tpu.memref_slice %arg6[%add3A_170, %dma_start3A_171] : memref<64x128xi32, #tpu.memory_space<vmem>> -> memref<1x128xi32, #tpu.memory_space<vmem>>
        %dma_start3A_173 = tpu.memref_squeeze %dma_start3A_172 : memref<1x128xi32, #tpu.memory_space<vmem>> -> memref<128xi32, #tpu.memory_space<vmem>>
        %dma_start3A_174 = arith.constant 0 : i32
        %dma_start3A_175 = arith.constant 0 : i32
        %dma_start3A_176 = tpu.memref_slice %arg2[%dma_start3A_174, %dma_start3A_175] : memref<10112x128xf32, #tpu.memory_space<hbm>> -> memref<10112x128xf32, #tpu.memory_space<hbm>>
        tpu.enqueue_indirect_dma source(%dma_start3A_176 : memref<10112x128xf32, #tpu.memory_space<hbm>>) target(%arg8 : memref<128x128xf32, #tpu.memory_space<vmem>>) offsets(%dma_start3A_173 : memref<128xi32, #tpu.memory_space<vmem>>) semaphore(%arg11 : memref<!tpu.dma_semaphore, #tpu.memory_space<semaphore_mem>>)
      } else {
      }
      %dma_wait3A_162 = arith.constant 0 : i32
      %dma_wait3A_163 = tpu.memref_slice %arg6[%add3A_155, %dma_wait3A_162] : memref<64x128xi32, #tpu.memory_space<vmem>> -> memref<1x128xi32, #tpu.memory_space<vmem>>
      %dma_wait3A_164 = tpu.memref_squeeze %dma_wait3A_163 : memref<1x128xi32, #tpu.memory_space<vmem>> -> memref<128xi32, #tpu.memory_space<vmem>>
      %dma_wait3A_165 = arith.constant 0 : i32
      %dma_wait3A_166 = arith.constant 0 : i32
      %dma_wait3A_167 = tpu.memref_slice %arg2[%dma_wait3A_165, %dma_wait3A_166] : memref<10112x128xf32, #tpu.memory_space<hbm>> -> memref<10112x128xf32, #tpu.memory_space<hbm>>
      tpu.wait_indirect_dma semaphore(%arg12 : memref<!tpu.dma_semaphore, #tpu.memory_space<semaphore_mem>>) src(%dma_wait3A_167 : memref<10112x128xf32, #tpu.memory_space<hbm>>) dst(%arg9 : memref<128x128xf32, #tpu.memory_space<vmem>>)
      "tpu.region"() ({
        %run_scoped3A = tpu.sem_alloc : memref<!tpu.dma_semaphore, #tpu.memory_space<semaphore_mem>>
        %dma_start3A_169 = arith.constant 0 : i32
        %dma_start3A_170 = tpu.memref_slice %arg7[%add3A_155, %dma_start3A_169] : memref<64x128xi32, #tpu.memory_space<vmem>> -> memref<1x128xi32, #tpu.memory_space<vmem>>
        %dma_start3A_171 = tpu.memref_squeeze %dma_start3A_170 : memref<1x128xi32, #tpu.memory_space<vmem>> -> memref<128xi32, #tpu.memory_space<vmem>>
        %dma_start3A_172 = arith.constant 0 : i32
        %dma_start3A_173 = arith.constant 0 : i32
        %dma_start3A_174 = tpu.memref_slice %arg10[%dma_start3A_172, %dma_start3A_173] : memref<10112x128xf32, #tpu.memory_space<vmem_shared>> -> memref<10112x128xf32, #tpu.memory_space<vmem_shared>>
        tpu.enqueue_indirect_dma source(%arg9 : memref<128x128xf32, #tpu.memory_space<vmem>>) target(%dma_start3A_174 : memref<10112x128xf32, #tpu.memory_space<vmem_shared>>) offsets(%dma_start3A_171 : memref<128xi32, #tpu.memory_space<vmem>>) semaphore(%run_scoped3A : memref<!tpu.dma_semaphore, #tpu.memory_space<semaphore_mem>>) {add = true}
        %dma_wait3A_175 = arith.constant 0 : i32
        %dma_wait3A_176 = tpu.memref_slice %arg7[%add3A_155, %dma_wait3A_175] : memref<64x128xi32, #tpu.memory_space<vmem>> -> memref<1x128xi32, #tpu.memory_space<vmem>>
        %dma_wait3A_177 = tpu.memref_squeeze %dma_wait3A_176 : memref<1x128xi32, #tpu.memory_space<vmem>> -> memref<128xi32, #tpu.memory_space<vmem>>
        %dma_wait3A_178 = arith.constant 0 : i32
        %dma_wait3A_179 = arith.constant 0 : i32
        %dma_wait3A_180 = tpu.memref_slice %arg10[%dma_wait3A_178, %dma_wait3A_179] : memref<10112x128xf32, #tpu.memory_space<vmem_shared>> -> memref<10112x128xf32, #tpu.memory_space<vmem_shared>>
        tpu.wait_indirect_dma semaphore(%run_scoped3A : memref<!tpu.dma_semaphore, #tpu.memory_space<semaphore_mem>>) src(%arg9 : memref<128x128xf32, #tpu.memory_space<vmem>>) dst(%dma_wait3A_180 : memref<10112x128xf32, #tpu.memory_space<vmem_shared>>)
        tpu.yield
      }) : () -> ()
      %while3A_168 = arith.constant 0 : i32
      scf.yield %while3A_168 : i32
    }
    %while3A_130 = arith.constant 1 : i32
    %while3A_131 = scf.for %while3A_140 = %while3A_127 to %while3A_123 step %while3A_130 iter_args(%while3A_141 = %while3A_129) -> (i32)  : i32 {
      %mul3A_142 = arith.constant 2 : i32
      %mul3A_143 = arith.muli %while3A_140, %mul3A_142 : i32
      %add3A_144 = arith.constant 0 : i32
      %add3A_145 = arith.addi %mul3A_143, %add3A_144 : i32
      %add3A_146 = arith.constant 1 : i32
      %add3A_147 = arith.addi %add3A_145, %add3A_146 : i32
      %lt3A = arith.cmpi slt, %add3A_147, %select_n3A_40 : i32
      %convert_element_type3A = arith.extui %lt3A : i1 to i32
      %cond3A = arith.constant 0 : i32
      %cond3A_148 = arith.cmpi ne, %convert_element_type3A, %cond3A : i32
      scf.if %cond3A_148 {
        %add3A_169 = arith.constant 1 : i32
        %add3A_170 = arith.addi %add3A_145, %add3A_169 : i32
        %dma_start3A_171 = arith.constant 0 : i32
        %dma_start3A_172 = tpu.memref_slice %arg6[%add3A_170, %dma_start3A_171] : memref<64x128xi32, #tpu.memory_space<vmem>> -> memref<1x128xi32, #tpu.memory_space<vmem>>
        %dma_start3A_173 = tpu.memref_squeeze %dma_start3A_172 : memref<1x128xi32, #tpu.memory_space<vmem>> -> memref<128xi32, #tpu.memory_space<vmem>>
        %dma_start3A_174 = arith.constant 0 : i32
        %dma_start3A_175 = arith.constant 0 : i32
        %dma_start3A_176 = tpu.memref_slice %arg2[%dma_start3A_174, %dma_start3A_175] : memref<10112x128xf32, #tpu.memory_space<hbm>> -> memref<10112x128xf32, #tpu.memory_space<hbm>>
        tpu.enqueue_indirect_dma source(%dma_start3A_176 : memref<10112x128xf32, #tpu.memory_space<hbm>>) target(%arg9 : memref<128x128xf32, #tpu.memory_space<vmem>>) offsets(%dma_start3A_173 : memref<128xi32, #tpu.memory_space<vmem>>) semaphore(%arg12 : memref<!tpu.dma_semaphore, #tpu.memory_space<semaphore_mem>>)
      } else {
      }
      %dma_wait3A = arith.constant 0 : i32
      %dma_wait3A_149 = tpu.memref_slice %arg6[%add3A_145, %dma_wait3A] : memref<64x128xi32, #tpu.memory_space<vmem>> -> memref<1x128xi32, #tpu.memory_space<vmem>>
      %dma_wait3A_150 = tpu.memref_squeeze %dma_wait3A_149 : memref<1x128xi32, #tpu.memory_space<vmem>> -> memref<128xi32, #tpu.memory_space<vmem>>
      %dma_wait3A_151 = arith.constant 0 : i32
      %dma_wait3A_152 = arith.constant 0 : i32
      %dma_wait3A_153 = tpu.memref_slice %arg2[%dma_wait3A_151, %dma_wait3A_152] : memref<10112x128xf32, #tpu.memory_space<hbm>> -> memref<10112x128xf32, #tpu.memory_space<hbm>>
      tpu.wait_indirect_dma semaphore(%arg11 : memref<!tpu.dma_semaphore, #tpu.memory_space<semaphore_mem>>) src(%dma_wait3A_153 : memref<10112x128xf32, #tpu.memory_space<hbm>>) dst(%arg8 : memref<128x128xf32, #tpu.memory_space<vmem>>)
      "tpu.region"() ({
        %run_scoped3A = tpu.sem_alloc : memref<!tpu.dma_semaphore, #tpu.memory_space<semaphore_mem>>
        %dma_start3A_169 = arith.constant 0 : i32
        %dma_start3A_170 = tpu.memref_slice %arg7[%add3A_145, %dma_start3A_169] : memref<64x128xi32, #tpu.memory_space<vmem>> -> memref<1x128xi32, #tpu.memory_space<vmem>>
        %dma_start3A_171 = tpu.memref_squeeze %dma_start3A_170 : memref<1x128xi32, #tpu.memory_space<vmem>> -> memref<128xi32, #tpu.memory_space<vmem>>
        %dma_start3A_172 = arith.constant 0 : i32
        %dma_start3A_173 = arith.constant 0 : i32
        %dma_start3A_174 = tpu.memref_slice %arg10[%dma_start3A_172, %dma_start3A_173] : memref<10112x128xf32, #tpu.memory_space<vmem_shared>> -> memref<10112x128xf32, #tpu.memory_space<vmem_shared>>
        tpu.enqueue_indirect_dma source(%arg8 : memref<128x128xf32, #tpu.memory_space<vmem>>) target(%dma_start3A_174 : memref<10112x128xf32, #tpu.memory_space<vmem_shared>>) offsets(%dma_start3A_171 : memref<128xi32, #tpu.memory_space<vmem>>) semaphore(%run_scoped3A : memref<!tpu.dma_semaphore, #tpu.memory_space<semaphore_mem>>) {add = true}
        %dma_wait3A_175 = arith.constant 0 : i32
        %dma_wait3A_176 = tpu.memref_slice %arg7[%add3A_145, %dma_wait3A_175] : memref<64x128xi32, #tpu.memory_space<vmem>> -> memref<1x128xi32, #tpu.memory_space<vmem>>
        %dma_wait3A_177 = tpu.memref_squeeze %dma_wait3A_176 : memref<1x128xi32, #tpu.memory_space<vmem>> -> memref<128xi32, #tpu.memory_space<vmem>>
        %dma_wait3A_178 = arith.constant 0 : i32
        %dma_wait3A_179 = arith.constant 0 : i32
        %dma_wait3A_180 = tpu.memref_slice %arg10[%dma_wait3A_178, %dma_wait3A_179] : memref<10112x128xf32, #tpu.memory_space<vmem_shared>> -> memref<10112x128xf32, #tpu.memory_space<vmem_shared>>
        tpu.wait_indirect_dma semaphore(%run_scoped3A : memref<!tpu.dma_semaphore, #tpu.memory_space<semaphore_mem>>) src(%arg8 : memref<128x128xf32, #tpu.memory_space<vmem>>) dst(%dma_wait3A_180 : memref<10112x128xf32, #tpu.memory_space<vmem_shared>>)
        tpu.yield
      }) : () -> ()
      %add3A_154 = arith.constant 1 : i32
      %add3A_155 = arith.addi %mul3A_143, %add3A_154 : i32
      %add3A_156 = arith.constant 1 : i32
      %add3A_157 = arith.addi %add3A_155, %add3A_156 : i32
      %lt3A_158 = arith.cmpi slt, %add3A_157, %select_n3A_40 : i32
      %convert_element_type3A_159 = arith.extui %lt3A_158 : i1 to i32
      %cond3A_160 = arith.constant 0 : i32
      %cond3A_161 = arith.cmpi ne, %convert_element_type3A_159, %cond3A_160 : i32
      scf.if %cond3A_161 {
        %add3A_169 = arith.constant 1 : i32
        %add3A_170 = arith.addi %add3A_155, %add3A_169 : i32
        %dma_start3A_171 = arith.constant 0 : i32
        %dma_start3A_172 = tpu.memref_slice %arg6[%add3A_170, %dma_start3A_171] : memref<64x128xi32, #tpu.memory_space<vmem>> -> memref<1x128xi32, #tpu.memory_space<vmem>>
        %dma_start3A_173 = tpu.memref_squeeze %dma_start3A_172 : memref<1x128xi32, #tpu.memory_space<vmem>> -> memref<128xi32, #tpu.memory_space<vmem>>
        %dma_start3A_174 = arith.constant 0 : i32
        %dma_start3A_175 = arith.constant 0 : i32
        %dma_start3A_176 = tpu.memref_slice %arg2[%dma_start3A_174, %dma_start3A_175] : memref<10112x128xf32, #tpu.memory_space<hbm>> -> memref<10112x128xf32, #tpu.memory_space<hbm>>
        tpu.enqueue_indirect_dma source(%dma_start3A_176 : memref<10112x128xf32, #tpu.memory_space<hbm>>) target(%arg8 : memref<128x128xf32, #tpu.memory_space<vmem>>) offsets(%dma_start3A_173 : memref<128xi32, #tpu.memory_space<vmem>>) semaphore(%arg11 : memref<!tpu.dma_semaphore, #tpu.memory_space<semaphore_mem>>)
      } else {
      }
      %dma_wait3A_162 = arith.constant 0 : i32
      %dma_wait3A_163 = tpu.memref_slice %arg6[%add3A_155, %dma_wait3A_162] : memref<64x128xi32, #tpu.memory_space<vmem>> -> memref<1x128xi32, #tpu.memory_space<vmem>>
      %dma_wait3A_164 = tpu.memref_squeeze %dma_wait3A_163 : memref<1x128xi32, #tpu.memory_space<vmem>> -> memref<128xi32, #tpu.memory_space<vmem>>
      %dma_wait3A_165 = arith.constant 0 : i32
      %dma_wait3A_166 = arith.constant 0 : i32
      %dma_wait3A_167 = tpu.memref_slice %arg2[%dma_wait3A_165, %dma_wait3A_166] : memref<10112x128xf32, #tpu.memory_space<hbm>> -> memref<10112x128xf32, #tpu.memory_space<hbm>>
      tpu.wait_indirect_dma semaphore(%arg12 : memref<!tpu.dma_semaphore, #tpu.memory_space<semaphore_mem>>) src(%dma_wait3A_167 : memref<10112x128xf32, #tpu.memory_space<hbm>>) dst(%arg9 : memref<128x128xf32, #tpu.memory_space<vmem>>)
      "tpu.region"() ({
        %run_scoped3A = tpu.sem_alloc : memref<!tpu.dma_semaphore, #tpu.memory_space<semaphore_mem>>
        %dma_start3A_169 = arith.constant 0 : i32
        %dma_start3A_170 = tpu.memref_slice %arg7[%add3A_155, %dma_start3A_169] : memref<64x128xi32, #tpu.memory_space<vmem>> -> memref<1x128xi32, #tpu.memory_space<vmem>>
        %dma_start3A_171 = tpu.memref_squeeze %dma_start3A_170 : memref<1x128xi32, #tpu.memory_space<vmem>> -> memref<128xi32, #tpu.memory_space<vmem>>
        %dma_start3A_172 = arith.constant 0 : i32
        %dma_start3A_173 = arith.constant 0 : i32
        %dma_start3A_174 = tpu.memref_slice %arg10[%dma_start3A_172, %dma_start3A_173] : memref<10112x128xf32, #tpu.memory_space<vmem_shared>> -> memref<10112x128xf32, #tpu.memory_space<vmem_shared>>
        tpu.enqueue_indirect_dma source(%arg9 : memref<128x128xf32, #tpu.memory_space<vmem>>) target(%dma_start3A_174 : memref<10112x128xf32, #tpu.memory_space<vmem_shared>>) offsets(%dma_start3A_171 : memref<128xi32, #tpu.memory_space<vmem>>) semaphore(%run_scoped3A : memref<!tpu.dma_semaphore, #tpu.memory_space<semaphore_mem>>) {add = true}
        %dma_wait3A_175 = arith.constant 0 : i32
        %dma_wait3A_176 = tpu.memref_slice %arg7[%add3A_155, %dma_wait3A_175] : memref<64x128xi32, #tpu.memory_space<vmem>> -> memref<1x128xi32, #tpu.memory_space<vmem>>
        %dma_wait3A_177 = tpu.memref_squeeze %dma_wait3A_176 : memref<1x128xi32, #tpu.memory_space<vmem>> -> memref<128xi32, #tpu.memory_space<vmem>>
        %dma_wait3A_178 = arith.constant 0 : i32
        %dma_wait3A_179 = arith.constant 0 : i32
        %dma_wait3A_180 = tpu.memref_slice %arg10[%dma_wait3A_178, %dma_wait3A_179] : memref<10112x128xf32, #tpu.memory_space<vmem_shared>> -> memref<10112x128xf32, #tpu.memory_space<vmem_shared>>
        tpu.wait_indirect_dma semaphore(%run_scoped3A : memref<!tpu.dma_semaphore, #tpu.memory_space<semaphore_mem>>) src(%arg9 : memref<128x128xf32, #tpu.memory_space<vmem>>) dst(%dma_wait3A_180 : memref<10112x128xf32, #tpu.memory_space<vmem_shared>>)
        tpu.yield
      }) : () -> ()
      %while3A_168 = arith.constant 0 : i32
      scf.yield %while3A_168 : i32
    }
    %barrier3A_132 = arith.constant 0 : index
    tpu.barrier barrier_id(%barrier3A_132)
    %scan3A_133 = arith.constant 0 : i32
    %scan3A_134 = arith.constant 0 : i32
    %scan3A_135 = arith.constant 5 : i32
    %scan3A_136 = arith.addi %scan3A_134, %scan3A_135 : i32
    %scan3A_137 = arith.constant 1 : i32
    %scan3A_138 = scf.for %scan3A_140 = %scan3A_134 to %scan3A_136 step %scan3A_137 iter_args(%scan3A_141 = %scan3A_133) -> (i32)  : i32 {
      %mul3A_142 = arith.constant 16 : i32
      %mul3A_143 = arith.muli %scan3A_140, %mul3A_142 : i32
      %add3A_144 = arith.addi %arg1, %mul3A_143 : i32
      %lt3A = arith.constant 79 : i32
      %lt3A_145 = arith.cmpi slt, %add3A_144, %lt3A : i32
      %convert_element_type3A = arith.extui %lt3A_145 : i1 to i32
      %cond3A = arith.constant 0 : i32
      %cond3A_146 = arith.cmpi ne, %convert_element_type3A, %cond3A : i32
      scf.if %cond3A_146 {
        %mul3A_148 = arith.constant 128 : i32
        %mul3A_149 = arith.muli %add3A_144, %mul3A_148 : i32
        "tpu.region"() ({
          %run_scoped3A = tpu.sem_alloc : memref<!tpu.dma_semaphore, #tpu.memory_space<semaphore_mem>>
          %dma_start3A_152 = arith.constant 0 : i32
          %dma_start3A_153 = tpu.memref_slice %arg10[%mul3A_149, %dma_start3A_152] : memref<10112x128xf32, #tpu.memory_space<vmem_shared>> -> memref<128x128xf32, #tpu.memory_space<vmem_shared>>
          %dma_start3A_154 = arith.constant 0 : i32
          %dma_start3A_155 = tpu.memref_slice %arg10[%mul3A_149, %dma_start3A_154] : memref<10112x128xf32, #tpu.memory_space<vmem_shared>> -> memref<128x128xf32, #tpu.memory_space<vmem_shared>>
          tpu.enqueue_dma source(%dma_start3A_155 : memref<128x128xf32, #tpu.memory_space<vmem_shared>>) target(%arg8 : memref<128x128xf32, #tpu.memory_space<vmem>>) target_semaphore(%run_scoped3A : memref<!tpu.dma_semaphore, #tpu.memory_space<semaphore_mem>>)
          %dma_wait3A = arith.constant 0 : i32
          %dma_wait3A_156 = tpu.memref_slice %arg10[%mul3A_149, %dma_wait3A] : memref<10112x128xf32, #tpu.memory_space<vmem_shared>> -> memref<128x128xf32, #tpu.memory_space<vmem_shared>>
          %dma_wait3A_157 = arith.constant 0 : i32
          %dma_wait3A_158 = tpu.memref_slice %arg10[%mul3A_149, %dma_wait3A_157] : memref<10112x128xf32, #tpu.memory_space<vmem_shared>> -> memref<128x128xf32, #tpu.memory_space<vmem_shared>>
          tpu.wait_dma2 semaphore(%run_scoped3A : memref<!tpu.dma_semaphore, #tpu.memory_space<semaphore_mem>>) src(%dma_wait3A_158 : memref<128x128xf32, #tpu.memory_space<vmem_shared>>) dst(%arg8 : memref<128x128xf32, #tpu.memory_space<vmem>>)
          tpu.yield
        }) : () -> ()
        %mul3A_150 = arith.constant 128 : i32
        %mul3A_151 = arith.muli %add3A_144, %mul3A_150 : i32
        "tpu.region"() ({
          %run_scoped3A = tpu.sem_alloc : memref<!tpu.dma_semaphore, #tpu.memory_space<semaphore_mem>>
          %dma_start3A_152 = arith.constant 0 : i32
          %dma_start3A_153 = tpu.memref_slice %arg5[%arg0, %mul3A_151, %dma_start3A_152] : memref<2x10112x128xf32, #tpu.memory_space<hbm>> -> memref<1x128x128xf32, #tpu.memory_space<hbm>>
          %dma_start3A_154 = tpu.memref_squeeze %dma_start3A_153 : memref<1x128x128xf32, #tpu.memory_space<hbm>> -> memref<128x128xf32, #tpu.memory_space<hbm>>
          %dma_start3A_155 = arith.constant 0 : i32
          %dma_start3A_156 = tpu.memref_slice %arg5[%arg0, %mul3A_151, %dma_start3A_155] : memref<2x10112x128xf32, #tpu.memory_space<hbm>> -> memref<1x128x128xf32, #tpu.memory_space<hbm>>
          %dma_start3A_157 = tpu.memref_squeeze %dma_start3A_156 : memref<1x128x128xf32, #tpu.memory_space<hbm>> -> memref<128x128xf32, #tpu.memory_space<hbm>>
          tpu.enqueue_dma source(%arg8 : memref<128x128xf32, #tpu.memory_space<vmem>>) target(%dma_start3A_157 : memref<128x128xf32, #tpu.memory_space<hbm>>) target_semaphore(%run_scoped3A : memref<!tpu.dma_semaphore, #tpu.memory_space<semaphore_mem>>)
          %dma_wait3A = arith.constant 0 : i32
          %dma_wait3A_158 = tpu.memref_slice %arg5[%arg0, %mul3A_151, %dma_wait3A] : memref<2x10112x128xf32, #tpu.memory_space<hbm>> -> memref<1x128x128xf32, #tpu.memory_space<hbm>>
          %dma_wait3A_159 = tpu.memref_squeeze %dma_wait3A_158 : memref<1x128x128xf32, #tpu.memory_space<hbm>> -> memref<128x128xf32, #tpu.memory_space<hbm>>
          %dma_wait3A_160 = arith.constant 0 : i32
          %dma_wait3A_161 = tpu.memref_slice %arg5[%arg0, %mul3A_151, %dma_wait3A_160] : memref<2x10112x128xf32, #tpu.memory_space<hbm>> -> memref<1x128x128xf32, #tpu.memory_space<hbm>>
          %dma_wait3A_162 = tpu.memref_squeeze %dma_wait3A_161 : memref<1x128x128xf32, #tpu.memory_space<hbm>> -> memref<128x128xf32, #tpu.memory_space<hbm>>
          tpu.wait_dma2 semaphore(%run_scoped3A : memref<!tpu.dma_semaphore, #tpu.memory_space<semaphore_mem>>) src(%arg8 : memref<128x128xf32, #tpu.memory_space<vmem>>) dst(%dma_wait3A_162 : memref<128x128xf32, #tpu.memory_space<hbm>>)
          tpu.yield
        }) : () -> ()
      } else {
      }
      %scan3A_147 = arith.constant 0 : i32
      scf.yield %scan3A_147 : i32
    }
    %scan3A_139 = arith.constant 5 : i32
    return
  }
}

#map = affine_map<(d0, d1) -> (0, 0)>
#map1 = affine_map<(d0, d1) -> (0, 0, 0)>
module attributes {stable_mosaic.version = 14 : i64} {
  func.func @agg_kernel(%arg0: i32, %arg1: i32, %arg2: memref<10112x128xf32, #tpu.memory_space<hbm>>, %arg3: memref<2624x128xi32, #tpu.memory_space<hbm>>, %arg4: memref<2624x128xi32, #tpu.memory_space<hbm>>, %arg5: memref<2x10112x128xf32, #tpu.memory_space<hbm>>, %arg6: memref<64x128xi32, #tpu.memory_space<vmem>>, %arg7: memref<64x128xi32, #tpu.memory_space<vmem>>, %arg8: memref<128x128xf32, #tpu.memory_space<vmem>>, %arg9: memref<128x128xf32, #tpu.memory_space<vmem>>, %arg10: memref<10112x128xf32, #tpu.memory_space<vmem_shared>>, %arg11: memref<!tpu.dma_semaphore, #tpu.memory_space<semaphore_mem>>, %arg12: memref<!tpu.dma_semaphore, #tpu.memory_space<semaphore_mem>>) attributes {dimension_semantics = [#tpu.dimension_semantics<core_parallel>, #tpu.dimension_semantics<subcore_parallel>], iteration_bounds = array<i64: 2, 16>, scalar_prefetch = 0 : i64, scratch_operands = 7 : i64, tpu.core_type = #tpu.core_type<sc_vector_subcore>, window_params = [{transform_indices = #map}, {transform_indices = #map}, {transform_indices = #map}, {transform_indices = #map1}]} {
    %eq3A = arith.constant 0 : i32
    %eq3A_0 = arith.cmpi eq, %arg0, %eq3A : i32
    %jit3A = arith.constant 128 : i32
    %jit3A_1 = arith.constant 32 : i32
    %select_n3A = arith.select %eq3A_0, %jit3A, %jit3A_1 : i32
    %eq3A_2 = arith.constant 0 : i32
    %eq3A_3 = arith.cmpi eq, %arg0, %eq3A_2 : i32
    %mul3A = arith.constant 128 : i32
    %mul3A_4 = arith.muli %arg1, %mul3A : i32
    %mul3A_5 = arith.constant 32 : i32
    %mul3A_6 = arith.muli %arg1, %mul3A_5 : i32
    %add3A = arith.constant 2048 : i32
    %add3A_7 = arith.addi %add3A, %mul3A_6 : i32
    %select_n3A_8 = arith.select %eq3A_3, %mul3A_4, %add3A_7 : i32
    %broadcast_in_dim3A = arith.constant 0.000000e+00 : f32
    %broadcast_in_dim3A_9 = vector.broadcast %broadcast_in_dim3A : f32 to vector<16xf32>
    %scan3A = arith.constant 0 : i32
    %scan3A_10 = arith.constant 0 : i32
    %scan3A_11 = arith.constant 128 : i32
    %scan3A_12 = arith.addi %scan3A_10, %scan3A_11 : i32
    %scan3A_13 = arith.constant 1 : i32
    %scan3A_14 = scf.for %scan3A_140 = %scan3A_10 to %scan3A_12 step %scan3A_13 iter_args(%scan3A_141 = %scan3A) -> (i32)  : i32 {
      %swap3A = arith.index_cast %scan3A_140 : i32 to index
      %swap3A_142 = arith.constant 0 : index
      %swap3A_143 = tpu.vector_load %arg8[%swap3A, %swap3A_142] {strides = array<i32>} : memref<128x128xf32, #tpu.memory_space<vmem>>, vector<1x16xf32>,
      %swap3A_144 = vector.shape_cast %swap3A_143 : vector<1x16xf32> to vector<16xf32>
      %swap3A_145 = vector.shape_cast %broadcast_in_dim3A_9 : vector<16xf32> to vector<1x16xf32>
      tpu.vector_store %arg8[%swap3A, %swap3A_142], %swap3A_145 {strides = array<i32>} : memref<128x128xf32, #tpu.memory_space<vmem>>, vector<1x16xf32>,
      %swap3A_146 = arith.index_cast %scan3A_140 : i32 to index
      %swap3A_147 = arith.constant 16 : index
      %swap3A_148 = tpu.vector_load %arg8[%swap3A_146, %swap3A_147] {strides = array<i32>} : memref<128x128xf32, #tpu.memory_space<vmem>>, vector<1x16xf32>,
      %swap3A_149 = vector.shape_cast %swap3A_148 : vector<1x16xf32> to vector<16xf32>
      %swap3A_150 = vector.shape_cast %broadcast_in_dim3A_9 : vector<16xf32> to vector<1x16xf32>
      tpu.vector_store %arg8[%swap3A_146, %swap3A_147], %swap3A_150 {strides = array<i32>} : memref<128x128xf32, #tpu.memory_space<vmem>>, vector<1x16xf32>,
      %swap3A_151 = arith.index_cast %scan3A_140 : i32 to index
      %swap3A_152 = arith.constant 32 : index
      %swap3A_153 = tpu.vector_load %arg8[%swap3A_151, %swap3A_152] {strides = array<i32>} : memref<128x128xf32, #tpu.memory_space<vmem>>, vector<1x16xf32>,
      %swap3A_154 = vector.shape_cast %swap3A_153 : vector<1x16xf32> to vector<16xf32>
      %swap3A_155 = vector.shape_cast %broadcast_in_dim3A_9 : vector<16xf32> to vector<1x16xf32>
      tpu.vector_store %arg8[%swap3A_151, %swap3A_152], %swap3A_155 {strides = array<i32>} : memref<128x128xf32, #tpu.memory_space<vmem>>, vector<1x16xf32>,
      %swap3A_156 = arith.index_cast %scan3A_140 : i32 to index
      %swap3A_157 = arith.constant 48 : index
      %swap3A_158 = tpu.vector_load %arg8[%swap3A_156, %swap3A_157] {strides = array<i32>} : memref<128x128xf32, #tpu.memory_space<vmem>>, vector<1x16xf32>,
      %swap3A_159 = vector.shape_cast %swap3A_158 : vector<1x16xf32> to vector<16xf32>
      %swap3A_160 = vector.shape_cast %broadcast_in_dim3A_9 : vector<16xf32> to vector<1x16xf32>
      tpu.vector_store %arg8[%swap3A_156, %swap3A_157], %swap3A_160 {strides = array<i32>} : memref<128x128xf32, #tpu.memory_space<vmem>>, vector<1x16xf32>,
      %swap3A_161 = arith.index_cast %scan3A_140 : i32 to index
      %swap3A_162 = arith.constant 64 : index
      %swap3A_163 = tpu.vector_load %arg8[%swap3A_161, %swap3A_162] {strides = array<i32>} : memref<128x128xf32, #tpu.memory_space<vmem>>, vector<1x16xf32>,
      %swap3A_164 = vector.shape_cast %swap3A_163 : vector<1x16xf32> to vector<16xf32>
      %swap3A_165 = vector.shape_cast %broadcast_in_dim3A_9 : vector<16xf32> to vector<1x16xf32>
      tpu.vector_store %arg8[%swap3A_161, %swap3A_162], %swap3A_165 {strides = array<i32>} : memref<128x128xf32, #tpu.memory_space<vmem>>, vector<1x16xf32>,
      %swap3A_166 = arith.index_cast %scan3A_140 : i32 to index
      %swap3A_167 = arith.constant 80 : index
      %swap3A_168 = tpu.vector_load %arg8[%swap3A_166, %swap3A_167] {strides = array<i32>} : memref<128x128xf32, #tpu.memory_space<vmem>>, vector<1x16xf32>,
      %swap3A_169 = vector.shape_cast %swap3A_168 : vector<1x16xf32> to vector<16xf32>
      %swap3A_170 = vector.shape_cast %broadcast_in_dim3A_9 : vector<16xf32> to vector<1x16xf32>
      tpu.vector_store %arg8[%swap3A_166, %swap3A_167], %swap3A_170 {strides = array<i32>} : memref<128x128xf32, #tpu.memory_space<vmem>>, vector<1x16xf32>,
      %swap3A_171 = arith.index_cast %scan3A_140 : i32 to index
      %swap3A_172 = arith.constant 96 : index
      %swap3A_173 = tpu.vector_load %arg8[%swap3A_171, %swap3A_172] {strides = array<i32>} : memref<128x128xf32, #tpu.memory_space<vmem>>, vector<1x16xf32>,
      %swap3A_174 = vector.shape_cast %swap3A_173 : vector<1x16xf32> to vector<16xf32>
      %swap3A_175 = vector.shape_cast %broadcast_in_dim3A_9 : vector<16xf32> to vector<1x16xf32>
      tpu.vector_store %arg8[%swap3A_171, %swap3A_172], %swap3A_175 {strides = array<i32>} : memref<128x128xf32, #tpu.memory_space<vmem>>, vector<1x16xf32>,
      %swap3A_176 = arith.index_cast %scan3A_140 : i32 to index
      %swap3A_177 = arith.constant 112 : index
      %swap3A_178 = tpu.vector_load %arg8[%swap3A_176, %swap3A_177] {strides = array<i32>} : memref<128x128xf32, #tpu.memory_space<vmem>>, vector<1x16xf32>,
      %swap3A_179 = vector.shape_cast %swap3A_178 : vector<1x16xf32> to vector<16xf32>
      %swap3A_180 = vector.shape_cast %broadcast_in_dim3A_9 : vector<16xf32> to vector<1x16xf32>
      tpu.vector_store %arg8[%swap3A_176, %swap3A_177], %swap3A_180 {strides = array<i32>} : memref<128x128xf32, #tpu.memory_space<vmem>>, vector<1x16xf32>,
      %scan3A_181 = arith.constant 0 : i32
      scf.yield %scan3A_181 : i32
    }
    %scan3A_15 = arith.constant 128 : i32
    %scan3A_16 = arith.constant 0 : i32
    %scan3A_17 = arith.constant 0 : i32
    %scan3A_18 = arith.constant 5 : i32
    %scan3A_19 = arith.addi %scan3A_17, %scan3A_18 : i32
    %scan3A_20 = arith.constant 1 : i32
    %scan3A_21 = scf.for %scan3A_140 = %scan3A_17 to %scan3A_19 step %scan3A_20 iter_args(%scan3A_141 = %scan3A_16) -> (i32)  : i32 {
      %mul3A_142 = arith.constant 16 : i32
      %mul3A_143 = arith.muli %scan3A_140, %mul3A_142 : i32
      %add3A_144 = arith.addi %arg1, %mul3A_143 : i32
      %lt3A = arith.constant 79 : i32
      %lt3A_145 = arith.cmpi slt, %add3A_144, %lt3A : i32
      %convert_element_type3A = arith.extui %lt3A_145 : i1 to i32
      %cond3A = arith.constant 0 : i32
      %cond3A_146 = arith.cmpi ne, %convert_element_type3A, %cond3A : i32
      scf.if %cond3A_146 {
        %mul3A_148 = arith.constant 128 : i32
        %mul3A_149 = arith.muli %add3A_144, %mul3A_148 : i32
        "tpu.region"() ({
          %run_scoped3A = tpu.sem_alloc : memref<!tpu.dma_semaphore, #tpu.memory_space<semaphore_mem>>
          %dma_start3A_150 = arith.constant 0 : i32
          %dma_start3A_151 = tpu.memref_slice %arg10[%mul3A_149, %dma_start3A_150] : memref<10112x128xf32, #tpu.memory_space<vmem_shared>> -> memref<128x128xf32, #tpu.memory_space<vmem_shared>>
          %dma_start3A_152 = arith.constant 0 : i32
          %dma_start3A_153 = tpu.memref_slice %arg10[%mul3A_149, %dma_start3A_152] : memref<10112x128xf32, #tpu.memory_space<vmem_shared>> -> memref<128x128xf32, #tpu.memory_space<vmem_shared>>
          tpu.enqueue_dma source(%arg8 : memref<128x128xf32, #tpu.memory_space<vmem>>) target(%dma_start3A_153 : memref<128x128xf32, #tpu.memory_space<vmem_shared>>) target_semaphore(%run_scoped3A : memref<!tpu.dma_semaphore, #tpu.memory_space<semaphore_mem>>)
          %dma_wait3A = arith.constant 0 : i32
          %dma_wait3A_154 = tpu.memref_slice %arg10[%mul3A_149, %dma_wait3A] : memref<10112x128xf32, #tpu.memory_space<vmem_shared>> -> memref<128x128xf32, #tpu.memory_space<vmem_shared>>
          %dma_wait3A_155 = arith.constant 0 : i32
          %dma_wait3A_156 = tpu.memref_slice %arg10[%mul3A_149, %dma_wait3A_155] : memref<10112x128xf32, #tpu.memory_space<vmem_shared>> -> memref<128x128xf32, #tpu.memory_space<vmem_shared>>
          tpu.wait_dma2 semaphore(%run_scoped3A : memref<!tpu.dma_semaphore, #tpu.memory_space<semaphore_mem>>) src(%arg8 : memref<128x128xf32, #tpu.memory_space<vmem>>) dst(%dma_wait3A_156 : memref<128x128xf32, #tpu.memory_space<vmem_shared>>)
          tpu.yield
        }) : () -> ()
      } else {
      }
      %scan3A_147 = arith.constant 0 : i32
      scf.yield %scan3A_147 : i32
    }
    %scan3A_22 = arith.constant 5 : i32
    %barrier3A = arith.constant 0 : index
    tpu.barrier barrier_id(%barrier3A)
    %jit3A_23 = arith.constant 2 : i32
    %div3A = arith.divsi %select_n3A, %jit3A_23 : i32
    %sign3A = arith.constant 0 : i32
    %sign3A_24 = arith.cmpi sgt, %select_n3A, %sign3A : i32
    %sign3A_25 = arith.extui %sign3A_24 : i1 to i32
    %sign3A_26 = arith.constant 0 : i32
    %sign3A_27 = arith.cmpi slt, %select_n3A, %sign3A_26 : i32
    %sign3A_28 = arith.extui %sign3A_27 : i1 to i32
    %sign3A_29 = arith.subi %sign3A_25, %sign3A_28 : i32
    %sign3A_30 = arith.constant 0 : i32
    %sign3A_31 = arith.cmpi sgt, %jit3A_23, %sign3A_30 : i32
    %sign3A_32 = arith.extui %sign3A_31 : i1 to i32
    %sign3A_33 = arith.constant 0 : i32
    %sign3A_34 = arith.cmpi slt, %jit3A_23, %sign3A_33 : i32
    %sign3A_35 = arith.extui %sign3A_34 : i1 to i32
    %sign3A_36 = arith.subi %sign3A_32, %sign3A_35 : i32
    %ne3A = arith.cmpi ne, %sign3A_29, %sign3A_36 : i32
    %rem3A = arith.remsi %select_n3A, %jit3A_23 : i32
    %ne3A_37 = arith.constant 0 : i32
    %ne3A_38 = arith.cmpi ne, %rem3A, %ne3A_37 : i32
    %and3A = arith.andi %ne3A, %ne3A_38 : i1
    %sub3A = arith.constant 1 : i32
    %sub3A_39 = arith.subi %div3A, %sub3A : i32
    %select_n3A_40 = arith.select %and3A, %sub3A_39, %div3A : i32
    %mul3A_41 = arith.constant 0 : i32
    %mul3A_42 = arith.muli %mul3A_41, %select_n3A_40 : i32
    %add3A_43 = arith.addi %select_n3A_8, %mul3A_42 : i32
    %multiple_of3A = tpu.assume_multiple %add3A_43, 8 : i32
    "tpu.region"() ({
      %run_scoped3A = tpu.sem_alloc : memref<!tpu.dma_semaphore, #tpu.memory_space<semaphore_mem>>
      %dma_start3A_140 = arith.constant 0 : i32
      %dma_start3A_141 = tpu.memref_slice %arg3[%multiple_of3A, %dma_start3A_140] : memref<2624x128xi32, #tpu.memory_space<hbm>> -> memref<64x128xi32, #tpu.memory_space<hbm>>
      %dma_start3A_142 = arith.constant 0 : i32
      %dma_start3A_143 = tpu.memref_slice %arg3[%multiple_of3A, %dma_start3A_142] : memref<2624x128xi32, #tpu.memory_space<hbm>> -> memref<64x128xi32, #tpu.memory_space<hbm>>
      tpu.enqueue_dma source(%dma_start3A_143 : memref<64x128xi32, #tpu.memory_space<hbm>>) target(%arg6 : memref<64x128xi32, #tpu.memory_space<vmem>>) target_semaphore(%run_scoped3A : memref<!tpu.dma_semaphore, #tpu.memory_space<semaphore_mem>>)
      %dma_wait3A = arith.constant 0 : i32
      %dma_wait3A_144 = tpu.memref_slice %arg3[%multiple_of3A, %dma_wait3A] : memref<2624x128xi32, #tpu.memory_space<hbm>> -> memref<64x128xi32, #tpu.memory_space<hbm>>
      %dma_wait3A_145 = arith.constant 0 : i32
      %dma_wait3A_146 = tpu.memref_slice %arg3[%multiple_of3A, %dma_wait3A_145] : memref<2624x128xi32, #tpu.memory_space<hbm>> -> memref<64x128xi32, #tpu.memory_space<hbm>>
      tpu.wait_dma2 semaphore(%run_scoped3A : memref<!tpu.dma_semaphore, #tpu.memory_space<semaphore_mem>>) src(%dma_wait3A_146 : memref<64x128xi32, #tpu.memory_space<hbm>>) dst(%arg6 : memref<64x128xi32, #tpu.memory_space<vmem>>)
      tpu.yield
    }) : () -> ()
    "tpu.region"() ({
      %run_scoped3A = tpu.sem_alloc : memref<!tpu.dma_semaphore, #tpu.memory_space<semaphore_mem>>
      %dma_start3A_140 = arith.constant 0 : i32
      %dma_start3A_141 = tpu.memref_slice %arg4[%multiple_of3A, %dma_start3A_140] : memref<2624x128xi32, #tpu.memory_space<hbm>> -> memref<64x128xi32, #tpu.memory_space<hbm>>
      %dma_start3A_142 = arith.constant 0 : i32
      %dma_start3A_143 = tpu.memref_slice %arg4[%multiple_of3A, %dma_start3A_142] : memref<2624x128xi32, #tpu.memory_space<hbm>> -> memref<64x128xi32, #tpu.memory_space<hbm>>
      tpu.enqueue_dma source(%dma_start3A_143 : memref<64x128xi32, #tpu.memory_space<hbm>>) target(%arg7 : memref<64x128xi32, #tpu.memory_space<vmem>>) target_semaphore(%run_scoped3A : memref<!tpu.dma_semaphore, #tpu.memory_space<semaphore_mem>>)
      %dma_wait3A = arith.constant 0 : i32
      %dma_wait3A_144 = tpu.memref_slice %arg4[%multiple_of3A, %dma_wait3A] : memref<2624x128xi32, #tpu.memory_space<hbm>> -> memref<64x128xi32, #tpu.memory_space<hbm>>
      %dma_wait3A_145 = arith.constant 0 : i32
      %dma_wait3A_146 = tpu.memref_slice %arg4[%multiple_of3A, %dma_wait3A_145] : memref<2624x128xi32, #tpu.memory_space<hbm>> -> memref<64x128xi32, #tpu.memory_space<hbm>>
      tpu.wait_dma2 semaphore(%run_scoped3A : memref<!tpu.dma_semaphore, #tpu.memory_space<semaphore_mem>>) src(%dma_wait3A_146 : memref<64x128xi32, #tpu.memory_space<hbm>>) dst(%arg7 : memref<64x128xi32, #tpu.memory_space<vmem>>)
      tpu.yield
    }) : () -> ()
    %dma_start3A = arith.constant 0 : i32
    %dma_start3A_44 = arith.constant 0 : i32
    %dma_start3A_45 = tpu.memref_slice %arg6[%dma_start3A, %dma_start3A_44] : memref<64x128xi32, #tpu.memory_space<vmem>> -> memref<1x128xi32, #tpu.memory_space<vmem>>
    %dma_start3A_46 = tpu.memref_squeeze %dma_start3A_45 : memref<1x128xi32, #tpu.memory_space<vmem>> -> memref<128xi32, #tpu.memory_space<vmem>>
    %dma_start3A_47 = arith.constant 0 : i32
    %dma_start3A_48 = arith.constant 0 : i32
    %dma_start3A_49 = tpu.memref_slice %arg2[%dma_start3A_47, %dma_start3A_48] : memref<10112x128xf32, #tpu.memory_space<hbm>> -> memref<10112x128xf32, #tpu.memory_space<hbm>>
    tpu.enqueue_indirect_dma source(%dma_start3A_49 : memref<10112x128xf32, #tpu.memory_space<hbm>>) target(%arg8 : memref<128x128xf32, #tpu.memory_space<vmem>>) offsets(%dma_start3A_46 : memref<128xi32, #tpu.memory_space<vmem>>) semaphore(%arg11 : memref<!tpu.dma_semaphore, #tpu.memory_space<semaphore_mem>>)
    %jit3A_50 = arith.constant 2 : i32
    %div3A_51 = arith.divsi %select_n3A_40, %jit3A_50 : i32
    %sign3A_52 = arith.constant 0 : i32
    %sign3A_53 = arith.cmpi sgt, %select_n3A_40, %sign3A_52 : i32
    %sign3A_54 = arith.extui %sign3A_53 : i1 to i32
    %sign3A_55 = arith.constant 0 : i32
    %sign3A_56 = arith.cmpi slt, %select_n3A_40, %sign3A_55 : i32
    %sign3A_57 = arith.extui %sign3A_56 : i1 to i32
    %sign3A_58 = arith.subi %sign3A_54, %sign3A_57 : i32
    %sign3A_59 = arith.constant 0 : i32
    %sign3A_60 = arith.cmpi sgt, %jit3A_50, %sign3A_59 : i32
    %sign3A_61 = arith.extui %sign3A_60 : i1 to i32
    %sign3A_62 = arith.constant 0 : i32
    %sign3A_63 = arith.cmpi slt, %jit3A_50, %sign3A_62 : i32
    %sign3A_64 = arith.extui %sign3A_63 : i1 to i32
    %sign3A_65 = arith.subi %sign3A_61, %sign3A_64 : i32
    %ne3A_66 = arith.cmpi ne, %sign3A_58, %sign3A_65 : i32
    %rem3A_67 = arith.remsi %select_n3A_40, %jit3A_50 : i32
    %ne3A_68 = arith.constant 0 : i32
    %ne3A_69 = arith.cmpi ne, %rem3A_67, %ne3A_68 : i32
    %and3A_70 = arith.andi %ne3A_66, %ne3A_69 : i1
    %sub3A_71 = arith.constant 1 : i32
    %sub3A_72 = arith.subi %div3A_51, %sub3A_71 : i32
    %select_n3A_73 = arith.select %and3A_70, %sub3A_72, %div3A_51 : i32
    %while3A = arith.constant 0 : i32
    %while3A_74 = arith.constant 0 : i32
    %while3A_75 = arith.subi %select_n3A_73, %while3A : i32
    %while3A_76 = arith.addi %while3A, %while3A_75 : i32
    %while3A_77 = arith.constant 1 : i32
    %while3A_78 = arith.divsi %while3A_75, %while3A_77 : i32
    %while3A_79 = arith.muli %while3A_78, %while3A_77 : i32
    %while3A_80 = arith.addi %while3A, %while3A_79 : i32
    %while3A_81 = arith.constant 1 : i32
    %while3A_82 = scf.for %while3A_140 = %while3A to %while3A_80 step %while3A_81 iter_args(%while3A_141 = %while3A_74) -> (i32)  : i32 {
      %mul3A_142 = arith.constant 2 : i32
      %mul3A_143 = arith.muli %while3A_140, %mul3A_142 : i32
      %add3A_144 = arith.constant 0 : i32
      %add3A_145 = arith.addi %mul3A_143, %add3A_144 : i32
      %add3A_146 = arith.constant 1 : i32
      %add3A_147 = arith.addi %add3A_145, %add3A_146 : i32
      %lt3A = arith.cmpi slt, %add3A_147, %select_n3A_40 : i32
      %convert_element_type3A = arith.extui %lt3A : i1 to i32
      %cond3A = arith.constant 0 : i32
      %cond3A_148 = arith.cmpi ne, %convert_element_type3A, %cond3A : i32
      scf.if %cond3A_148 {
        %add3A_169 = arith.constant 1 : i32
        %add3A_170 = arith.addi %add3A_145, %add3A_169 : i32
        %dma_start3A_171 = arith.constant 0 : i32
        %dma_start3A_172 = tpu.memref_slice %arg6[%add3A_170, %dma_start3A_171] : memref<64x128xi32, #tpu.memory_space<vmem>> -> memref<1x128xi32, #tpu.memory_space<vmem>>
        %dma_start3A_173 = tpu.memref_squeeze %dma_start3A_172 : memref<1x128xi32, #tpu.memory_space<vmem>> -> memref<128xi32, #tpu.memory_space<vmem>>
        %dma_start3A_174 = arith.constant 0 : i32
        %dma_start3A_175 = arith.constant 0 : i32
        %dma_start3A_176 = tpu.memref_slice %arg2[%dma_start3A_174, %dma_start3A_175] : memref<10112x128xf32, #tpu.memory_space<hbm>> -> memref<10112x128xf32, #tpu.memory_space<hbm>>
        tpu.enqueue_indirect_dma source(%dma_start3A_176 : memref<10112x128xf32, #tpu.memory_space<hbm>>) target(%arg9 : memref<128x128xf32, #tpu.memory_space<vmem>>) offsets(%dma_start3A_173 : memref<128xi32, #tpu.memory_space<vmem>>) semaphore(%arg12 : memref<!tpu.dma_semaphore, #tpu.memory_space<semaphore_mem>>)
      } else {
      }
      %dma_wait3A = arith.constant 0 : i32
      %dma_wait3A_149 = tpu.memref_slice %arg6[%add3A_145, %dma_wait3A] : memref<64x128xi32, #tpu.memory_space<vmem>> -> memref<1x128xi32, #tpu.memory_space<vmem>>
      %dma_wait3A_150 = tpu.memref_squeeze %dma_wait3A_149 : memref<1x128xi32, #tpu.memory_space<vmem>> -> memref<128xi32, #tpu.memory_space<vmem>>
      %dma_wait3A_151 = arith.constant 0 : i32
      %dma_wait3A_152 = arith.constant 0 : i32
      %dma_wait3A_153 = tpu.memref_slice %arg2[%dma_wait3A_151, %dma_wait3A_152] : memref<10112x128xf32, #tpu.memory_space<hbm>> -> memref<10112x128xf32, #tpu.memory_space<hbm>>
      tpu.wait_indirect_dma semaphore(%arg11 : memref<!tpu.dma_semaphore, #tpu.memory_space<semaphore_mem>>) src(%dma_wait3A_153 : memref<10112x128xf32, #tpu.memory_space<hbm>>) dst(%arg8 : memref<128x128xf32, #tpu.memory_space<vmem>>)
      "tpu.region"() ({
        %run_scoped3A = tpu.sem_alloc : memref<!tpu.dma_semaphore, #tpu.memory_space<semaphore_mem>>
        %dma_start3A_169 = arith.constant 0 : i32
        %dma_start3A_170 = tpu.memref_slice %arg7[%add3A_145, %dma_start3A_169] : memref<64x128xi32, #tpu.memory_space<vmem>> -> memref<1x128xi32, #tpu.memory_space<vmem>>
        %dma_start3A_171 = tpu.memref_squeeze %dma_start3A_170 : memref<1x128xi32, #tpu.memory_space<vmem>> -> memref<128xi32, #tpu.memory_space<vmem>>
        %dma_start3A_172 = arith.constant 0 : i32
        %dma_start3A_173 = arith.constant 0 : i32
        %dma_start3A_174 = tpu.memref_slice %arg10[%dma_start3A_172, %dma_start3A_173] : memref<10112x128xf32, #tpu.memory_space<vmem_shared>> -> memref<10112x128xf32, #tpu.memory_space<vmem_shared>>
        tpu.enqueue_indirect_dma source(%arg8 : memref<128x128xf32, #tpu.memory_space<vmem>>) target(%dma_start3A_174 : memref<10112x128xf32, #tpu.memory_space<vmem_shared>>) offsets(%dma_start3A_171 : memref<128xi32, #tpu.memory_space<vmem>>) semaphore(%run_scoped3A : memref<!tpu.dma_semaphore, #tpu.memory_space<semaphore_mem>>) {add = true}
        %dma_wait3A_175 = arith.constant 0 : i32
        %dma_wait3A_176 = tpu.memref_slice %arg7[%add3A_145, %dma_wait3A_175] : memref<64x128xi32, #tpu.memory_space<vmem>> -> memref<1x128xi32, #tpu.memory_space<vmem>>
        %dma_wait3A_177 = tpu.memref_squeeze %dma_wait3A_176 : memref<1x128xi32, #tpu.memory_space<vmem>> -> memref<128xi32, #tpu.memory_space<vmem>>
        %dma_wait3A_178 = arith.constant 0 : i32
        %dma_wait3A_179 = arith.constant 0 : i32
        %dma_wait3A_180 = tpu.memref_slice %arg10[%dma_wait3A_178, %dma_wait3A_179] : memref<10112x128xf32, #tpu.memory_space<vmem_shared>> -> memref<10112x128xf32, #tpu.memory_space<vmem_shared>>
        tpu.wait_indirect_dma semaphore(%run_scoped3A : memref<!tpu.dma_semaphore, #tpu.memory_space<semaphore_mem>>) src(%arg8 : memref<128x128xf32, #tpu.memory_space<vmem>>) dst(%dma_wait3A_180 : memref<10112x128xf32, #tpu.memory_space<vmem_shared>>)
        tpu.yield
      }) : () -> ()
      %add3A_154 = arith.constant 1 : i32
      %add3A_155 = arith.addi %mul3A_143, %add3A_154 : i32
      %add3A_156 = arith.constant 1 : i32
      %add3A_157 = arith.addi %add3A_155, %add3A_156 : i32
      %lt3A_158 = arith.cmpi slt, %add3A_157, %select_n3A_40 : i32
      %convert_element_type3A_159 = arith.extui %lt3A_158 : i1 to i32
      %cond3A_160 = arith.constant 0 : i32
      %cond3A_161 = arith.cmpi ne, %convert_element_type3A_159, %cond3A_160 : i32
      scf.if %cond3A_161 {
        %add3A_169 = arith.constant 1 : i32
        %add3A_170 = arith.addi %add3A_155, %add3A_169 : i32
        %dma_start3A_171 = arith.constant 0 : i32
        %dma_start3A_172 = tpu.memref_slice %arg6[%add3A_170, %dma_start3A_171] : memref<64x128xi32, #tpu.memory_space<vmem>> -> memref<1x128xi32, #tpu.memory_space<vmem>>
        %dma_start3A_173 = tpu.memref_squeeze %dma_start3A_172 : memref<1x128xi32, #tpu.memory_space<vmem>> -> memref<128xi32, #tpu.memory_space<vmem>>
        %dma_start3A_174 = arith.constant 0 : i32
        %dma_start3A_175 = arith.constant 0 : i32
        %dma_start3A_176 = tpu.memref_slice %arg2[%dma_start3A_174, %dma_start3A_175] : memref<10112x128xf32, #tpu.memory_space<hbm>> -> memref<10112x128xf32, #tpu.memory_space<hbm>>
        tpu.enqueue_indirect_dma source(%dma_start3A_176 : memref<10112x128xf32, #tpu.memory_space<hbm>>) target(%arg8 : memref<128x128xf32, #tpu.memory_space<vmem>>) offsets(%dma_start3A_173 : memref<128xi32, #tpu.memory_space<vmem>>) semaphore(%arg11 : memref<!tpu.dma_semaphore, #tpu.memory_space<semaphore_mem>>)
      } else {
      }
      %dma_wait3A_162 = arith.constant 0 : i32
      %dma_wait3A_163 = tpu.memref_slice %arg6[%add3A_155, %dma_wait3A_162] : memref<64x128xi32, #tpu.memory_space<vmem>> -> memref<1x128xi32, #tpu.memory_space<vmem>>
      %dma_wait3A_164 = tpu.memref_squeeze %dma_wait3A_163 : memref<1x128xi32, #tpu.memory_space<vmem>> -> memref<128xi32, #tpu.memory_space<vmem>>
      %dma_wait3A_165 = arith.constant 0 : i32
      %dma_wait3A_166 = arith.constant 0 : i32
      %dma_wait3A_167 = tpu.memref_slice %arg2[%dma_wait3A_165, %dma_wait3A_166] : memref<10112x128xf32, #tpu.memory_space<hbm>> -> memref<10112x128xf32, #tpu.memory_space<hbm>>
      tpu.wait_indirect_dma semaphore(%arg12 : memref<!tpu.dma_semaphore, #tpu.memory_space<semaphore_mem>>) src(%dma_wait3A_167 : memref<10112x128xf32, #tpu.memory_space<hbm>>) dst(%arg9 : memref<128x128xf32, #tpu.memory_space<vmem>>)
      "tpu.region"() ({
        %run_scoped3A = tpu.sem_alloc : memref<!tpu.dma_semaphore, #tpu.memory_space<semaphore_mem>>
        %dma_start3A_169 = arith.constant 0 : i32
        %dma_start3A_170 = tpu.memref_slice %arg7[%add3A_155, %dma_start3A_169] : memref<64x128xi32, #tpu.memory_space<vmem>> -> memref<1x128xi32, #tpu.memory_space<vmem>>
        %dma_start3A_171 = tpu.memref_squeeze %dma_start3A_170 : memref<1x128xi32, #tpu.memory_space<vmem>> -> memref<128xi32, #tpu.memory_space<vmem>>
        %dma_start3A_172 = arith.constant 0 : i32
        %dma_start3A_173 = arith.constant 0 : i32
        %dma_start3A_174 = tpu.memref_slice %arg10[%dma_start3A_172, %dma_start3A_173] : memref<10112x128xf32, #tpu.memory_space<vmem_shared>> -> memref<10112x128xf32, #tpu.memory_space<vmem_shared>>
        tpu.enqueue_indirect_dma source(%arg9 : memref<128x128xf32, #tpu.memory_space<vmem>>) target(%dma_start3A_174 : memref<10112x128xf32, #tpu.memory_space<vmem_shared>>) offsets(%dma_start3A_171 : memref<128xi32, #tpu.memory_space<vmem>>) semaphore(%run_scoped3A : memref<!tpu.dma_semaphore, #tpu.memory_space<semaphore_mem>>) {add = true}
        %dma_wait3A_175 = arith.constant 0 : i32
        %dma_wait3A_176 = tpu.memref_slice %arg7[%add3A_155, %dma_wait3A_175] : memref<64x128xi32, #tpu.memory_space<vmem>> -> memref<1x128xi32, #tpu.memory_space<vmem>>
        %dma_wait3A_177 = tpu.memref_squeeze %dma_wait3A_176 : memref<1x128xi32, #tpu.memory_space<vmem>> -> memref<128xi32, #tpu.memory_space<vmem>>
        %dma_wait3A_178 = arith.constant 0 : i32
        %dma_wait3A_179 = arith.constant 0 : i32
        %dma_wait3A_180 = tpu.memref_slice %arg10[%dma_wait3A_178, %dma_wait3A_179] : memref<10112x128xf32, #tpu.memory_space<vmem_shared>> -> memref<10112x128xf32, #tpu.memory_space<vmem_shared>>
        tpu.wait_indirect_dma semaphore(%run_scoped3A : memref<!tpu.dma_semaphore, #tpu.memory_space<semaphore_mem>>) src(%arg9 : memref<128x128xf32, #tpu.memory_space<vmem>>) dst(%dma_wait3A_180 : memref<10112x128xf32, #tpu.memory_space<vmem_shared>>)
        tpu.yield
      }) : () -> ()
      %while3A_168 = arith.constant 0 : i32
      scf.yield %while3A_168 : i32
    }
    %while3A_83 = arith.constant 1 : i32
    %while3A_84 = scf.for %while3A_140 = %while3A_80 to %while3A_76 step %while3A_83 iter_args(%while3A_141 = %while3A_82) -> (i32)  : i32 {
      %mul3A_142 = arith.constant 2 : i32
      %mul3A_143 = arith.muli %while3A_140, %mul3A_142 : i32
      %add3A_144 = arith.constant 0 : i32
      %add3A_145 = arith.addi %mul3A_143, %add3A_144 : i32
      %add3A_146 = arith.constant 1 : i32
      %add3A_147 = arith.addi %add3A_145, %add3A_146 : i32
      %lt3A = arith.cmpi slt, %add3A_147, %select_n3A_40 : i32
      %convert_element_type3A = arith.extui %lt3A : i1 to i32
      %cond3A = arith.constant 0 : i32
      %cond3A_148 = arith.cmpi ne, %convert_element_type3A, %cond3A : i32
      scf.if %cond3A_148 {
        %add3A_169 = arith.constant 1 : i32
        %add3A_170 = arith.addi %add3A_145, %add3A_169 : i32
        %dma_start3A_171 = arith.constant 0 : i32
        %dma_start3A_172 = tpu.memref_slice %arg6[%add3A_170, %dma_start3A_171] : memref<64x128xi32, #tpu.memory_space<vmem>> -> memref<1x128xi32, #tpu.memory_space<vmem>>
        %dma_start3A_173 = tpu.memref_squeeze %dma_start3A_172 : memref<1x128xi32, #tpu.memory_space<vmem>> -> memref<128xi32, #tpu.memory_space<vmem>>
        %dma_start3A_174 = arith.constant 0 : i32
        %dma_start3A_175 = arith.constant 0 : i32
        %dma_start3A_176 = tpu.memref_slice %arg2[%dma_start3A_174, %dma_start3A_175] : memref<10112x128xf32, #tpu.memory_space<hbm>> -> memref<10112x128xf32, #tpu.memory_space<hbm>>
        tpu.enqueue_indirect_dma source(%dma_start3A_176 : memref<10112x128xf32, #tpu.memory_space<hbm>>) target(%arg9 : memref<128x128xf32, #tpu.memory_space<vmem>>) offsets(%dma_start3A_173 : memref<128xi32, #tpu.memory_space<vmem>>) semaphore(%arg12 : memref<!tpu.dma_semaphore, #tpu.memory_space<semaphore_mem>>)
      } else {
      }
      %dma_wait3A = arith.constant 0 : i32
      %dma_wait3A_149 = tpu.memref_slice %arg6[%add3A_145, %dma_wait3A] : memref<64x128xi32, #tpu.memory_space<vmem>> -> memref<1x128xi32, #tpu.memory_space<vmem>>
      %dma_wait3A_150 = tpu.memref_squeeze %dma_wait3A_149 : memref<1x128xi32, #tpu.memory_space<vmem>> -> memref<128xi32, #tpu.memory_space<vmem>>
      %dma_wait3A_151 = arith.constant 0 : i32
      %dma_wait3A_152 = arith.constant 0 : i32
      %dma_wait3A_153 = tpu.memref_slice %arg2[%dma_wait3A_151, %dma_wait3A_152] : memref<10112x128xf32, #tpu.memory_space<hbm>> -> memref<10112x128xf32, #tpu.memory_space<hbm>>
      tpu.wait_indirect_dma semaphore(%arg11 : memref<!tpu.dma_semaphore, #tpu.memory_space<semaphore_mem>>) src(%dma_wait3A_153 : memref<10112x128xf32, #tpu.memory_space<hbm>>) dst(%arg8 : memref<128x128xf32, #tpu.memory_space<vmem>>)
      "tpu.region"() ({
        %run_scoped3A = tpu.sem_alloc : memref<!tpu.dma_semaphore, #tpu.memory_space<semaphore_mem>>
        %dma_start3A_169 = arith.constant 0 : i32
        %dma_start3A_170 = tpu.memref_slice %arg7[%add3A_145, %dma_start3A_169] : memref<64x128xi32, #tpu.memory_space<vmem>> -> memref<1x128xi32, #tpu.memory_space<vmem>>
        %dma_start3A_171 = tpu.memref_squeeze %dma_start3A_170 : memref<1x128xi32, #tpu.memory_space<vmem>> -> memref<128xi32, #tpu.memory_space<vmem>>
        %dma_start3A_172 = arith.constant 0 : i32
        %dma_start3A_173 = arith.constant 0 : i32
        %dma_start3A_174 = tpu.memref_slice %arg10[%dma_start3A_172, %dma_start3A_173] : memref<10112x128xf32, #tpu.memory_space<vmem_shared>> -> memref<10112x128xf32, #tpu.memory_space<vmem_shared>>
        tpu.enqueue_indirect_dma source(%arg8 : memref<128x128xf32, #tpu.memory_space<vmem>>) target(%dma_start3A_174 : memref<10112x128xf32, #tpu.memory_space<vmem_shared>>) offsets(%dma_start3A_171 : memref<128xi32, #tpu.memory_space<vmem>>) semaphore(%run_scoped3A : memref<!tpu.dma_semaphore, #tpu.memory_space<semaphore_mem>>) {add = true}
        %dma_wait3A_175 = arith.constant 0 : i32
        %dma_wait3A_176 = tpu.memref_slice %arg7[%add3A_145, %dma_wait3A_175] : memref<64x128xi32, #tpu.memory_space<vmem>> -> memref<1x128xi32, #tpu.memory_space<vmem>>
        %dma_wait3A_177 = tpu.memref_squeeze %dma_wait3A_176 : memref<1x128xi32, #tpu.memory_space<vmem>> -> memref<128xi32, #tpu.memory_space<vmem>>
        %dma_wait3A_178 = arith.constant 0 : i32
        %dma_wait3A_179 = arith.constant 0 : i32
        %dma_wait3A_180 = tpu.memref_slice %arg10[%dma_wait3A_178, %dma_wait3A_179] : memref<10112x128xf32, #tpu.memory_space<vmem_shared>> -> memref<10112x128xf32, #tpu.memory_space<vmem_shared>>
        tpu.wait_indirect_dma semaphore(%run_scoped3A : memref<!tpu.dma_semaphore, #tpu.memory_space<semaphore_mem>>) src(%arg8 : memref<128x128xf32, #tpu.memory_space<vmem>>) dst(%dma_wait3A_180 : memref<10112x128xf32, #tpu.memory_space<vmem_shared>>)
        tpu.yield
      }) : () -> ()
      %add3A_154 = arith.constant 1 : i32
      %add3A_155 = arith.addi %mul3A_143, %add3A_154 : i32
      %add3A_156 = arith.constant 1 : i32
      %add3A_157 = arith.addi %add3A_155, %add3A_156 : i32
      %lt3A_158 = arith.cmpi slt, %add3A_157, %select_n3A_40 : i32
      %convert_element_type3A_159 = arith.extui %lt3A_158 : i1 to i32
      %cond3A_160 = arith.constant 0 : i32
      %cond3A_161 = arith.cmpi ne, %convert_element_type3A_159, %cond3A_160 : i32
      scf.if %cond3A_161 {
        %add3A_169 = arith.constant 1 : i32
        %add3A_170 = arith.addi %add3A_155, %add3A_169 : i32
        %dma_start3A_171 = arith.constant 0 : i32
        %dma_start3A_172 = tpu.memref_slice %arg6[%add3A_170, %dma_start3A_171] : memref<64x128xi32, #tpu.memory_space<vmem>> -> memref<1x128xi32, #tpu.memory_space<vmem>>
        %dma_start3A_173 = tpu.memref_squeeze %dma_start3A_172 : memref<1x128xi32, #tpu.memory_space<vmem>> -> memref<128xi32, #tpu.memory_space<vmem>>
        %dma_start3A_174 = arith.constant 0 : i32
        %dma_start3A_175 = arith.constant 0 : i32
        %dma_start3A_176 = tpu.memref_slice %arg2[%dma_start3A_174, %dma_start3A_175] : memref<10112x128xf32, #tpu.memory_space<hbm>> -> memref<10112x128xf32, #tpu.memory_space<hbm>>
        tpu.enqueue_indirect_dma source(%dma_start3A_176 : memref<10112x128xf32, #tpu.memory_space<hbm>>) target(%arg8 : memref<128x128xf32, #tpu.memory_space<vmem>>) offsets(%dma_start3A_173 : memref<128xi32, #tpu.memory_space<vmem>>) semaphore(%arg11 : memref<!tpu.dma_semaphore, #tpu.memory_space<semaphore_mem>>)
      } else {
      }
      %dma_wait3A_162 = arith.constant 0 : i32
      %dma_wait3A_163 = tpu.memref_slice %arg6[%add3A_155, %dma_wait3A_162] : memref<64x128xi32, #tpu.memory_space<vmem>> -> memref<1x128xi32, #tpu.memory_space<vmem>>
      %dma_wait3A_164 = tpu.memref_squeeze %dma_wait3A_163 : memref<1x128xi32, #tpu.memory_space<vmem>> -> memref<128xi32, #tpu.memory_space<vmem>>
      %dma_wait3A_165 = arith.constant 0 : i32
      %dma_wait3A_166 = arith.constant 0 : i32
      %dma_wait3A_167 = tpu.memref_slice %arg2[%dma_wait3A_165, %dma_wait3A_166] : memref<10112x128xf32, #tpu.memory_space<hbm>> -> memref<10112x128xf32, #tpu.memory_space<hbm>>
      tpu.wait_indirect_dma semaphore(%arg12 : memref<!tpu.dma_semaphore, #tpu.memory_space<semaphore_mem>>) src(%dma_wait3A_167 : memref<10112x128xf32, #tpu.memory_space<hbm>>) dst(%arg9 : memref<128x128xf32, #tpu.memory_space<vmem>>)
      "tpu.region"() ({
        %run_scoped3A = tpu.sem_alloc : memref<!tpu.dma_semaphore, #tpu.memory_space<semaphore_mem>>
        %dma_start3A_169 = arith.constant 0 : i32
        %dma_start3A_170 = tpu.memref_slice %arg7[%add3A_155, %dma_start3A_169] : memref<64x128xi32, #tpu.memory_space<vmem>> -> memref<1x128xi32, #tpu.memory_space<vmem>>
        %dma_start3A_171 = tpu.memref_squeeze %dma_start3A_170 : memref<1x128xi32, #tpu.memory_space<vmem>> -> memref<128xi32, #tpu.memory_space<vmem>>
        %dma_start3A_172 = arith.constant 0 : i32
        %dma_start3A_173 = arith.constant 0 : i32
        %dma_start3A_174 = tpu.memref_slice %arg10[%dma_start3A_172, %dma_start3A_173] : memref<10112x128xf32, #tpu.memory_space<vmem_shared>> -> memref<10112x128xf32, #tpu.memory_space<vmem_shared>>
        tpu.enqueue_indirect_dma source(%arg9 : memref<128x128xf32, #tpu.memory_space<vmem>>) target(%dma_start3A_174 : memref<10112x128xf32, #tpu.memory_space<vmem_shared>>) offsets(%dma_start3A_171 : memref<128xi32, #tpu.memory_space<vmem>>) semaphore(%run_scoped3A : memref<!tpu.dma_semaphore, #tpu.memory_space<semaphore_mem>>) {add = true}
        %dma_wait3A_175 = arith.constant 0 : i32
        %dma_wait3A_176 = tpu.memref_slice %arg7[%add3A_155, %dma_wait3A_175] : memref<64x128xi32, #tpu.memory_space<vmem>> -> memref<1x128xi32, #tpu.memory_space<vmem>>
        %dma_wait3A_177 = tpu.memref_squeeze %dma_wait3A_176 : memref<1x128xi32, #tpu.memory_space<vmem>> -> memref<128xi32, #tpu.memory_space<vmem>>
        %dma_wait3A_178 = arith.constant 0 : i32
        %dma_wait3A_179 = arith.constant 0 : i32
        %dma_wait3A_180 = tpu.memref_slice %arg10[%dma_wait3A_178, %dma_wait3A_179] : memref<10112x128xf32, #tpu.memory_space<vmem_shared>> -> memref<10112x128xf32, #tpu.memory_space<vmem_shared>>
        tpu.wait_indirect_dma semaphore(%run_scoped3A : memref<!tpu.dma_semaphore, #tpu.memory_space<semaphore_mem>>) src(%arg9 : memref<128x128xf32, #tpu.memory_space<vmem>>) dst(%dma_wait3A_180 : memref<10112x128xf32, #tpu.memory_space<vmem_shared>>)
        tpu.yield
      }) : () -> ()
      %while3A_168 = arith.constant 0 : i32
      scf.yield %while3A_168 : i32
    }
    %mul3A_85 = arith.constant 1 : i32
    %mul3A_86 = arith.muli %mul3A_85, %select_n3A_40 : i32
    %add3A_87 = arith.addi %select_n3A_8, %mul3A_86 : i32
    %multiple_of3A_88 = tpu.assume_multiple %add3A_87, 8 : i32
    "tpu.region"() ({
      %run_scoped3A = tpu.sem_alloc : memref<!tpu.dma_semaphore, #tpu.memory_space<semaphore_mem>>
      %dma_start3A_140 = arith.constant 0 : i32
      %dma_start3A_141 = tpu.memref_slice %arg3[%multiple_of3A_88, %dma_start3A_140] : memref<2624x128xi32, #tpu.memory_space<hbm>> -> memref<64x128xi32, #tpu.memory_space<hbm>>
      %dma_start3A_142 = arith.constant 0 : i32
      %dma_start3A_143 = tpu.memref_slice %arg3[%multiple_of3A_88, %dma_start3A_142] : memref<2624x128xi32, #tpu.memory_space<hbm>> -> memref<64x128xi32, #tpu.memory_space<hbm>>
      tpu.enqueue_dma source(%dma_start3A_143 : memref<64x128xi32, #tpu.memory_space<hbm>>) target(%arg6 : memref<64x128xi32, #tpu.memory_space<vmem>>) target_semaphore(%run_scoped3A : memref<!tpu.dma_semaphore, #tpu.memory_space<semaphore_mem>>)
      %dma_wait3A = arith.constant 0 : i32
      %dma_wait3A_144 = tpu.memref_slice %arg3[%multiple_of3A_88, %dma_wait3A] : memref<2624x128xi32, #tpu.memory_space<hbm>> -> memref<64x128xi32, #tpu.memory_space<hbm>>
      %dma_wait3A_145 = arith.constant 0 : i32
      %dma_wait3A_146 = tpu.memref_slice %arg3[%multiple_of3A_88, %dma_wait3A_145] : memref<2624x128xi32, #tpu.memory_space<hbm>> -> memref<64x128xi32, #tpu.memory_space<hbm>>
      tpu.wait_dma2 semaphore(%run_scoped3A : memref<!tpu.dma_semaphore, #tpu.memory_space<semaphore_mem>>) src(%dma_wait3A_146 : memref<64x128xi32, #tpu.memory_space<hbm>>) dst(%arg6 : memref<64x128xi32, #tpu.memory_space<vmem>>)
      tpu.yield
    }) : () -> ()
    "tpu.region"() ({
      %run_scoped3A = tpu.sem_alloc : memref<!tpu.dma_semaphore, #tpu.memory_space<semaphore_mem>>
      %dma_start3A_140 = arith.constant 0 : i32
      %dma_start3A_141 = tpu.memref_slice %arg4[%multiple_of3A_88, %dma_start3A_140] : memref<2624x128xi32, #tpu.memory_space<hbm>> -> memref<64x128xi32, #tpu.memory_space<hbm>>
      %dma_start3A_142 = arith.constant 0 : i32
      %dma_start3A_143 = tpu.memref_slice %arg4[%multiple_of3A_88, %dma_start3A_142] : memref<2624x128xi32, #tpu.memory_space<hbm>> -> memref<64x128xi32, #tpu.memory_space<hbm>>
      tpu.enqueue_dma source(%dma_start3A_143 : memref<64x128xi32, #tpu.memory_space<hbm>>) target(%arg7 : memref<64x128xi32, #tpu.memory_space<vmem>>) target_semaphore(%run_scoped3A : memref<!tpu.dma_semaphore, #tpu.memory_space<semaphore_mem>>)
      %dma_wait3A = arith.constant 0 : i32
      %dma_wait3A_144 = tpu.memref_slice %arg4[%multiple_of3A_88, %dma_wait3A] : memref<2624x128xi32, #tpu.memory_space<hbm>> -> memref<64x128xi32, #tpu.memory_space<hbm>>
      %dma_wait3A_145 = arith.constant 0 : i32
      %dma_wait3A_146 = tpu.memref_slice %arg4[%multiple_of3A_88, %dma_wait3A_145] : memref<2624x128xi32, #tpu.memory_space<hbm>> -> memref<64x128xi32, #tpu.memory_space<hbm>>
      tpu.wait_dma2 semaphore(%run_scoped3A : memref<!tpu.dma_semaphore, #tpu.memory_space<semaphore_mem>>) src(%dma_wait3A_146 : memref<64x128xi32, #tpu.memory_space<hbm>>) dst(%arg7 : memref<64x128xi32, #tpu.memory_space<vmem>>)
      tpu.yield
    }) : () -> ()
    %dma_start3A_89 = arith.constant 0 : i32
    %dma_start3A_90 = arith.constant 0 : i32
    %dma_start3A_91 = tpu.memref_slice %arg6[%dma_start3A_89, %dma_start3A_90] : memref<64x128xi32, #tpu.memory_space<vmem>> -> memref<1x128xi32, #tpu.memory_space<vmem>>
    %dma_start3A_92 = tpu.memref_squeeze %dma_start3A_91 : memref<1x128xi32, #tpu.memory_space<vmem>> -> memref<128xi32, #tpu.memory_space<vmem>>
    %dma_start3A_93 = arith.constant 0 : i32
    %dma_start3A_94 = arith.constant 0 : i32
    %dma_start3A_95 = tpu.memref_slice %arg2[%dma_start3A_93, %dma_start3A_94] : memref<10112x128xf32, #tpu.memory_space<hbm>> -> memref<10112x128xf32, #tpu.memory_space<hbm>>
    tpu.enqueue_indirect_dma source(%dma_start3A_95 : memref<10112x128xf32, #tpu.memory_space<hbm>>) target(%arg8 : memref<128x128xf32, #tpu.memory_space<vmem>>) offsets(%dma_start3A_92 : memref<128xi32, #tpu.memory_space<vmem>>) semaphore(%arg11 : memref<!tpu.dma_semaphore, #tpu.memory_space<semaphore_mem>>)
    %jit3A_96 = arith.constant 2 : i32
    %div3A_97 = arith.divsi %select_n3A_40, %jit3A_96 : i32
    %sign3A_98 = arith.constant 0 : i32
    %sign3A_99 = arith.cmpi sgt, %select_n3A_40, %sign3A_98 : i32
    %sign3A_100 = arith.extui %sign3A_99 : i1 to i32
    %sign3A_101 = arith.constant 0 : i32
    %sign3A_102 = arith.cmpi slt, %select_n3A_40, %sign3A_101 : i32
    %sign3A_103 = arith.extui %sign3A_102 : i1 to i32
    %sign3A_104 = arith.subi %sign3A_100, %sign3A_103 : i32
    %sign3A_105 = arith.constant 0 : i32
    %sign3A_106 = arith.cmpi sgt, %jit3A_96, %sign3A_105 : i32
    %sign3A_107 = arith.extui %sign3A_106 : i1 to i32
    %sign3A_108 = arith.constant 0 : i32
    %sign3A_109 = arith.cmpi slt, %jit3A_96, %sign3A_108 : i32
    %sign3A_110 = arith.extui %sign3A_109 : i1 to i32
    %sign3A_111 = arith.subi %sign3A_107, %sign3A_110 : i32
    %ne3A_112 = arith.cmpi ne, %sign3A_104, %sign3A_111 : i32
    %rem3A_113 = arith.remsi %select_n3A_40, %jit3A_96 : i32
    %ne3A_114 = arith.constant 0 : i32
    %ne3A_115 = arith.cmpi ne, %rem3A_113, %ne3A_114 : i32
    %and3A_116 = arith.andi %ne3A_112, %ne3A_115 : i1
    %sub3A_117 = arith.constant 1 : i32
    %sub3A_118 = arith.subi %div3A_97, %sub3A_117 : i32
    %select_n3A_119 = arith.select %and3A_116, %sub3A_118, %div3A_97 : i32
    %while3A_120 = arith.constant 0 : i32
    %while3A_121 = arith.constant 0 : i32
    %while3A_122 = arith.subi %select_n3A_119, %while3A_120 : i32
    %while3A_123 = arith.addi %while3A_120, %while3A_122 : i32
    %while3A_124 = arith.constant 1 : i32
    %while3A_125 = arith.divsi %while3A_122, %while3A_124 : i32
    %while3A_126 = arith.muli %while3A_125, %while3A_124 : i32
    %while3A_127 = arith.addi %while3A_120, %while3A_126 : i32
    %while3A_128 = arith.constant 1 : i32
    %while3A_129 = scf.for %while3A_140 = %while3A_120 to %while3A_127 step %while3A_128 iter_args(%while3A_141 = %while3A_121) -> (i32)  : i32 {
      %mul3A_142 = arith.constant 2 : i32
      %mul3A_143 = arith.muli %while3A_140, %mul3A_142 : i32
      %add3A_144 = arith.constant 0 : i32
      %add3A_145 = arith.addi %mul3A_143, %add3A_144 : i32
      %add3A_146 = arith.constant 1 : i32
      %add3A_147 = arith.addi %add3A_145, %add3A_146 : i32
      %lt3A = arith.cmpi slt, %add3A_147, %select_n3A_40 : i32
      %convert_element_type3A = arith.extui %lt3A : i1 to i32
      %cond3A = arith.constant 0 : i32
      %cond3A_148 = arith.cmpi ne, %convert_element_type3A, %cond3A : i32
      scf.if %cond3A_148 {
        %add3A_169 = arith.constant 1 : i32
        %add3A_170 = arith.addi %add3A_145, %add3A_169 : i32
        %dma_start3A_171 = arith.constant 0 : i32
        %dma_start3A_172 = tpu.memref_slice %arg6[%add3A_170, %dma_start3A_171] : memref<64x128xi32, #tpu.memory_space<vmem>> -> memref<1x128xi32, #tpu.memory_space<vmem>>
        %dma_start3A_173 = tpu.memref_squeeze %dma_start3A_172 : memref<1x128xi32, #tpu.memory_space<vmem>> -> memref<128xi32, #tpu.memory_space<vmem>>
        %dma_start3A_174 = arith.constant 0 : i32
        %dma_start3A_175 = arith.constant 0 : i32
        %dma_start3A_176 = tpu.memref_slice %arg2[%dma_start3A_174, %dma_start3A_175] : memref<10112x128xf32, #tpu.memory_space<hbm>> -> memref<10112x128xf32, #tpu.memory_space<hbm>>
        tpu.enqueue_indirect_dma source(%dma_start3A_176 : memref<10112x128xf32, #tpu.memory_space<hbm>>) target(%arg9 : memref<128x128xf32, #tpu.memory_space<vmem>>) offsets(%dma_start3A_173 : memref<128xi32, #tpu.memory_space<vmem>>) semaphore(%arg12 : memref<!tpu.dma_semaphore, #tpu.memory_space<semaphore_mem>>)
      } else {
      }
      %dma_wait3A = arith.constant 0 : i32
      %dma_wait3A_149 = tpu.memref_slice %arg6[%add3A_145, %dma_wait3A] : memref<64x128xi32, #tpu.memory_space<vmem>> -> memref<1x128xi32, #tpu.memory_space<vmem>>
      %dma_wait3A_150 = tpu.memref_squeeze %dma_wait3A_149 : memref<1x128xi32, #tpu.memory_space<vmem>> -> memref<128xi32, #tpu.memory_space<vmem>>
      %dma_wait3A_151 = arith.constant 0 : i32
      %dma_wait3A_152 = arith.constant 0 : i32
      %dma_wait3A_153 = tpu.memref_slice %arg2[%dma_wait3A_151, %dma_wait3A_152] : memref<10112x128xf32, #tpu.memory_space<hbm>> -> memref<10112x128xf32, #tpu.memory_space<hbm>>
      tpu.wait_indirect_dma semaphore(%arg11 : memref<!tpu.dma_semaphore, #tpu.memory_space<semaphore_mem>>) src(%dma_wait3A_153 : memref<10112x128xf32, #tpu.memory_space<hbm>>) dst(%arg8 : memref<128x128xf32, #tpu.memory_space<vmem>>)
      "tpu.region"() ({
        %run_scoped3A = tpu.sem_alloc : memref<!tpu.dma_semaphore, #tpu.memory_space<semaphore_mem>>
        %dma_start3A_169 = arith.constant 0 : i32
        %dma_start3A_170 = tpu.memref_slice %arg7[%add3A_145, %dma_start3A_169] : memref<64x128xi32, #tpu.memory_space<vmem>> -> memref<1x128xi32, #tpu.memory_space<vmem>>
        %dma_start3A_171 = tpu.memref_squeeze %dma_start3A_170 : memref<1x128xi32, #tpu.memory_space<vmem>> -> memref<128xi32, #tpu.memory_space<vmem>>
        %dma_start3A_172 = arith.constant 0 : i32
        %dma_start3A_173 = arith.constant 0 : i32
        %dma_start3A_174 = tpu.memref_slice %arg10[%dma_start3A_172, %dma_start3A_173] : memref<10112x128xf32, #tpu.memory_space<vmem_shared>> -> memref<10112x128xf32, #tpu.memory_space<vmem_shared>>
        tpu.enqueue_indirect_dma source(%arg8 : memref<128x128xf32, #tpu.memory_space<vmem>>) target(%dma_start3A_174 : memref<10112x128xf32, #tpu.memory_space<vmem_shared>>) offsets(%dma_start3A_171 : memref<128xi32, #tpu.memory_space<vmem>>) semaphore(%run_scoped3A : memref<!tpu.dma_semaphore, #tpu.memory_space<semaphore_mem>>) {add = true}
        %dma_wait3A_175 = arith.constant 0 : i32
        %dma_wait3A_176 = tpu.memref_slice %arg7[%add3A_145, %dma_wait3A_175] : memref<64x128xi32, #tpu.memory_space<vmem>> -> memref<1x128xi32, #tpu.memory_space<vmem>>
        %dma_wait3A_177 = tpu.memref_squeeze %dma_wait3A_176 : memref<1x128xi32, #tpu.memory_space<vmem>> -> memref<128xi32, #tpu.memory_space<vmem>>
        %dma_wait3A_178 = arith.constant 0 : i32
        %dma_wait3A_179 = arith.constant 0 : i32
        %dma_wait3A_180 = tpu.memref_slice %arg10[%dma_wait3A_178, %dma_wait3A_179] : memref<10112x128xf32, #tpu.memory_space<vmem_shared>> -> memref<10112x128xf32, #tpu.memory_space<vmem_shared>>
        tpu.wait_indirect_dma semaphore(%run_scoped3A : memref<!tpu.dma_semaphore, #tpu.memory_space<semaphore_mem>>) src(%arg8 : memref<128x128xf32, #tpu.memory_space<vmem>>) dst(%dma_wait3A_180 : memref<10112x128xf32, #tpu.memory_space<vmem_shared>>)
        tpu.yield
      }) : () -> ()
      %add3A_154 = arith.constant 1 : i32
      %add3A_155 = arith.addi %mul3A_143, %add3A_154 : i32
      %add3A_156 = arith.constant 1 : i32
      %add3A_157 = arith.addi %add3A_155, %add3A_156 : i32
      %lt3A_158 = arith.cmpi slt, %add3A_157, %select_n3A_40 : i32
      %convert_element_type3A_159 = arith.extui %lt3A_158 : i1 to i32
      %cond3A_160 = arith.constant 0 : i32
      %cond3A_161 = arith.cmpi ne, %convert_element_type3A_159, %cond3A_160 : i32
      scf.if %cond3A_161 {
        %add3A_169 = arith.constant 1 : i32
        %add3A_170 = arith.addi %add3A_155, %add3A_169 : i32
        %dma_start3A_171 = arith.constant 0 : i32
        %dma_start3A_172 = tpu.memref_slice %arg6[%add3A_170, %dma_start3A_171] : memref<64x128xi32, #tpu.memory_space<vmem>> -> memref<1x128xi32, #tpu.memory_space<vmem>>
        %dma_start3A_173 = tpu.memref_squeeze %dma_start3A_172 : memref<1x128xi32, #tpu.memory_space<vmem>> -> memref<128xi32, #tpu.memory_space<vmem>>
        %dma_start3A_174 = arith.constant 0 : i32
        %dma_start3A_175 = arith.constant 0 : i32
        %dma_start3A_176 = tpu.memref_slice %arg2[%dma_start3A_174, %dma_start3A_175] : memref<10112x128xf32, #tpu.memory_space<hbm>> -> memref<10112x128xf32, #tpu.memory_space<hbm>>
        tpu.enqueue_indirect_dma source(%dma_start3A_176 : memref<10112x128xf32, #tpu.memory_space<hbm>>) target(%arg8 : memref<128x128xf32, #tpu.memory_space<vmem>>) offsets(%dma_start3A_173 : memref<128xi32, #tpu.memory_space<vmem>>) semaphore(%arg11 : memref<!tpu.dma_semaphore, #tpu.memory_space<semaphore_mem>>)
      } else {
      }
      %dma_wait3A_162 = arith.constant 0 : i32
      %dma_wait3A_163 = tpu.memref_slice %arg6[%add3A_155, %dma_wait3A_162] : memref<64x128xi32, #tpu.memory_space<vmem>> -> memref<1x128xi32, #tpu.memory_space<vmem>>
      %dma_wait3A_164 = tpu.memref_squeeze %dma_wait3A_163 : memref<1x128xi32, #tpu.memory_space<vmem>> -> memref<128xi32, #tpu.memory_space<vmem>>
      %dma_wait3A_165 = arith.constant 0 : i32
      %dma_wait3A_166 = arith.constant 0 : i32
      %dma_wait3A_167 = tpu.memref_slice %arg2[%dma_wait3A_165, %dma_wait3A_166] : memref<10112x128xf32, #tpu.memory_space<hbm>> -> memref<10112x128xf32, #tpu.memory_space<hbm>>
      tpu.wait_indirect_dma semaphore(%arg12 : memref<!tpu.dma_semaphore, #tpu.memory_space<semaphore_mem>>) src(%dma_wait3A_167 : memref<10112x128xf32, #tpu.memory_space<hbm>>) dst(%arg9 : memref<128x128xf32, #tpu.memory_space<vmem>>)
      "tpu.region"() ({
        %run_scoped3A = tpu.sem_alloc : memref<!tpu.dma_semaphore, #tpu.memory_space<semaphore_mem>>
        %dma_start3A_169 = arith.constant 0 : i32
        %dma_start3A_170 = tpu.memref_slice %arg7[%add3A_155, %dma_start3A_169] : memref<64x128xi32, #tpu.memory_space<vmem>> -> memref<1x128xi32, #tpu.memory_space<vmem>>
        %dma_start3A_171 = tpu.memref_squeeze %dma_start3A_170 : memref<1x128xi32, #tpu.memory_space<vmem>> -> memref<128xi32, #tpu.memory_space<vmem>>
        %dma_start3A_172 = arith.constant 0 : i32
        %dma_start3A_173 = arith.constant 0 : i32
        %dma_start3A_174 = tpu.memref_slice %arg10[%dma_start3A_172, %dma_start3A_173] : memref<10112x128xf32, #tpu.memory_space<vmem_shared>> -> memref<10112x128xf32, #tpu.memory_space<vmem_shared>>
        tpu.enqueue_indirect_dma source(%arg9 : memref<128x128xf32, #tpu.memory_space<vmem>>) target(%dma_start3A_174 : memref<10112x128xf32, #tpu.memory_space<vmem_shared>>) offsets(%dma_start3A_171 : memref<128xi32, #tpu.memory_space<vmem>>) semaphore(%run_scoped3A : memref<!tpu.dma_semaphore, #tpu.memory_space<semaphore_mem>>) {add = true}
        %dma_wait3A_175 = arith.constant 0 : i32
        %dma_wait3A_176 = tpu.memref_slice %arg7[%add3A_155, %dma_wait3A_175] : memref<64x128xi32, #tpu.memory_space<vmem>> -> memref<1x128xi32, #tpu.memory_space<vmem>>
        %dma_wait3A_177 = tpu.memref_squeeze %dma_wait3A_176 : memref<1x128xi32, #tpu.memory_space<vmem>> -> memref<128xi32, #tpu.memory_space<vmem>>
        %dma_wait3A_178 = arith.constant 0 : i32
        %dma_wait3A_179 = arith.constant 0 : i32
        %dma_wait3A_180 = tpu.memref_slice %arg10[%dma_wait3A_178, %dma_wait3A_179] : memref<10112x128xf32, #tpu.memory_space<vmem_shared>> -> memref<10112x128xf32, #tpu.memory_space<vmem_shared>>
        tpu.wait_indirect_dma semaphore(%run_scoped3A : memref<!tpu.dma_semaphore, #tpu.memory_space<semaphore_mem>>) src(%arg9 : memref<128x128xf32, #tpu.memory_space<vmem>>) dst(%dma_wait3A_180 : memref<10112x128xf32, #tpu.memory_space<vmem_shared>>)
        tpu.yield
      }) : () -> ()
      %while3A_168 = arith.constant 0 : i32
      scf.yield %while3A_168 : i32
    }
    %while3A_130 = arith.constant 1 : i32
    %while3A_131 = scf.for %while3A_140 = %while3A_127 to %while3A_123 step %while3A_130 iter_args(%while3A_141 = %while3A_129) -> (i32)  : i32 {
      %mul3A_142 = arith.constant 2 : i32
      %mul3A_143 = arith.muli %while3A_140, %mul3A_142 : i32
      %add3A_144 = arith.constant 0 : i32
      %add3A_145 = arith.addi %mul3A_143, %add3A_144 : i32
      %add3A_146 = arith.constant 1 : i32
      %add3A_147 = arith.addi %add3A_145, %add3A_146 : i32
      %lt3A = arith.cmpi slt, %add3A_147, %select_n3A_40 : i32
      %convert_element_type3A = arith.extui %lt3A : i1 to i32
      %cond3A = arith.constant 0 : i32
      %cond3A_148 = arith.cmpi ne, %convert_element_type3A, %cond3A : i32
      scf.if %cond3A_148 {
        %add3A_169 = arith.constant 1 : i32
        %add3A_170 = arith.addi %add3A_145, %add3A_169 : i32
        %dma_start3A_171 = arith.constant 0 : i32
        %dma_start3A_172 = tpu.memref_slice %arg6[%add3A_170, %dma_start3A_171] : memref<64x128xi32, #tpu.memory_space<vmem>> -> memref<1x128xi32, #tpu.memory_space<vmem>>
        %dma_start3A_173 = tpu.memref_squeeze %dma_start3A_172 : memref<1x128xi32, #tpu.memory_space<vmem>> -> memref<128xi32, #tpu.memory_space<vmem>>
        %dma_start3A_174 = arith.constant 0 : i32
        %dma_start3A_175 = arith.constant 0 : i32
        %dma_start3A_176 = tpu.memref_slice %arg2[%dma_start3A_174, %dma_start3A_175] : memref<10112x128xf32, #tpu.memory_space<hbm>> -> memref<10112x128xf32, #tpu.memory_space<hbm>>
        tpu.enqueue_indirect_dma source(%dma_start3A_176 : memref<10112x128xf32, #tpu.memory_space<hbm>>) target(%arg9 : memref<128x128xf32, #tpu.memory_space<vmem>>) offsets(%dma_start3A_173 : memref<128xi32, #tpu.memory_space<vmem>>) semaphore(%arg12 : memref<!tpu.dma_semaphore, #tpu.memory_space<semaphore_mem>>)
      } else {
      }
      %dma_wait3A = arith.constant 0 : i32
      %dma_wait3A_149 = tpu.memref_slice %arg6[%add3A_145, %dma_wait3A] : memref<64x128xi32, #tpu.memory_space<vmem>> -> memref<1x128xi32, #tpu.memory_space<vmem>>
      %dma_wait3A_150 = tpu.memref_squeeze %dma_wait3A_149 : memref<1x128xi32, #tpu.memory_space<vmem>> -> memref<128xi32, #tpu.memory_space<vmem>>
      %dma_wait3A_151 = arith.constant 0 : i32
      %dma_wait3A_152 = arith.constant 0 : i32
      %dma_wait3A_153 = tpu.memref_slice %arg2[%dma_wait3A_151, %dma_wait3A_152] : memref<10112x128xf32, #tpu.memory_space<hbm>> -> memref<10112x128xf32, #tpu.memory_space<hbm>>
      tpu.wait_indirect_dma semaphore(%arg11 : memref<!tpu.dma_semaphore, #tpu.memory_space<semaphore_mem>>) src(%dma_wait3A_153 : memref<10112x128xf32, #tpu.memory_space<hbm>>) dst(%arg8 : memref<128x128xf32, #tpu.memory_space<vmem>>)
      "tpu.region"() ({
        %run_scoped3A = tpu.sem_alloc : memref<!tpu.dma_semaphore, #tpu.memory_space<semaphore_mem>>
        %dma_start3A_169 = arith.constant 0 : i32
        %dma_start3A_170 = tpu.memref_slice %arg7[%add3A_145, %dma_start3A_169] : memref<64x128xi32, #tpu.memory_space<vmem>> -> memref<1x128xi32, #tpu.memory_space<vmem>>
        %dma_start3A_171 = tpu.memref_squeeze %dma_start3A_170 : memref<1x128xi32, #tpu.memory_space<vmem>> -> memref<128xi32, #tpu.memory_space<vmem>>
        %dma_start3A_172 = arith.constant 0 : i32
        %dma_start3A_173 = arith.constant 0 : i32
        %dma_start3A_174 = tpu.memref_slice %arg10[%dma_start3A_172, %dma_start3A_173] : memref<10112x128xf32, #tpu.memory_space<vmem_shared>> -> memref<10112x128xf32, #tpu.memory_space<vmem_shared>>
        tpu.enqueue_indirect_dma source(%arg8 : memref<128x128xf32, #tpu.memory_space<vmem>>) target(%dma_start3A_174 : memref<10112x128xf32, #tpu.memory_space<vmem_shared>>) offsets(%dma_start3A_171 : memref<128xi32, #tpu.memory_space<vmem>>) semaphore(%run_scoped3A : memref<!tpu.dma_semaphore, #tpu.memory_space<semaphore_mem>>) {add = true}
        %dma_wait3A_175 = arith.constant 0 : i32
        %dma_wait3A_176 = tpu.memref_slice %arg7[%add3A_145, %dma_wait3A_175] : memref<64x128xi32, #tpu.memory_space<vmem>> -> memref<1x128xi32, #tpu.memory_space<vmem>>
        %dma_wait3A_177 = tpu.memref_squeeze %dma_wait3A_176 : memref<1x128xi32, #tpu.memory_space<vmem>> -> memref<128xi32, #tpu.memory_space<vmem>>
        %dma_wait3A_178 = arith.constant 0 : i32
        %dma_wait3A_179 = arith.constant 0 : i32
        %dma_wait3A_180 = tpu.memref_slice %arg10[%dma_wait3A_178, %dma_wait3A_179] : memref<10112x128xf32, #tpu.memory_space<vmem_shared>> -> memref<10112x128xf32, #tpu.memory_space<vmem_shared>>
        tpu.wait_indirect_dma semaphore(%run_scoped3A : memref<!tpu.dma_semaphore, #tpu.memory_space<semaphore_mem>>) src(%arg8 : memref<128x128xf32, #tpu.memory_space<vmem>>) dst(%dma_wait3A_180 : memref<10112x128xf32, #tpu.memory_space<vmem_shared>>)
        tpu.yield
      }) : () -> ()
      %add3A_154 = arith.constant 1 : i32
      %add3A_155 = arith.addi %mul3A_143, %add3A_154 : i32
      %add3A_156 = arith.constant 1 : i32
      %add3A_157 = arith.addi %add3A_155, %add3A_156 : i32
      %lt3A_158 = arith.cmpi slt, %add3A_157, %select_n3A_40 : i32
      %convert_element_type3A_159 = arith.extui %lt3A_158 : i1 to i32
      %cond3A_160 = arith.constant 0 : i32
      %cond3A_161 = arith.cmpi ne, %convert_element_type3A_159, %cond3A_160 : i32
      scf.if %cond3A_161 {
        %add3A_169 = arith.constant 1 : i32
        %add3A_170 = arith.addi %add3A_155, %add3A_169 : i32
        %dma_start3A_171 = arith.constant 0 : i32
        %dma_start3A_172 = tpu.memref_slice %arg6[%add3A_170, %dma_start3A_171] : memref<64x128xi32, #tpu.memory_space<vmem>> -> memref<1x128xi32, #tpu.memory_space<vmem>>
        %dma_start3A_173 = tpu.memref_squeeze %dma_start3A_172 : memref<1x128xi32, #tpu.memory_space<vmem>> -> memref<128xi32, #tpu.memory_space<vmem>>
        %dma_start3A_174 = arith.constant 0 : i32
        %dma_start3A_175 = arith.constant 0 : i32
        %dma_start3A_176 = tpu.memref_slice %arg2[%dma_start3A_174, %dma_start3A_175] : memref<10112x128xf32, #tpu.memory_space<hbm>> -> memref<10112x128xf32, #tpu.memory_space<hbm>>
        tpu.enqueue_indirect_dma source(%dma_start3A_176 : memref<10112x128xf32, #tpu.memory_space<hbm>>) target(%arg8 : memref<128x128xf32, #tpu.memory_space<vmem>>) offsets(%dma_start3A_173 : memref<128xi32, #tpu.memory_space<vmem>>) semaphore(%arg11 : memref<!tpu.dma_semaphore, #tpu.memory_space<semaphore_mem>>)
      } else {
      }
      %dma_wait3A_162 = arith.constant 0 : i32
      %dma_wait3A_163 = tpu.memref_slice %arg6[%add3A_155, %dma_wait3A_162] : memref<64x128xi32, #tpu.memory_space<vmem>> -> memref<1x128xi32, #tpu.memory_space<vmem>>
      %dma_wait3A_164 = tpu.memref_squeeze %dma_wait3A_163 : memref<1x128xi32, #tpu.memory_space<vmem>> -> memref<128xi32, #tpu.memory_space<vmem>>
      %dma_wait3A_165 = arith.constant 0 : i32
      %dma_wait3A_166 = arith.constant 0 : i32
      %dma_wait3A_167 = tpu.memref_slice %arg2[%dma_wait3A_165, %dma_wait3A_166] : memref<10112x128xf32, #tpu.memory_space<hbm>> -> memref<10112x128xf32, #tpu.memory_space<hbm>>
      tpu.wait_indirect_dma semaphore(%arg12 : memref<!tpu.dma_semaphore, #tpu.memory_space<semaphore_mem>>) src(%dma_wait3A_167 : memref<10112x128xf32, #tpu.memory_space<hbm>>) dst(%arg9 : memref<128x128xf32, #tpu.memory_space<vmem>>)
      "tpu.region"() ({
        %run_scoped3A = tpu.sem_alloc : memref<!tpu.dma_semaphore, #tpu.memory_space<semaphore_mem>>
        %dma_start3A_169 = arith.constant 0 : i32
        %dma_start3A_170 = tpu.memref_slice %arg7[%add3A_155, %dma_start3A_169] : memref<64x128xi32, #tpu.memory_space<vmem>> -> memref<1x128xi32, #tpu.memory_space<vmem>>
        %dma_start3A_171 = tpu.memref_squeeze %dma_start3A_170 : memref<1x128xi32, #tpu.memory_space<vmem>> -> memref<128xi32, #tpu.memory_space<vmem>>
        %dma_start3A_172 = arith.constant 0 : i32
        %dma_start3A_173 = arith.constant 0 : i32
        %dma_start3A_174 = tpu.memref_slice %arg10[%dma_start3A_172, %dma_start3A_173] : memref<10112x128xf32, #tpu.memory_space<vmem_shared>> -> memref<10112x128xf32, #tpu.memory_space<vmem_shared>>
        tpu.enqueue_indirect_dma source(%arg9 : memref<128x128xf32, #tpu.memory_space<vmem>>) target(%dma_start3A_174 : memref<10112x128xf32, #tpu.memory_space<vmem_shared>>) offsets(%dma_start3A_171 : memref<128xi32, #tpu.memory_space<vmem>>) semaphore(%run_scoped3A : memref<!tpu.dma_semaphore, #tpu.memory_space<semaphore_mem>>) {add = true}
        %dma_wait3A_175 = arith.constant 0 : i32
        %dma_wait3A_176 = tpu.memref_slice %arg7[%add3A_155, %dma_wait3A_175] : memref<64x128xi32, #tpu.memory_space<vmem>> -> memref<1x128xi32, #tpu.memory_space<vmem>>
        %dma_wait3A_177 = tpu.memref_squeeze %dma_wait3A_176 : memref<1x128xi32, #tpu.memory_space<vmem>> -> memref<128xi32, #tpu.memory_space<vmem>>
        %dma_wait3A_178 = arith.constant 0 : i32
        %dma_wait3A_179 = arith.constant 0 : i32
        %dma_wait3A_180 = tpu.memref_slice %arg10[%dma_wait3A_178, %dma_wait3A_179] : memref<10112x128xf32, #tpu.memory_space<vmem_shared>> -> memref<10112x128xf32, #tpu.memory_space<vmem_shared>>
        tpu.wait_indirect_dma semaphore(%run_scoped3A : memref<!tpu.dma_semaphore, #tpu.memory_space<semaphore_mem>>) src(%arg9 : memref<128x128xf32, #tpu.memory_space<vmem>>) dst(%dma_wait3A_180 : memref<10112x128xf32, #tpu.memory_space<vmem_shared>>)
        tpu.yield
      }) : () -> ()
      %while3A_168 = arith.constant 0 : i32
      scf.yield %while3A_168 : i32
    }
    %barrier3A_132 = arith.constant 0 : index
    tpu.barrier barrier_id(%barrier3A_132)
    %scan3A_133 = arith.constant 0 : i32
    %scan3A_134 = arith.constant 0 : i32
    %scan3A_135 = arith.constant 5 : i32
    %scan3A_136 = arith.addi %scan3A_134, %scan3A_135 : i32
    %scan3A_137 = arith.constant 1 : i32
    %scan3A_138 = scf.for %scan3A_140 = %scan3A_134 to %scan3A_136 step %scan3A_137 iter_args(%scan3A_141 = %scan3A_133) -> (i32)  : i32 {
      %mul3A_142 = arith.constant 16 : i32
      %mul3A_143 = arith.muli %scan3A_140, %mul3A_142 : i32
      %add3A_144 = arith.addi %arg1, %mul3A_143 : i32
      %lt3A = arith.constant 79 : i32
      %lt3A_145 = arith.cmpi slt, %add3A_144, %lt3A : i32
      %convert_element_type3A = arith.extui %lt3A_145 : i1 to i32
      %cond3A = arith.constant 0 : i32
      %cond3A_146 = arith.cmpi ne, %convert_element_type3A, %cond3A : i32
      scf.if %cond3A_146 {
        %mul3A_148 = arith.constant 128 : i32
        %mul3A_149 = arith.muli %add3A_144, %mul3A_148 : i32
        "tpu.region"() ({
          %run_scoped3A = tpu.sem_alloc : memref<!tpu.dma_semaphore, #tpu.memory_space<semaphore_mem>>
          %dma_start3A_152 = arith.constant 0 : i32
          %dma_start3A_153 = tpu.memref_slice %arg10[%mul3A_149, %dma_start3A_152] : memref<10112x128xf32, #tpu.memory_space<vmem_shared>> -> memref<128x128xf32, #tpu.memory_space<vmem_shared>>
          %dma_start3A_154 = arith.constant 0 : i32
          %dma_start3A_155 = tpu.memref_slice %arg10[%mul3A_149, %dma_start3A_154] : memref<10112x128xf32, #tpu.memory_space<vmem_shared>> -> memref<128x128xf32, #tpu.memory_space<vmem_shared>>
          tpu.enqueue_dma source(%dma_start3A_155 : memref<128x128xf32, #tpu.memory_space<vmem_shared>>) target(%arg8 : memref<128x128xf32, #tpu.memory_space<vmem>>) target_semaphore(%run_scoped3A : memref<!tpu.dma_semaphore, #tpu.memory_space<semaphore_mem>>)
          %dma_wait3A = arith.constant 0 : i32
          %dma_wait3A_156 = tpu.memref_slice %arg10[%mul3A_149, %dma_wait3A] : memref<10112x128xf32, #tpu.memory_space<vmem_shared>> -> memref<128x128xf32, #tpu.memory_space<vmem_shared>>
          %dma_wait3A_157 = arith.constant 0 : i32
          %dma_wait3A_158 = tpu.memref_slice %arg10[%mul3A_149, %dma_wait3A_157] : memref<10112x128xf32, #tpu.memory_space<vmem_shared>> -> memref<128x128xf32, #tpu.memory_space<vmem_shared>>
          tpu.wait_dma2 semaphore(%run_scoped3A : memref<!tpu.dma_semaphore, #tpu.memory_space<semaphore_mem>>) src(%dma_wait3A_158 : memref<128x128xf32, #tpu.memory_space<vmem_shared>>) dst(%arg8 : memref<128x128xf32, #tpu.memory_space<vmem>>)
          tpu.yield
        }) : () -> ()
        %mul3A_150 = arith.constant 128 : i32
        %mul3A_151 = arith.muli %add3A_144, %mul3A_150 : i32
        "tpu.region"() ({
          %run_scoped3A = tpu.sem_alloc : memref<!tpu.dma_semaphore, #tpu.memory_space<semaphore_mem>>
          %dma_start3A_152 = arith.constant 0 : i32
          %dma_start3A_153 = tpu.memref_slice %arg5[%arg0, %mul3A_151, %dma_start3A_152] : memref<2x10112x128xf32, #tpu.memory_space<hbm>> -> memref<1x128x128xf32, #tpu.memory_space<hbm>>
          %dma_start3A_154 = tpu.memref_squeeze %dma_start3A_153 : memref<1x128x128xf32, #tpu.memory_space<hbm>> -> memref<128x128xf32, #tpu.memory_space<hbm>>
          %dma_start3A_155 = arith.constant 0 : i32
          %dma_start3A_156 = tpu.memref_slice %arg5[%arg0, %mul3A_151, %dma_start3A_155] : memref<2x10112x128xf32, #tpu.memory_space<hbm>> -> memref<1x128x128xf32, #tpu.memory_space<hbm>>
          %dma_start3A_157 = tpu.memref_squeeze %dma_start3A_156 : memref<1x128x128xf32, #tpu.memory_space<hbm>> -> memref<128x128xf32, #tpu.memory_space<hbm>>
          tpu.enqueue_dma source(%arg8 : memref<128x128xf32, #tpu.memory_space<vmem>>) target(%dma_start3A_157 : memref<128x128xf32, #tpu.memory_space<hbm>>) target_semaphore(%run_scoped3A : memref<!tpu.dma_semaphore, #tpu.memory_space<semaphore_mem>>)
          %dma_wait3A = arith.constant 0 : i32
          %dma_wait3A_158 = tpu.memref_slice %arg5[%arg0, %mul3A_151, %dma_wait3A] : memref<2x10112x128xf32, #tpu.memory_space<hbm>> -> memref<1x128x128xf32, #tpu.memory_space<hbm>>
          %dma_wait3A_159 = tpu.memref_squeeze %dma_wait3A_158 : memref<1x128x128xf32, #tpu.memory_space<hbm>> -> memref<128x128xf32, #tpu.memory_space<hbm>>
          %dma_wait3A_160 = arith.constant 0 : i32
          %dma_wait3A_161 = tpu.memref_slice %arg5[%arg0, %mul3A_151, %dma_wait3A_160] : memref<2x10112x128xf32, #tpu.memory_space<hbm>> -> memref<1x128x128xf32, #tpu.memory_space<hbm>>
          %dma_wait3A_162 = tpu.memref_squeeze %dma_wait3A_161 : memref<1x128x128xf32, #tpu.memory_space<hbm>> -> memref<128x128xf32, #tpu.memory_space<hbm>>
          tpu.wait_dma2 semaphore(%run_scoped3A : memref<!tpu.dma_semaphore, #tpu.memory_space<semaphore_mem>>) src(%arg8 : memref<128x128xf32, #tpu.memory_space<vmem>>) dst(%dma_wait3A_162 : memref<128x128xf32, #tpu.memory_space<hbm>>)
          tpu.yield
        }) : () -> ()
      } else {
      }
      %scan3A_147 = arith.constant 0 : i32
      scf.yield %scan3A_147 : i32
    }
    %scan3A_139 = arith.constant 5 : i32
    return
  }
}

#map = affine_map<(d0, d1) -> (0, 0)>
#map1 = affine_map<(d0, d1) -> (0, 0, 0)>
module attributes {stable_mosaic.version = 14 : i64} {
  func.func @deg_kernel(%arg0: i32, %arg1: i32, %arg2: memref<2624x128xi32, #tpu.memory_space<hbm>>, %arg3: memref<2x10112x128xf32, #tpu.memory_space<hbm>>, %arg4: memref<80x128xi32, #tpu.memory_space<vmem>>, %arg5: memref<128x128xf32, #tpu.memory_space<vmem>>, %arg6: memref<10112x128xf32, #tpu.memory_space<vmem_shared>>, %arg7: memref<!tpu.dma_semaphore, #tpu.memory_space<semaphore_mem>>) attributes {dimension_semantics = [#tpu.dimension_semantics<core_parallel>, #tpu.dimension_semantics<subcore_parallel>], iteration_bounds = array<i64: 2, 16>, scalar_prefetch = 0 : i64, scratch_operands = 4 : i64, tpu.core_type = #tpu.core_type<sc_vector_subcore>, window_params = [{transform_indices = #map}, {transform_indices = #map1}]} {
    %mul3A = arith.constant 16 : i32
    %mul3A_0 = arith.muli %arg0, %mul3A : i32
    %add3A = arith.addi %mul3A_0, %arg1 : i32
    %broadcast_in_dim3A = arith.constant 0.000000e+00 : f32
    %broadcast_in_dim3A_1 = vector.broadcast %broadcast_in_dim3A : f32 to vector<16xf32>
    %scan3A = arith.constant 0 : i32
    %scan3A_2 = arith.constant 0 : i32
    %scan3A_3 = arith.constant 128 : i32
    %scan3A_4 = arith.addi %scan3A_2, %scan3A_3 : i32
    %scan3A_5 = arith.constant 1 : i32
    %scan3A_6 = scf.for %scan3A_41 = %scan3A_2 to %scan3A_4 step %scan3A_5 iter_args(%scan3A_42 = %scan3A) -> (i32)  : i32 {
      %swap3A = arith.index_cast %scan3A_41 : i32 to index
      %swap3A_43 = arith.constant 0 : index
      %swap3A_44 = tpu.vector_load %arg5[%swap3A, %swap3A_43] {strides = array<i32>} : memref<128x128xf32, #tpu.memory_space<vmem>>, vector<1x16xf32>,
      %swap3A_45 = vector.shape_cast %swap3A_44 : vector<1x16xf32> to vector<16xf32>
      %swap3A_46 = vector.shape_cast %broadcast_in_dim3A_1 : vector<16xf32> to vector<1x16xf32>
      tpu.vector_store %arg5[%swap3A, %swap3A_43], %swap3A_46 {strides = array<i32>} : memref<128x128xf32, #tpu.memory_space<vmem>>, vector<1x16xf32>,
      %swap3A_47 = arith.index_cast %scan3A_41 : i32 to index
      %swap3A_48 = arith.constant 16 : index
      %swap3A_49 = tpu.vector_load %arg5[%swap3A_47, %swap3A_48] {strides = array<i32>} : memref<128x128xf32, #tpu.memory_space<vmem>>, vector<1x16xf32>,
      %swap3A_50 = vector.shape_cast %swap3A_49 : vector<1x16xf32> to vector<16xf32>
      %swap3A_51 = vector.shape_cast %broadcast_in_dim3A_1 : vector<16xf32> to vector<1x16xf32>
      tpu.vector_store %arg5[%swap3A_47, %swap3A_48], %swap3A_51 {strides = array<i32>} : memref<128x128xf32, #tpu.memory_space<vmem>>, vector<1x16xf32>,
      %swap3A_52 = arith.index_cast %scan3A_41 : i32 to index
      %swap3A_53 = arith.constant 32 : index
      %swap3A_54 = tpu.vector_load %arg5[%swap3A_52, %swap3A_53] {strides = array<i32>} : memref<128x128xf32, #tpu.memory_space<vmem>>, vector<1x16xf32>,
      %swap3A_55 = vector.shape_cast %swap3A_54 : vector<1x16xf32> to vector<16xf32>
      %swap3A_56 = vector.shape_cast %broadcast_in_dim3A_1 : vector<16xf32> to vector<1x16xf32>
      tpu.vector_store %arg5[%swap3A_52, %swap3A_53], %swap3A_56 {strides = array<i32>} : memref<128x128xf32, #tpu.memory_space<vmem>>, vector<1x16xf32>,
      %swap3A_57 = arith.index_cast %scan3A_41 : i32 to index
      %swap3A_58 = arith.constant 48 : index
      %swap3A_59 = tpu.vector_load %arg5[%swap3A_57, %swap3A_58] {strides = array<i32>} : memref<128x128xf32, #tpu.memory_space<vmem>>, vector<1x16xf32>,
      %swap3A_60 = vector.shape_cast %swap3A_59 : vector<1x16xf32> to vector<16xf32>
      %swap3A_61 = vector.shape_cast %broadcast_in_dim3A_1 : vector<16xf32> to vector<1x16xf32>
      tpu.vector_store %arg5[%swap3A_57, %swap3A_58], %swap3A_61 {strides = array<i32>} : memref<128x128xf32, #tpu.memory_space<vmem>>, vector<1x16xf32>,
      %swap3A_62 = arith.index_cast %scan3A_41 : i32 to index
      %swap3A_63 = arith.constant 64 : index
      %swap3A_64 = tpu.vector_load %arg5[%swap3A_62, %swap3A_63] {strides = array<i32>} : memref<128x128xf32, #tpu.memory_space<vmem>>, vector<1x16xf32>,
      %swap3A_65 = vector.shape_cast %swap3A_64 : vector<1x16xf32> to vector<16xf32>
      %swap3A_66 = vector.shape_cast %broadcast_in_dim3A_1 : vector<16xf32> to vector<1x16xf32>
      tpu.vector_store %arg5[%swap3A_62, %swap3A_63], %swap3A_66 {strides = array<i32>} : memref<128x128xf32, #tpu.memory_space<vmem>>, vector<1x16xf32>,
      %swap3A_67 = arith.index_cast %scan3A_41 : i32 to index
      %swap3A_68 = arith.constant 80 : index
      %swap3A_69 = tpu.vector_load %arg5[%swap3A_67, %swap3A_68] {strides = array<i32>} : memref<128x128xf32, #tpu.memory_space<vmem>>, vector<1x16xf32>,
      %swap3A_70 = vector.shape_cast %swap3A_69 : vector<1x16xf32> to vector<16xf32>
      %swap3A_71 = vector.shape_cast %broadcast_in_dim3A_1 : vector<16xf32> to vector<1x16xf32>
      tpu.vector_store %arg5[%swap3A_67, %swap3A_68], %swap3A_71 {strides = array<i32>} : memref<128x128xf32, #tpu.memory_space<vmem>>, vector<1x16xf32>,
      %swap3A_72 = arith.index_cast %scan3A_41 : i32 to index
      %swap3A_73 = arith.constant 96 : index
      %swap3A_74 = tpu.vector_load %arg5[%swap3A_72, %swap3A_73] {strides = array<i32>} : memref<128x128xf32, #tpu.memory_space<vmem>>, vector<1x16xf32>,
      %swap3A_75 = vector.shape_cast %swap3A_74 : vector<1x16xf32> to vector<16xf32>
      %swap3A_76 = vector.shape_cast %broadcast_in_dim3A_1 : vector<16xf32> to vector<1x16xf32>
      tpu.vector_store %arg5[%swap3A_72, %swap3A_73], %swap3A_76 {strides = array<i32>} : memref<128x128xf32, #tpu.memory_space<vmem>>, vector<1x16xf32>,
      %swap3A_77 = arith.index_cast %scan3A_41 : i32 to index
      %swap3A_78 = arith.constant 112 : index
      %swap3A_79 = tpu.vector_load %arg5[%swap3A_77, %swap3A_78] {strides = array<i32>} : memref<128x128xf32, #tpu.memory_space<vmem>>, vector<1x16xf32>,
      %swap3A_80 = vector.shape_cast %swap3A_79 : vector<1x16xf32> to vector<16xf32>
      %swap3A_81 = vector.shape_cast %broadcast_in_dim3A_1 : vector<16xf32> to vector<1x16xf32>
      tpu.vector_store %arg5[%swap3A_77, %swap3A_78], %swap3A_81 {strides = array<i32>} : memref<128x128xf32, #tpu.memory_space<vmem>>, vector<1x16xf32>,
      %scan3A_82 = arith.constant 0 : i32
      scf.yield %scan3A_82 : i32
    }
    %scan3A_7 = arith.constant 128 : i32
    %scan3A_8 = arith.constant 0 : i32
    %scan3A_9 = arith.constant 0 : i32
    %scan3A_10 = arith.constant 5 : i32
    %scan3A_11 = arith.addi %scan3A_9, %scan3A_10 : i32
    %scan3A_12 = arith.constant 1 : i32
    %scan3A_13 = scf.for %scan3A_41 = %scan3A_9 to %scan3A_11 step %scan3A_12 iter_args(%scan3A_42 = %scan3A_8) -> (i32)  : i32 {
      %mul3A_43 = arith.constant 16 : i32
      %mul3A_44 = arith.muli %scan3A_41, %mul3A_43 : i32
      %add3A_45 = arith.addi %arg1, %mul3A_44 : i32
      %lt3A = arith.constant 79 : i32
      %lt3A_46 = arith.cmpi slt, %add3A_45, %lt3A : i32
      %convert_element_type3A = arith.extui %lt3A_46 : i1 to i32
      %cond3A = arith.constant 0 : i32
      %cond3A_47 = arith.cmpi ne, %convert_element_type3A, %cond3A : i32
      scf.if %cond3A_47 {
        %mul3A_49 = arith.constant 128 : i32
        %mul3A_50 = arith.muli %add3A_45, %mul3A_49 : i32
        "tpu.region"() ({
          %run_scoped3A = tpu.sem_alloc : memref<!tpu.dma_semaphore, #tpu.memory_space<semaphore_mem>>
          %dma_start3A = arith.constant 0 : i32
          %dma_start3A_51 = tpu.memref_slice %arg6[%mul3A_50, %dma_start3A] : memref<10112x128xf32, #tpu.memory_space<vmem_shared>> -> memref<128x128xf32, #tpu.memory_space<vmem_shared>>
          %dma_start3A_52 = arith.constant 0 : i32
          %dma_start3A_53 = tpu.memref_slice %arg6[%mul3A_50, %dma_start3A_52] : memref<10112x128xf32, #tpu.memory_space<vmem_shared>> -> memref<128x128xf32, #tpu.memory_space<vmem_shared>>
          tpu.enqueue_dma source(%arg5 : memref<128x128xf32, #tpu.memory_space<vmem>>) target(%dma_start3A_53 : memref<128x128xf32, #tpu.memory_space<vmem_shared>>) target_semaphore(%run_scoped3A : memref<!tpu.dma_semaphore, #tpu.memory_space<semaphore_mem>>)
          %dma_wait3A = arith.constant 0 : i32
          %dma_wait3A_54 = tpu.memref_slice %arg6[%mul3A_50, %dma_wait3A] : memref<10112x128xf32, #tpu.memory_space<vmem_shared>> -> memref<128x128xf32, #tpu.memory_space<vmem_shared>>
          %dma_wait3A_55 = arith.constant 0 : i32
          %dma_wait3A_56 = tpu.memref_slice %arg6[%mul3A_50, %dma_wait3A_55] : memref<10112x128xf32, #tpu.memory_space<vmem_shared>> -> memref<128x128xf32, #tpu.memory_space<vmem_shared>>
          tpu.wait_dma2 semaphore(%run_scoped3A : memref<!tpu.dma_semaphore, #tpu.memory_space<semaphore_mem>>) src(%arg5 : memref<128x128xf32, #tpu.memory_space<vmem>>) dst(%dma_wait3A_56 : memref<128x128xf32, #tpu.memory_space<vmem_shared>>)
          tpu.yield
        }) : () -> ()
      } else {
      }
      %scan3A_48 = arith.constant 0 : i32
      scf.yield %scan3A_48 : i32
    }
    %scan3A_14 = arith.constant 5 : i32
    %barrier3A = arith.constant 0 : index
    tpu.barrier barrier_id(%barrier3A)
    %broadcast_in_dim3A_15 = arith.constant 1.000000e+00 : f32
    %broadcast_in_dim3A_16 = vector.broadcast %broadcast_in_dim3A_15 : f32 to vector<16xf32>
    %scan3A_17 = arith.constant 0 : i32
    %scan3A_18 = arith.constant 0 : i32
    %scan3A_19 = arith.constant 128 : i32
    %scan3A_20 = arith.addi %scan3A_18, %scan3A_19 : i32
    %scan3A_21 = arith.constant 1 : i32
    %scan3A_22 = scf.for %scan3A_41 = %scan3A_18 to %scan3A_20 step %scan3A_21 iter_args(%scan3A_42 = %scan3A_17) -> (i32)  : i32 {
      %swap3A = arith.index_cast %scan3A_41 : i32 to index
      %swap3A_43 = arith.constant 0 : index
      %swap3A_44 = tpu.vector_load %arg5[%swap3A, %swap3A_43] {strides = array<i32>} : memref<128x128xf32, #tpu.memory_space<vmem>>, vector<1x16xf32>,
      %swap3A_45 = vector.shape_cast %swap3A_44 : vector<1x16xf32> to vector<16xf32>
      %swap3A_46 = vector.shape_cast %broadcast_in_dim3A_16 : vector<16xf32> to vector<1x16xf32>
      tpu.vector_store %arg5[%swap3A, %swap3A_43], %swap3A_46 {strides = array<i32>} : memref<128x128xf32, #tpu.memory_space<vmem>>, vector<1x16xf32>,
      %swap3A_47 = arith.index_cast %scan3A_41 : i32 to index
      %swap3A_48 = arith.constant 16 : index
      %swap3A_49 = tpu.vector_load %arg5[%swap3A_47, %swap3A_48] {strides = array<i32>} : memref<128x128xf32, #tpu.memory_space<vmem>>, vector<1x16xf32>,
      %swap3A_50 = vector.shape_cast %swap3A_49 : vector<1x16xf32> to vector<16xf32>
      %swap3A_51 = vector.shape_cast %broadcast_in_dim3A_16 : vector<16xf32> to vector<1x16xf32>
      tpu.vector_store %arg5[%swap3A_47, %swap3A_48], %swap3A_51 {strides = array<i32>} : memref<128x128xf32, #tpu.memory_space<vmem>>, vector<1x16xf32>,
      %swap3A_52 = arith.index_cast %scan3A_41 : i32 to index
      %swap3A_53 = arith.constant 32 : index
      %swap3A_54 = tpu.vector_load %arg5[%swap3A_52, %swap3A_53] {strides = array<i32>} : memref<128x128xf32, #tpu.memory_space<vmem>>, vector<1x16xf32>,
      %swap3A_55 = vector.shape_cast %swap3A_54 : vector<1x16xf32> to vector<16xf32>
      %swap3A_56 = vector.shape_cast %broadcast_in_dim3A_16 : vector<16xf32> to vector<1x16xf32>
      tpu.vector_store %arg5[%swap3A_52, %swap3A_53], %swap3A_56 {strides = array<i32>} : memref<128x128xf32, #tpu.memory_space<vmem>>, vector<1x16xf32>,
      %swap3A_57 = arith.index_cast %scan3A_41 : i32 to index
      %swap3A_58 = arith.constant 48 : index
      %swap3A_59 = tpu.vector_load %arg5[%swap3A_57, %swap3A_58] {strides = array<i32>} : memref<128x128xf32, #tpu.memory_space<vmem>>, vector<1x16xf32>,
      %swap3A_60 = vector.shape_cast %swap3A_59 : vector<1x16xf32> to vector<16xf32>
      %swap3A_61 = vector.shape_cast %broadcast_in_dim3A_16 : vector<16xf32> to vector<1x16xf32>
      tpu.vector_store %arg5[%swap3A_57, %swap3A_58], %swap3A_61 {strides = array<i32>} : memref<128x128xf32, #tpu.memory_space<vmem>>, vector<1x16xf32>,
      %swap3A_62 = arith.index_cast %scan3A_41 : i32 to index
      %swap3A_63 = arith.constant 64 : index
      %swap3A_64 = tpu.vector_load %arg5[%swap3A_62, %swap3A_63] {strides = array<i32>} : memref<128x128xf32, #tpu.memory_space<vmem>>, vector<1x16xf32>,
      %swap3A_65 = vector.shape_cast %swap3A_64 : vector<1x16xf32> to vector<16xf32>
      %swap3A_66 = vector.shape_cast %broadcast_in_dim3A_16 : vector<16xf32> to vector<1x16xf32>
      tpu.vector_store %arg5[%swap3A_62, %swap3A_63], %swap3A_66 {strides = array<i32>} : memref<128x128xf32, #tpu.memory_space<vmem>>, vector<1x16xf32>,
      %swap3A_67 = arith.index_cast %scan3A_41 : i32 to index
      %swap3A_68 = arith.constant 80 : index
      %swap3A_69 = tpu.vector_load %arg5[%swap3A_67, %swap3A_68] {strides = array<i32>} : memref<128x128xf32, #tpu.memory_space<vmem>>, vector<1x16xf32>,
      %swap3A_70 = vector.shape_cast %swap3A_69 : vector<1x16xf32> to vector<16xf32>
      %swap3A_71 = vector.shape_cast %broadcast_in_dim3A_16 : vector<16xf32> to vector<1x16xf32>
      tpu.vector_store %arg5[%swap3A_67, %swap3A_68], %swap3A_71 {strides = array<i32>} : memref<128x128xf32, #tpu.memory_space<vmem>>, vector<1x16xf32>,
      %swap3A_72 = arith.index_cast %scan3A_41 : i32 to index
      %swap3A_73 = arith.constant 96 : index
      %swap3A_74 = tpu.vector_load %arg5[%swap3A_72, %swap3A_73] {strides = array<i32>} : memref<128x128xf32, #tpu.memory_space<vmem>>, vector<1x16xf32>,
      %swap3A_75 = vector.shape_cast %swap3A_74 : vector<1x16xf32> to vector<16xf32>
      %swap3A_76 = vector.shape_cast %broadcast_in_dim3A_16 : vector<16xf32> to vector<1x16xf32>
      tpu.vector_store %arg5[%swap3A_72, %swap3A_73], %swap3A_76 {strides = array<i32>} : memref<128x128xf32, #tpu.memory_space<vmem>>, vector<1x16xf32>,
      %swap3A_77 = arith.index_cast %scan3A_41 : i32 to index
      %swap3A_78 = arith.constant 112 : index
      %swap3A_79 = tpu.vector_load %arg5[%swap3A_77, %swap3A_78] {strides = array<i32>} : memref<128x128xf32, #tpu.memory_space<vmem>>, vector<1x16xf32>,
      %swap3A_80 = vector.shape_cast %swap3A_79 : vector<1x16xf32> to vector<16xf32>
      %swap3A_81 = vector.shape_cast %broadcast_in_dim3A_16 : vector<16xf32> to vector<1x16xf32>
      tpu.vector_store %arg5[%swap3A_77, %swap3A_78], %swap3A_81 {strides = array<i32>} : memref<128x128xf32, #tpu.memory_space<vmem>>, vector<1x16xf32>,
      %scan3A_82 = arith.constant 0 : i32
      scf.yield %scan3A_82 : i32
    }
    %scan3A_23 = arith.constant 128 : i32
    %mul3A_24 = arith.constant 80 : i32
    %mul3A_25 = arith.muli %add3A, %mul3A_24 : i32
    "tpu.region"() ({
      %run_scoped3A = tpu.sem_alloc : memref<!tpu.dma_semaphore, #tpu.memory_space<semaphore_mem>>
      %dma_start3A = arith.constant 0 : i32
      %dma_start3A_41 = tpu.memref_slice %arg2[%mul3A_25, %dma_start3A] : memref<2624x128xi32, #tpu.memory_space<hbm>> -> memref<80x128xi32, #tpu.memory_space<hbm>>
      %dma_start3A_42 = arith.constant 0 : i32
      %dma_start3A_43 = tpu.memref_slice %arg2[%mul3A_25, %dma_start3A_42] : memref<2624x128xi32, #tpu.memory_space<hbm>> -> memref<80x128xi32, #tpu.memory_space<hbm>>
      tpu.enqueue_dma source(%dma_start3A_43 : memref<80x128xi32, #tpu.memory_space<hbm>>) target(%arg4 : memref<80x128xi32, #tpu.memory_space<vmem>>) target_semaphore(%run_scoped3A : memref<!tpu.dma_semaphore, #tpu.memory_space<semaphore_mem>>)
      %dma_wait3A = arith.constant 0 : i32
      %dma_wait3A_44 = tpu.memref_slice %arg2[%mul3A_25, %dma_wait3A] : memref<2624x128xi32, #tpu.memory_space<hbm>> -> memref<80x128xi32, #tpu.memory_space<hbm>>
      %dma_wait3A_45 = arith.constant 0 : i32
      %dma_wait3A_46 = tpu.memref_slice %arg2[%mul3A_25, %dma_wait3A_45] : memref<2624x128xi32, #tpu.memory_space<hbm>> -> memref<80x128xi32, #tpu.memory_space<hbm>>
      tpu.wait_dma2 semaphore(%run_scoped3A : memref<!tpu.dma_semaphore, #tpu.memory_space<semaphore_mem>>) src(%dma_wait3A_46 : memref<80x128xi32, #tpu.memory_space<hbm>>) dst(%arg4 : memref<80x128xi32, #tpu.memory_space<vmem>>)
      tpu.yield
    }) : () -> ()
    %scan3A_26 = arith.constant 0 : i32
    %scan3A_27 = arith.constant 0 : i32
    %scan3A_28 = arith.constant 10 : i32
    %scan3A_29 = arith.addi %scan3A_27, %scan3A_28 : i32
    %scan3A_30 = arith.constant 1 : i32
    %scan3A_31 = scf.for %scan3A_41 = %scan3A_27 to %scan3A_29 step %scan3A_30 iter_args(%scan3A_42 = %scan3A_26) -> (i32)  : i32 {
      %mul3A_43 = arith.constant 8 : i32
      %mul3A_44 = arith.muli %scan3A_41, %mul3A_43 : i32
      %add3A_45 = arith.constant 0 : i32
      %add3A_46 = arith.addi %mul3A_44, %add3A_45 : i32
      %dma_start3A = arith.constant 0 : i32
      %dma_start3A_47 = tpu.memref_slice %arg4[%add3A_46, %dma_start3A] : memref<80x128xi32, #tpu.memory_space<vmem>> -> memref<1x128xi32, #tpu.memory_space<vmem>>
      %dma_start3A_48 = tpu.memref_squeeze %dma_start3A_47 : memref<1x128xi32, #tpu.memory_space<vmem>> -> memref<128xi32, #tpu.memory_space<vmem>>
      %dma_start3A_49 = arith.constant 0 : i32
      %dma_start3A_50 = arith.constant 0 : i32
      %dma_start3A_51 = tpu.memref_slice %arg6[%dma_start3A_49, %dma_start3A_50] : memref<10112x128xf32, #tpu.memory_space<vmem_shared>> -> memref<10112x128xf32, #tpu.memory_space<vmem_shared>>
      tpu.enqueue_indirect_dma source(%arg5 : memref<128x128xf32, #tpu.memory_space<vmem>>) target(%dma_start3A_51 : memref<10112x128xf32, #tpu.memory_space<vmem_shared>>) offsets(%dma_start3A_48 : memref<128xi32, #tpu.memory_space<vmem>>) semaphore(%arg7 : memref<!tpu.dma_semaphore, #tpu.memory_space<semaphore_mem>>) {add = true}
      %mul3A_52 = arith.constant 8 : i32
      %mul3A_53 = arith.muli %scan3A_41, %mul3A_52 : i32
      %add3A_54 = arith.constant 1 : i32
      %add3A_55 = arith.addi %mul3A_53, %add3A_54 : i32
      %dma_start3A_56 = arith.constant 0 : i32
      %dma_start3A_57 = tpu.memref_slice %arg4[%add3A_55, %dma_start3A_56] : memref<80x128xi32, #tpu.memory_space<vmem>> -> memref<1x128xi32, #tpu.memory_space<vmem>>
      %dma_start3A_58 = tpu.memref_squeeze %dma_start3A_57 : memref<1x128xi32, #tpu.memory_space<vmem>> -> memref<128xi32, #tpu.memory_space<vmem>>
      %dma_start3A_59 = arith.constant 0 : i32
      %dma_start3A_60 = arith.constant 0 : i32
      %dma_start3A_61 = tpu.memref_slice %arg6[%dma_start3A_59, %dma_start3A_60] : memref<10112x128xf32, #tpu.memory_space<vmem_shared>> -> memref<10112x128xf32, #tpu.memory_space<vmem_shared>>
      tpu.enqueue_indirect_dma source(%arg5 : memref<128x128xf32, #tpu.memory_space<vmem>>) target(%dma_start3A_61 : memref<10112x128xf32, #tpu.memory_space<vmem_shared>>) offsets(%dma_start3A_58 : memref<128xi32, #tpu.memory_space<vmem>>) semaphore(%arg7 : memref<!tpu.dma_semaphore, #tpu.memory_space<semaphore_mem>>) {add = true}
      %mul3A_62 = arith.constant 8 : i32
      %mul3A_63 = arith.muli %scan3A_41, %mul3A_62 : i32
      %add3A_64 = arith.constant 2 : i32
      %add3A_65 = arith.addi %mul3A_63, %add3A_64 : i32
      %dma_start3A_66 = arith.constant 0 : i32
      %dma_start3A_67 = tpu.memref_slice %arg4[%add3A_65, %dma_start3A_66] : memref<80x128xi32, #tpu.memory_space<vmem>> -> memref<1x128xi32, #tpu.memory_space<vmem>>
      %dma_start3A_68 = tpu.memref_squeeze %dma_start3A_67 : memref<1x128xi32, #tpu.memory_space<vmem>> -> memref<128xi32, #tpu.memory_space<vmem>>
      %dma_start3A_69 = arith.constant 0 : i32
      %dma_start3A_70 = arith.constant 0 : i32
      %dma_start3A_71 = tpu.memref_slice %arg6[%dma_start3A_69, %dma_start3A_70] : memref<10112x128xf32, #tpu.memory_space<vmem_shared>> -> memref<10112x128xf32, #tpu.memory_space<vmem_shared>>
      tpu.enqueue_indirect_dma source(%arg5 : memref<128x128xf32, #tpu.memory_space<vmem>>) target(%dma_start3A_71 : memref<10112x128xf32, #tpu.memory_space<vmem_shared>>) offsets(%dma_start3A_68 : memref<128xi32, #tpu.memory_space<vmem>>) semaphore(%arg7 : memref<!tpu.dma_semaphore, #tpu.memory_space<semaphore_mem>>) {add = true}
      %mul3A_72 = arith.constant 8 : i32
      %mul3A_73 = arith.muli %scan3A_41, %mul3A_72 : i32
      %add3A_74 = arith.constant 3 : i32
      %add3A_75 = arith.addi %mul3A_73, %add3A_74 : i32
      %dma_start3A_76 = arith.constant 0 : i32
      %dma_start3A_77 = tpu.memref_slice %arg4[%add3A_75, %dma_start3A_76] : memref<80x128xi32, #tpu.memory_space<vmem>> -> memref<1x128xi32, #tpu.memory_space<vmem>>
      %dma_start3A_78 = tpu.memref_squeeze %dma_start3A_77 : memref<1x128xi32, #tpu.memory_space<vmem>> -> memref<128xi32, #tpu.memory_space<vmem>>
      %dma_start3A_79 = arith.constant 0 : i32
      %dma_start3A_80 = arith.constant 0 : i32
      %dma_start3A_81 = tpu.memref_slice %arg6[%dma_start3A_79, %dma_start3A_80] : memref<10112x128xf32, #tpu.memory_space<vmem_shared>> -> memref<10112x128xf32, #tpu.memory_space<vmem_shared>>
      tpu.enqueue_indirect_dma source(%arg5 : memref<128x128xf32, #tpu.memory_space<vmem>>) target(%dma_start3A_81 : memref<10112x128xf32, #tpu.memory_space<vmem_shared>>) offsets(%dma_start3A_78 : memref<128xi32, #tpu.memory_space<vmem>>) semaphore(%arg7 : memref<!tpu.dma_semaphore, #tpu.memory_space<semaphore_mem>>) {add = true}
      %mul3A_82 = arith.constant 8 : i32
      %mul3A_83 = arith.muli %scan3A_41, %mul3A_82 : i32
      %add3A_84 = arith.constant 4 : i32
      %add3A_85 = arith.addi %mul3A_83, %add3A_84 : i32
      %dma_start3A_86 = arith.constant 0 : i32
      %dma_start3A_87 = tpu.memref_slice %arg4[%add3A_85, %dma_start3A_86] : memref<80x128xi32, #tpu.memory_space<vmem>> -> memref<1x128xi32, #tpu.memory_space<vmem>>
      %dma_start3A_88 = tpu.memref_squeeze %dma_start3A_87 : memref<1x128xi32, #tpu.memory_space<vmem>> -> memref<128xi32, #tpu.memory_space<vmem>>
      %dma_start3A_89 = arith.constant 0 : i32
      %dma_start3A_90 = arith.constant 0 : i32
      %dma_start3A_91 = tpu.memref_slice %arg6[%dma_start3A_89, %dma_start3A_90] : memref<10112x128xf32, #tpu.memory_space<vmem_shared>> -> memref<10112x128xf32, #tpu.memory_space<vmem_shared>>
      tpu.enqueue_indirect_dma source(%arg5 : memref<128x128xf32, #tpu.memory_space<vmem>>) target(%dma_start3A_91 : memref<10112x128xf32, #tpu.memory_space<vmem_shared>>) offsets(%dma_start3A_88 : memref<128xi32, #tpu.memory_space<vmem>>) semaphore(%arg7 : memref<!tpu.dma_semaphore, #tpu.memory_space<semaphore_mem>>) {add = true}
      %mul3A_92 = arith.constant 8 : i32
      %mul3A_93 = arith.muli %scan3A_41, %mul3A_92 : i32
      %add3A_94 = arith.constant 5 : i32
      %add3A_95 = arith.addi %mul3A_93, %add3A_94 : i32
      %dma_start3A_96 = arith.constant 0 : i32
      %dma_start3A_97 = tpu.memref_slice %arg4[%add3A_95, %dma_start3A_96] : memref<80x128xi32, #tpu.memory_space<vmem>> -> memref<1x128xi32, #tpu.memory_space<vmem>>
      %dma_start3A_98 = tpu.memref_squeeze %dma_start3A_97 : memref<1x128xi32, #tpu.memory_space<vmem>> -> memref<128xi32, #tpu.memory_space<vmem>>
      %dma_start3A_99 = arith.constant 0 : i32
      %dma_start3A_100 = arith.constant 0 : i32
      %dma_start3A_101 = tpu.memref_slice %arg6[%dma_start3A_99, %dma_start3A_100] : memref<10112x128xf32, #tpu.memory_space<vmem_shared>> -> memref<10112x128xf32, #tpu.memory_space<vmem_shared>>
      tpu.enqueue_indirect_dma source(%arg5 : memref<128x128xf32, #tpu.memory_space<vmem>>) target(%dma_start3A_101 : memref<10112x128xf32, #tpu.memory_space<vmem_shared>>) offsets(%dma_start3A_98 : memref<128xi32, #tpu.memory_space<vmem>>) semaphore(%arg7 : memref<!tpu.dma_semaphore, #tpu.memory_space<semaphore_mem>>) {add = true}
      %mul3A_102 = arith.constant 8 : i32
      %mul3A_103 = arith.muli %scan3A_41, %mul3A_102 : i32
      %add3A_104 = arith.constant 6 : i32
      %add3A_105 = arith.addi %mul3A_103, %add3A_104 : i32
      %dma_start3A_106 = arith.constant 0 : i32
      %dma_start3A_107 = tpu.memref_slice %arg4[%add3A_105, %dma_start3A_106] : memref<80x128xi32, #tpu.memory_space<vmem>> -> memref<1x128xi32, #tpu.memory_space<vmem>>
      %dma_start3A_108 = tpu.memref_squeeze %dma_start3A_107 : memref<1x128xi32, #tpu.memory_space<vmem>> -> memref<128xi32, #tpu.memory_space<vmem>>
      %dma_start3A_109 = arith.constant 0 : i32
      %dma_start3A_110 = arith.constant 0 : i32
      %dma_start3A_111 = tpu.memref_slice %arg6[%dma_start3A_109, %dma_start3A_110] : memref<10112x128xf32, #tpu.memory_space<vmem_shared>> -> memref<10112x128xf32, #tpu.memory_space<vmem_shared>>
      tpu.enqueue_indirect_dma source(%arg5 : memref<128x128xf32, #tpu.memory_space<vmem>>) target(%dma_start3A_111 : memref<10112x128xf32, #tpu.memory_space<vmem_shared>>) offsets(%dma_start3A_108 : memref<128xi32, #tpu.memory_space<vmem>>) semaphore(%arg7 : memref<!tpu.dma_semaphore, #tpu.memory_space<semaphore_mem>>) {add = true}
      %mul3A_112 = arith.constant 8 : i32
      %mul3A_113 = arith.muli %scan3A_41, %mul3A_112 : i32
      %add3A_114 = arith.constant 7 : i32
      %add3A_115 = arith.addi %mul3A_113, %add3A_114 : i32
      %dma_start3A_116 = arith.constant 0 : i32
      %dma_start3A_117 = tpu.memref_slice %arg4[%add3A_115, %dma_start3A_116] : memref<80x128xi32, #tpu.memory_space<vmem>> -> memref<1x128xi32, #tpu.memory_space<vmem>>
      %dma_start3A_118 = tpu.memref_squeeze %dma_start3A_117 : memref<1x128xi32, #tpu.memory_space<vmem>> -> memref<128xi32, #tpu.memory_space<vmem>>
      %dma_start3A_119 = arith.constant 0 : i32
      %dma_start3A_120 = arith.constant 0 : i32
      %dma_start3A_121 = tpu.memref_slice %arg6[%dma_start3A_119, %dma_start3A_120] : memref<10112x128xf32, #tpu.memory_space<vmem_shared>> -> memref<10112x128xf32, #tpu.memory_space<vmem_shared>>
      tpu.enqueue_indirect_dma source(%arg5 : memref<128x128xf32, #tpu.memory_space<vmem>>) target(%dma_start3A_121 : memref<10112x128xf32, #tpu.memory_space<vmem_shared>>) offsets(%dma_start3A_118 : memref<128xi32, #tpu.memory_space<vmem>>) semaphore(%arg7 : memref<!tpu.dma_semaphore, #tpu.memory_space<semaphore_mem>>) {add = true}
      %mul3A_122 = arith.constant 8 : i32
      %mul3A_123 = arith.muli %scan3A_41, %mul3A_122 : i32
      %add3A_124 = arith.constant 0 : i32
      %add3A_125 = arith.addi %mul3A_123, %add3A_124 : i32
      %dma_wait3A = arith.constant 0 : i32
      %dma_wait3A_126 = tpu.memref_slice %arg4[%add3A_125, %dma_wait3A] : memref<80x128xi32, #tpu.memory_space<vmem>> -> memref<1x128xi32, #tpu.memory_space<vmem>>
      %dma_wait3A_127 = tpu.memref_squeeze %dma_wait3A_126 : memref<1x128xi32, #tpu.memory_space<vmem>> -> memref<128xi32, #tpu.memory_space<vmem>>
      %dma_wait3A_128 = arith.constant 0 : i32
      %dma_wait3A_129 = arith.constant 0 : i32
      %dma_wait3A_130 = tpu.memref_slice %arg6[%dma_wait3A_128, %dma_wait3A_129] : memref<10112x128xf32, #tpu.memory_space<vmem_shared>> -> memref<10112x128xf32, #tpu.memory_space<vmem_shared>>
      tpu.wait_indirect_dma semaphore(%arg7 : memref<!tpu.dma_semaphore, #tpu.memory_space<semaphore_mem>>) src(%arg5 : memref<128x128xf32, #tpu.memory_space<vmem>>) dst(%dma_wait3A_130 : memref<10112x128xf32, #tpu.memory_space<vmem_shared>>)
      %mul3A_131 = arith.constant 8 : i32
      %mul3A_132 = arith.muli %scan3A_41, %mul3A_131 : i32
      %add3A_133 = arith.constant 1 : i32
      %add3A_134 = arith.addi %mul3A_132, %add3A_133 : i32
      %dma_wait3A_135 = arith.constant 0 : i32
      %dma_wait3A_136 = tpu.memref_slice %arg4[%add3A_134, %dma_wait3A_135] : memref<80x128xi32, #tpu.memory_space<vmem>> -> memref<1x128xi32, #tpu.memory_space<vmem>>
      %dma_wait3A_137 = tpu.memref_squeeze %dma_wait3A_136 : memref<1x128xi32, #tpu.memory_space<vmem>> -> memref<128xi32, #tpu.memory_space<vmem>>
      %dma_wait3A_138 = arith.constant 0 : i32
      %dma_wait3A_139 = arith.constant 0 : i32
      %dma_wait3A_140 = tpu.memref_slice %arg6[%dma_wait3A_138, %dma_wait3A_139] : memref<10112x128xf32, #tpu.memory_space<vmem_shared>> -> memref<10112x128xf32, #tpu.memory_space<vmem_shared>>
      tpu.wait_indirect_dma semaphore(%arg7 : memref<!tpu.dma_semaphore, #tpu.memory_space<semaphore_mem>>) src(%arg5 : memref<128x128xf32, #tpu.memory_space<vmem>>) dst(%dma_wait3A_140 : memref<10112x128xf32, #tpu.memory_space<vmem_shared>>)
      %mul3A_141 = arith.constant 8 : i32
      %mul3A_142 = arith.muli %scan3A_41, %mul3A_141 : i32
      %add3A_143 = arith.constant 2 : i32
      %add3A_144 = arith.addi %mul3A_142, %add3A_143 : i32
      %dma_wait3A_145 = arith.constant 0 : i32
      %dma_wait3A_146 = tpu.memref_slice %arg4[%add3A_144, %dma_wait3A_145] : memref<80x128xi32, #tpu.memory_space<vmem>> -> memref<1x128xi32, #tpu.memory_space<vmem>>
      %dma_wait3A_147 = tpu.memref_squeeze %dma_wait3A_146 : memref<1x128xi32, #tpu.memory_space<vmem>> -> memref<128xi32, #tpu.memory_space<vmem>>
      %dma_wait3A_148 = arith.constant 0 : i32
      %dma_wait3A_149 = arith.constant 0 : i32
      %dma_wait3A_150 = tpu.memref_slice %arg6[%dma_wait3A_148, %dma_wait3A_149] : memref<10112x128xf32, #tpu.memory_space<vmem_shared>> -> memref<10112x128xf32, #tpu.memory_space<vmem_shared>>
      tpu.wait_indirect_dma semaphore(%arg7 : memref<!tpu.dma_semaphore, #tpu.memory_space<semaphore_mem>>) src(%arg5 : memref<128x128xf32, #tpu.memory_space<vmem>>) dst(%dma_wait3A_150 : memref<10112x128xf32, #tpu.memory_space<vmem_shared>>)
      %mul3A_151 = arith.constant 8 : i32
      %mul3A_152 = arith.muli %scan3A_41, %mul3A_151 : i32
      %add3A_153 = arith.constant 3 : i32
      %add3A_154 = arith.addi %mul3A_152, %add3A_153 : i32
      %dma_wait3A_155 = arith.constant 0 : i32
      %dma_wait3A_156 = tpu.memref_slice %arg4[%add3A_154, %dma_wait3A_155] : memref<80x128xi32, #tpu.memory_space<vmem>> -> memref<1x128xi32, #tpu.memory_space<vmem>>
      %dma_wait3A_157 = tpu.memref_squeeze %dma_wait3A_156 : memref<1x128xi32, #tpu.memory_space<vmem>> -> memref<128xi32, #tpu.memory_space<vmem>>
      %dma_wait3A_158 = arith.constant 0 : i32
      %dma_wait3A_159 = arith.constant 0 : i32
      %dma_wait3A_160 = tpu.memref_slice %arg6[%dma_wait3A_158, %dma_wait3A_159] : memref<10112x128xf32, #tpu.memory_space<vmem_shared>> -> memref<10112x128xf32, #tpu.memory_space<vmem_shared>>
      tpu.wait_indirect_dma semaphore(%arg7 : memref<!tpu.dma_semaphore, #tpu.memory_space<semaphore_mem>>) src(%arg5 : memref<128x128xf32, #tpu.memory_space<vmem>>) dst(%dma_wait3A_160 : memref<10112x128xf32, #tpu.memory_space<vmem_shared>>)
      %mul3A_161 = arith.constant 8 : i32
      %mul3A_162 = arith.muli %scan3A_41, %mul3A_161 : i32
      %add3A_163 = arith.constant 4 : i32
      %add3A_164 = arith.addi %mul3A_162, %add3A_163 : i32
      %dma_wait3A_165 = arith.constant 0 : i32
      %dma_wait3A_166 = tpu.memref_slice %arg4[%add3A_164, %dma_wait3A_165] : memref<80x128xi32, #tpu.memory_space<vmem>> -> memref<1x128xi32, #tpu.memory_space<vmem>>
      %dma_wait3A_167 = tpu.memref_squeeze %dma_wait3A_166 : memref<1x128xi32, #tpu.memory_space<vmem>> -> memref<128xi32, #tpu.memory_space<vmem>>
      %dma_wait3A_168 = arith.constant 0 : i32
      %dma_wait3A_169 = arith.constant 0 : i32
      %dma_wait3A_170 = tpu.memref_slice %arg6[%dma_wait3A_168, %dma_wait3A_169] : memref<10112x128xf32, #tpu.memory_space<vmem_shared>> -> memref<10112x128xf32, #tpu.memory_space<vmem_shared>>
      tpu.wait_indirect_dma semaphore(%arg7 : memref<!tpu.dma_semaphore, #tpu.memory_space<semaphore_mem>>) src(%arg5 : memref<128x128xf32, #tpu.memory_space<vmem>>) dst(%dma_wait3A_170 : memref<10112x128xf32, #tpu.memory_space<vmem_shared>>)
      %mul3A_171 = arith.constant 8 : i32
      %mul3A_172 = arith.muli %scan3A_41, %mul3A_171 : i32
      %add3A_173 = arith.constant 5 : i32
      %add3A_174 = arith.addi %mul3A_172, %add3A_173 : i32
      %dma_wait3A_175 = arith.constant 0 : i32
      %dma_wait3A_176 = tpu.memref_slice %arg4[%add3A_174, %dma_wait3A_175] : memref<80x128xi32, #tpu.memory_space<vmem>> -> memref<1x128xi32, #tpu.memory_space<vmem>>
      %dma_wait3A_177 = tpu.memref_squeeze %dma_wait3A_176 : memref<1x128xi32, #tpu.memory_space<vmem>> -> memref<128xi32, #tpu.memory_space<vmem>>
      %dma_wait3A_178 = arith.constant 0 : i32
      %dma_wait3A_179 = arith.constant 0 : i32
      %dma_wait3A_180 = tpu.memref_slice %arg6[%dma_wait3A_178, %dma_wait3A_179] : memref<10112x128xf32, #tpu.memory_space<vmem_shared>> -> memref<10112x128xf32, #tpu.memory_space<vmem_shared>>
      tpu.wait_indirect_dma semaphore(%arg7 : memref<!tpu.dma_semaphore, #tpu.memory_space<semaphore_mem>>) src(%arg5 : memref<128x128xf32, #tpu.memory_space<vmem>>) dst(%dma_wait3A_180 : memref<10112x128xf32, #tpu.memory_space<vmem_shared>>)
      %mul3A_181 = arith.constant 8 : i32
      %mul3A_182 = arith.muli %scan3A_41, %mul3A_181 : i32
      %add3A_183 = arith.constant 6 : i32
      %add3A_184 = arith.addi %mul3A_182, %add3A_183 : i32
      %dma_wait3A_185 = arith.constant 0 : i32
      %dma_wait3A_186 = tpu.memref_slice %arg4[%add3A_184, %dma_wait3A_185] : memref<80x128xi32, #tpu.memory_space<vmem>> -> memref<1x128xi32, #tpu.memory_space<vmem>>
      %dma_wait3A_187 = tpu.memref_squeeze %dma_wait3A_186 : memref<1x128xi32, #tpu.memory_space<vmem>> -> memref<128xi32, #tpu.memory_space<vmem>>
      %dma_wait3A_188 = arith.constant 0 : i32
      %dma_wait3A_189 = arith.constant 0 : i32
      %dma_wait3A_190 = tpu.memref_slice %arg6[%dma_wait3A_188, %dma_wait3A_189] : memref<10112x128xf32, #tpu.memory_space<vmem_shared>> -> memref<10112x128xf32, #tpu.memory_space<vmem_shared>>
      tpu.wait_indirect_dma semaphore(%arg7 : memref<!tpu.dma_semaphore, #tpu.memory_space<semaphore_mem>>) src(%arg5 : memref<128x128xf32, #tpu.memory_space<vmem>>) dst(%dma_wait3A_190 : memref<10112x128xf32, #tpu.memory_space<vmem_shared>>)
      %mul3A_191 = arith.constant 8 : i32
      %mul3A_192 = arith.muli %scan3A_41, %mul3A_191 : i32
      %add3A_193 = arith.constant 7 : i32
      %add3A_194 = arith.addi %mul3A_192, %add3A_193 : i32
      %dma_wait3A_195 = arith.constant 0 : i32
      %dma_wait3A_196 = tpu.memref_slice %arg4[%add3A_194, %dma_wait3A_195] : memref<80x128xi32, #tpu.memory_space<vmem>> -> memref<1x128xi32, #tpu.memory_space<vmem>>
      %dma_wait3A_197 = tpu.memref_squeeze %dma_wait3A_196 : memref<1x128xi32, #tpu.memory_space<vmem>> -> memref<128xi32, #tpu.memory_space<vmem>>
      %dma_wait3A_198 = arith.constant 0 : i32
      %dma_wait3A_199 = arith.constant 0 : i32
      %dma_wait3A_200 = tpu.memref_slice %arg6[%dma_wait3A_198, %dma_wait3A_199] : memref<10112x128xf32, #tpu.memory_space<vmem_shared>> -> memref<10112x128xf32, #tpu.memory_space<vmem_shared>>
      tpu.wait_indirect_dma semaphore(%arg7 : memref<!tpu.dma_semaphore, #tpu.memory_space<semaphore_mem>>) src(%arg5 : memref<128x128xf32, #tpu.memory_space<vmem>>) dst(%dma_wait3A_200 : memref<10112x128xf32, #tpu.memory_space<vmem_shared>>)
      %scan3A_201 = arith.constant 0 : i32
      scf.yield %scan3A_201 : i32
    }
    %scan3A_32 = arith.constant 10 : i32
    %barrier3A_33 = arith.constant 0 : index
    tpu.barrier barrier_id(%barrier3A_33)
    %scan3A_34 = arith.constant 0 : i32
    %scan3A_35 = arith.constant 0 : i32
    %scan3A_36 = arith.constant 5 : i32
    %scan3A_37 = arith.addi %scan3A_35, %scan3A_36 : i32
    %scan3A_38 = arith.constant 1 : i32
    %scan3A_39 = scf.for %scan3A_41 = %scan3A_35 to %scan3A_37 step %scan3A_38 iter_args(%scan3A_42 = %scan3A_34) -> (i32)  : i32 {
      %mul3A_43 = arith.constant 16 : i32
      %mul3A_44 = arith.muli %scan3A_41, %mul3A_43 : i32
      %add3A_45 = arith.addi %arg1, %mul3A_44 : i32
      %lt3A = arith.constant 79 : i32
      %lt3A_46 = arith.cmpi slt, %add3A_45, %lt3A : i32
      %convert_element_type3A = arith.extui %lt3A_46 : i1 to i32
      %cond3A = arith.constant 0 : i32
      %cond3A_47 = arith.cmpi ne, %convert_element_type3A, %cond3A : i32
      scf.if %cond3A_47 {
        %mul3A_49 = arith.constant 128 : i32
        %mul3A_50 = arith.muli %add3A_45, %mul3A_49 : i32
        "tpu.region"() ({
          %run_scoped3A = tpu.sem_alloc : memref<!tpu.dma_semaphore, #tpu.memory_space<semaphore_mem>>
          %dma_start3A = arith.constant 0 : i32
          %dma_start3A_53 = tpu.memref_slice %arg6[%mul3A_50, %dma_start3A] : memref<10112x128xf32, #tpu.memory_space<vmem_shared>> -> memref<128x128xf32, #tpu.memory_space<vmem_shared>>
          %dma_start3A_54 = arith.constant 0 : i32
          %dma_start3A_55 = tpu.memref_slice %arg6[%mul3A_50, %dma_start3A_54] : memref<10112x128xf32, #tpu.memory_space<vmem_shared>> -> memref<128x128xf32, #tpu.memory_space<vmem_shared>>
          tpu.enqueue_dma source(%dma_start3A_55 : memref<128x128xf32, #tpu.memory_space<vmem_shared>>) target(%arg5 : memref<128x128xf32, #tpu.memory_space<vmem>>) target_semaphore(%run_scoped3A : memref<!tpu.dma_semaphore, #tpu.memory_space<semaphore_mem>>)
          %dma_wait3A = arith.constant 0 : i32
          %dma_wait3A_56 = tpu.memref_slice %arg6[%mul3A_50, %dma_wait3A] : memref<10112x128xf32, #tpu.memory_space<vmem_shared>> -> memref<128x128xf32, #tpu.memory_space<vmem_shared>>
          %dma_wait3A_57 = arith.constant 0 : i32
          %dma_wait3A_58 = tpu.memref_slice %arg6[%mul3A_50, %dma_wait3A_57] : memref<10112x128xf32, #tpu.memory_space<vmem_shared>> -> memref<128x128xf32, #tpu.memory_space<vmem_shared>>
          tpu.wait_dma2 semaphore(%run_scoped3A : memref<!tpu.dma_semaphore, #tpu.memory_space<semaphore_mem>>) src(%dma_wait3A_58 : memref<128x128xf32, #tpu.memory_space<vmem_shared>>) dst(%arg5 : memref<128x128xf32, #tpu.memory_space<vmem>>)
          tpu.yield
        }) : () -> ()
        %mul3A_51 = arith.constant 128 : i32
        %mul3A_52 = arith.muli %add3A_45, %mul3A_51 : i32
        "tpu.region"() ({
          %run_scoped3A = tpu.sem_alloc : memref<!tpu.dma_semaphore, #tpu.memory_space<semaphore_mem>>
          %dma_start3A = arith.constant 0 : i32
          %dma_start3A_53 = tpu.memref_slice %arg3[%arg0, %mul3A_52, %dma_start3A] : memref<2x10112x128xf32, #tpu.memory_space<hbm>> -> memref<1x128x128xf32, #tpu.memory_space<hbm>>
          %dma_start3A_54 = tpu.memref_squeeze %dma_start3A_53 : memref<1x128x128xf32, #tpu.memory_space<hbm>> -> memref<128x128xf32, #tpu.memory_space<hbm>>
          %dma_start3A_55 = arith.constant 0 : i32
          %dma_start3A_56 = tpu.memref_slice %arg3[%arg0, %mul3A_52, %dma_start3A_55] : memref<2x10112x128xf32, #tpu.memory_space<hbm>> -> memref<1x128x128xf32, #tpu.memory_space<hbm>>
          %dma_start3A_57 = tpu.memref_squeeze %dma_start3A_56 : memref<1x128x128xf32, #tpu.memory_space<hbm>> -> memref<128x128xf32, #tpu.memory_space<hbm>>
          tpu.enqueue_dma source(%arg5 : memref<128x128xf32, #tpu.memory_space<vmem>>) target(%dma_start3A_57 : memref<128x128xf32, #tpu.memory_space<hbm>>) target_semaphore(%run_scoped3A : memref<!tpu.dma_semaphore, #tpu.memory_space<semaphore_mem>>)
          %dma_wait3A = arith.constant 0 : i32
          %dma_wait3A_58 = tpu.memref_slice %arg3[%arg0, %mul3A_52, %dma_wait3A] : memref<2x10112x128xf32, #tpu.memory_space<hbm>> -> memref<1x128x128xf32, #tpu.memory_space<hbm>>
          %dma_wait3A_59 = tpu.memref_squeeze %dma_wait3A_58 : memref<1x128x128xf32, #tpu.memory_space<hbm>> -> memref<128x128xf32, #tpu.memory_space<hbm>>
          %dma_wait3A_60 = arith.constant 0 : i32
          %dma_wait3A_61 = tpu.memref_slice %arg3[%arg0, %mul3A_52, %dma_wait3A_60] : memref<2x10112x128xf32, #tpu.memory_space<hbm>> -> memref<1x128x128xf32, #tpu.memory_space<hbm>>
          %dma_wait3A_62 = tpu.memref_squeeze %dma_wait3A_61 : memref<1x128x128xf32, #tpu.memory_space<hbm>> -> memref<128x128xf32, #tpu.memory_space<hbm>>
          tpu.wait_dma2 semaphore(%run_scoped3A : memref<!tpu.dma_semaphore, #tpu.memory_space<semaphore_mem>>) src(%arg5 : memref<128x128xf32, #tpu.memory_space<vmem>>) dst(%dma_wait3A_62 : memref<128x128xf32, #tpu.memory_space<hbm>>)
          tpu.yield
        }) : () -> ()
      } else {
      }
      %scan3A_48 = arith.constant 0 : i32
      scf.yield %scan3A_48 : i32
    }
    %scan3A_40 = arith.constant 5 : i32
    return
  }
}

module attributes {stable_mosaic.version = 14 : i64} {
  func.func @body(%arg0: i32, %arg1: memref<128x128xf32, #tpu.memory_space<vmem>>, %arg2: memref<128x128xf32, #tpu.memory_space<vmem>>, %arg3: memref<2x128x128xf32, #tpu.memory_space<vmem>>, %arg4: memref<128x16xf32, #tpu.memory_space<vmem>>, %arg5: memref<128x128xf32, #tpu.memory_space<vmem>>) attributes {dimension_semantics = [#tpu.dimension_semantics<arbitrary>], iteration_bounds = array<i64: 79>, scalar_prefetch = 0 : i64, scratch_operands = 0 : i64, tpu.core_type = #tpu.core_type<tc>, window_params = [{transform_indices = @transform_0, window_bounds = array<i64: 128, 128>}, {pipeline_mode = #tpu.pipeline_mode<synchronous>, transform_indices = @transform_1, window_bounds = array<i64: 128, 128>}, {transform_indices = @transform_2, window_bounds = array<i64: 2, 128, 128>}, {transform_indices = @transform_3, window_bounds = array<i64: 128, 16>}, {transform_indices = @transform_4, window_bounds = array<i64: 128, 128>}]} {
    %get3A = arith.constant 0 : index
    %get3A_0 = arith.constant 0 : index
    %get3A_1 = arith.constant 0 : index
    %get3A_2 = vector.load %arg3[%get3A, %get3A_0, %get3A_1] : memref<2x128x128xf32, #tpu.memory_space<vmem>>, vector<1x128x1xf32>
    %get3A_3 = vector.shape_cast %get3A_2 : vector<1x128x1xf32> to vector<128x1xf32>
    %get3A_4 = arith.constant 1 : index
    %get3A_5 = arith.constant 0 : index
    %get3A_6 = arith.constant 0 : index
    %get3A_7 = vector.load %arg3[%get3A_4, %get3A_5, %get3A_6] : memref<2x128x128xf32, #tpu.memory_space<vmem>>, vector<1x128x1xf32>
    %get3A_8 = vector.shape_cast %get3A_7 : vector<1x128x1xf32> to vector<128x1xf32>
    %add3A = arith.addf %get3A_3, %get3A_8 : vector<128x1xf32>
    %add3A_9 = arith.constant 1.000000e+00 : f32
    %add3A_10 = vector.broadcast %add3A_9 : f32 to vector<128x1xf32>
    %add3A_11 = arith.addf %add3A, %add3A_10 : vector<128x1xf32>
    %iota3A = tpu.iota {dimensions = array<i32: 0>} : vector<128x16xi32>
    %mul3A = arith.constant 128 : i32
    %mul3A_12 = arith.muli %arg0, %mul3A : i32
    %add3A_13 = vector.broadcast %mul3A_12 : i32 to vector<128x16xi32>
    %add3A_14 = arith.addi %iota3A, %add3A_13 : vector<128x16xi32>
    %lt3A = arith.constant 10000 : i32
    %lt3A_15 = vector.broadcast %lt3A : i32 to vector<128x16xi32>
    %lt3A_16 = arith.cmpi slt, %add3A_14, %lt3A_15 : vector<128x16xi32>
    %rsqrt3A = math.rsqrt %add3A_11 : vector<128x1xf32>
    %jit3A = arith.constant 0.000000e+00 : f32
    %broadcast_in_dim3A = vector.shape_cast %rsqrt3A : vector<128x1xf32> to vector<128x1xf32>
    %broadcast_in_dim3A_17 = vector.broadcast %broadcast_in_dim3A : vector<128x1xf32> to vector<128x16xf32>
    %broadcast_in_dim3A_18 = vector.broadcast %jit3A : f32 to vector<128x16xf32>
    %select_n3A = arith.select %lt3A_16, %broadcast_in_dim3A_17, %broadcast_in_dim3A_18 : vector<128x16xi1>, vector<128x16xf32>
    %swap3A = arith.constant 0 : index
    %swap3A_19 = arith.constant 0 : index
    %swap3A_20 = vector.load %arg4[%swap3A, %swap3A_19] : memref<128x16xf32, #tpu.memory_space<vmem>>, vector<128x16xf32>
    tpu.vector_store %arg4[%swap3A, %swap3A_19], %select_n3A {strides = array<i32>} : memref<128x16xf32, #tpu.memory_space<vmem>>, vector<128x16xf32>,
    %get3A_21 = arith.constant 0 : index
    %get3A_22 = arith.constant 0 : index
    %get3A_23 = vector.load %arg1[%get3A_21, %get3A_22] : memref<128x128xf32, #tpu.memory_space<vmem>>, vector<128x128xf32>
    %get3A_24 = arith.constant 0 : index
    %get3A_25 = arith.constant 0 : index
    %get3A_26 = vector.load %arg2[%get3A_24, %get3A_25] : memref<128x128xf32, #tpu.memory_space<vmem>>, vector<128x128xf32>
    %dot_general3A = arith.constant dense<0.000000e+00> : vector<128x128xf32>
    %dot_general3A_27 = tpu.matmul %get3A_23, %get3A_26, %dot_general3A {dimension_numbers = #tpu.dot_dimension_numbers<[1], [0], [0], [1], [0, 0, 1, 1], [], []>, transpose_lhs_hint = false} : vector<128x128xf32>, vector<128x128xf32>, vector<128x128xf32> -> vector<128x128xf32>
    %slice3A = vector.extract_strided_slice %select_n3A {offsets = [0, 0], sizes = [128, 1], strides = [1, 1]} : vector<128x16xf32> to vector<128x1xf32>
    %mul3A_28 = vector.broadcast %slice3A : vector<128x1xf32> to vector<128x128xf32>
    %mul3A_29 = arith.mulf %dot_general3A_27, %mul3A_28 : vector<128x128xf32>
    %swap3A_30 = arith.constant 0 : index
    %swap3A_31 = arith.constant 0 : index
    %swap3A_32 = vector.load %arg5[%swap3A_30, %swap3A_31] : memref<128x128xf32, #tpu.memory_space<vmem>>, vector<128x128xf32>
    tpu.vector_store %arg5[%swap3A_30, %swap3A_31], %mul3A_29 {strides = array<i32>} : memref<128x128xf32, #tpu.memory_space<vmem>>, vector<128x128xf32>,
    return
  }
  func.func @transform_0(%arg0: i32) -> (i32, i32) {
    %c0_i32 = arith.constant 0 : i32
    %c0_i32_0 = arith.constant 0 : i32
    return %arg0, %c0_i32 : i32, i32
  }
  func.func @transform_1(%arg0: i32) -> (i32, i32) {
    %c0_i32 = arith.constant 0 : i32
    %c0_i32_0 = arith.constant 0 : i32
    %c0_i32_1 = arith.constant 0 : i32
    return %c0_i32, %c0_i32_0 : i32, i32
  }
  func.func @transform_2(%arg0: i32) -> (i32, i32, i32) {
    %c0_i32 = arith.constant 0 : i32
    %c0_i32_0 = arith.constant 0 : i32
    %c0_i32_1 = arith.constant 0 : i32
    return %c0_i32, %arg0, %c0_i32_0 : i32, i32, i32
  }
  func.func @transform_3(%arg0: i32) -> (i32, i32) {
    %c0_i32 = arith.constant 0 : i32
    %c0_i32_0 = arith.constant 0 : i32
    return %arg0, %c0_i32 : i32, i32
  }
  func.func @transform_4(%arg0: i32) -> (i32, i32) {
    %c0_i32 = arith.constant 0 : i32
    %c0_i32_0 = arith.constant 0 : i32
    return %arg0, %c0_i32 : i32, i32
  }
}

module attributes {stable_mosaic.version = 14 : i64} {
  func.func @body(%arg0: i32, %arg1: memref<2x128x128xf32, #tpu.memory_space<vmem>>, %arg2: memref<128x128xf32, #tpu.memory_space<vmem>>, %arg3: memref<128x16xf32, #tpu.memory_space<vmem>>, %arg4: memref<128x128xf32, #tpu.memory_space<vmem>>, %arg5: memref<1x128xf32, #tpu.memory_space<vmem>>, %arg6: memref<128x128xf32, #tpu.memory_space<vmem>>) attributes {dimension_semantics = [#tpu.dimension_semantics<arbitrary>], iteration_bounds = array<i64: 79>, scalar_prefetch = 0 : i64, scratch_operands = 0 : i64, tpu.core_type = #tpu.core_type<tc>, window_params = [{transform_indices = @transform_0, window_bounds = array<i64: 2, 128, 128>}, {transform_indices = @transform_1, window_bounds = array<i64: 128, 128>}, {transform_indices = @transform_2, window_bounds = array<i64: 128, 16>}, {pipeline_mode = #tpu.pipeline_mode<synchronous>, transform_indices = @transform_3, window_bounds = array<i64: 128, 128>}, {pipeline_mode = #tpu.pipeline_mode<synchronous>, transform_indices = @transform_4, window_bounds = array<i64: 1, 128>}, {transform_indices = @transform_5, window_bounds = array<i64: 128, 128>}]} {
    %get3A = arith.constant 0 : index
    %get3A_0 = arith.constant 0 : index
    %get3A_1 = vector.load %arg3[%get3A, %get3A_0] : memref<128x16xf32, #tpu.memory_space<vmem>>, vector<128x16xf32>
    %slice3A = vector.extract_strided_slice %get3A_1 {offsets = [0, 0], sizes = [128, 1], strides = [1, 1]} : vector<128x16xf32> to vector<128x1xf32>
    %get3A_2 = arith.constant 0 : index
    %get3A_3 = arith.constant 0 : index
    %get3A_4 = arith.constant 0 : index
    %get3A_5 = vector.load %arg1[%get3A_2, %get3A_3, %get3A_4] : memref<2x128x128xf32, #tpu.memory_space<vmem>>, vector<1x128x128xf32>
    %get3A_6 = vector.shape_cast %get3A_5 : vector<1x128x128xf32> to vector<128x128xf32>
    %get3A_7 = arith.constant 1 : index
    %get3A_8 = arith.constant 0 : index
    %get3A_9 = arith.constant 0 : index
    %get3A_10 = vector.load %arg1[%get3A_7, %get3A_8, %get3A_9] : memref<2x128x128xf32, #tpu.memory_space<vmem>>, vector<1x128x128xf32>
    %get3A_11 = vector.shape_cast %get3A_10 : vector<1x128x128xf32> to vector<128x128xf32>
    %add3A = arith.addf %get3A_6, %get3A_11 : vector<128x128xf32>
    %get3A_12 = arith.constant 0 : index
    %get3A_13 = arith.constant 0 : index
    %get3A_14 = vector.load %arg2[%get3A_12, %get3A_13] : memref<128x128xf32, #tpu.memory_space<vmem>>, vector<128x128xf32>
    %add3A_15 = arith.addf %add3A, %get3A_14 : vector<128x128xf32>
    %mul3A = vector.broadcast %slice3A : vector<128x1xf32> to vector<128x128xf32>
    %mul3A_16 = arith.mulf %add3A_15, %mul3A : vector<128x128xf32>
    %get3A_17 = arith.constant 0 : index
    %get3A_18 = arith.constant 0 : index
    %get3A_19 = vector.load %arg5[%get3A_17, %get3A_18] : memref<1x128xf32, #tpu.memory_space<vmem>>, vector<1x128xf32>
    %add3A_20 = vector.broadcast %get3A_19 : vector<1x128xf32> to vector<128x128xf32>
    %add3A_21 = arith.addf %mul3A_16, %add3A_20 : vector<128x128xf32>
    %max3A = arith.constant 0.000000e+00 : f32
    %max3A_22 = vector.broadcast %max3A : f32 to vector<128x128xf32>
    %max3A_23 = arith.maximumf %add3A_21, %max3A_22 : vector<128x128xf32>
    %get3A_24 = arith.constant 0 : index
    %get3A_25 = arith.constant 0 : index
    %get3A_26 = vector.load %arg4[%get3A_24, %get3A_25] : memref<128x128xf32, #tpu.memory_space<vmem>>, vector<128x128xf32>
    %dot_general3A = arith.constant dense<0.000000e+00> : vector<128x128xf32>
    %dot_general3A_27 = tpu.matmul %max3A_23, %get3A_26, %dot_general3A {dimension_numbers = #tpu.dot_dimension_numbers<[1], [0], [0], [1], [0, 0, 1, 1], [], []>, transpose_lhs_hint = false} : vector<128x128xf32>, vector<128x128xf32>, vector<128x128xf32> -> vector<128x128xf32>
    %mul3A_28 = vector.broadcast %slice3A : vector<128x1xf32> to vector<128x128xf32>
    %mul3A_29 = arith.mulf %dot_general3A_27, %mul3A_28 : vector<128x128xf32>
    %swap3A = arith.constant 0 : index
    %swap3A_30 = arith.constant 0 : index
    %swap3A_31 = vector.load %arg6[%swap3A, %swap3A_30] : memref<128x128xf32, #tpu.memory_space<vmem>>, vector<128x128xf32>
    tpu.vector_store %arg6[%swap3A, %swap3A_30], %mul3A_29 {strides = array<i32>} : memref<128x128xf32, #tpu.memory_space<vmem>>, vector<128x128xf32>,
    return
  }
  func.func @transform_0(%arg0: i32) -> (i32, i32, i32) {
    %c0_i32 = arith.constant 0 : i32
    %c0_i32_0 = arith.constant 0 : i32
    %c0_i32_1 = arith.constant 0 : i32
    return %c0_i32, %arg0, %c0_i32_0 : i32, i32, i32
  }
  func.func @transform_1(%arg0: i32) -> (i32, i32) {
    %c0_i32 = arith.constant 0 : i32
    %c0_i32_0 = arith.constant 0 : i32
    return %arg0, %c0_i32 : i32, i32
  }
  func.func @transform_2(%arg0: i32) -> (i32, i32) {
    %c0_i32 = arith.constant 0 : i32
    %c0_i32_0 = arith.constant 0 : i32
    return %arg0, %c0_i32 : i32, i32
  }
  func.func @transform_3(%arg0: i32) -> (i32, i32) {
    %c0_i32 = arith.constant 0 : i32
    %c0_i32_0 = arith.constant 0 : i32
    %c0_i32_1 = arith.constant 0 : i32
    return %c0_i32, %c0_i32_0 : i32, i32
  }
  func.func @transform_4(%arg0: i32) -> (i32, i32) {
    %c0_i32 = arith.constant 0 : i32
    %c0_i32_0 = arith.constant 0 : i32
    %c0_i32_1 = arith.constant 0 : i32
    return %c0_i32, %c0_i32_0 : i32, i32
  }
  func.func @transform_5(%arg0: i32) -> (i32, i32) {
    %c0_i32 = arith.constant 0 : i32
    %c0_i32_0 = arith.constant 0 : i32
    return %arg0, %c0_i32 : i32, i32
  }
}

module attributes {stable_mosaic.version = 14 : i64} {
  func.func @body(%arg0: i32, %arg1: memref<2x128x128xf32, #tpu.memory_space<vmem>>, %arg2: memref<128x128xf32, #tpu.memory_space<vmem>>, %arg3: memref<128x16xf32, #tpu.memory_space<vmem>>, %arg4: memref<1x128xf32, #tpu.memory_space<vmem>>, %arg5: memref<128x128xf32, #tpu.memory_space<vmem>>) attributes {dimension_semantics = [#tpu.dimension_semantics<arbitrary>], iteration_bounds = array<i64: 79>, scalar_prefetch = 0 : i64, scratch_operands = 0 : i64, tpu.core_type = #tpu.core_type<tc>, window_params = [{transform_indices = @transform_0, window_bounds = array<i64: 2, 128, 128>}, {transform_indices = @transform_1, window_bounds = array<i64: 128, 128>}, {transform_indices = @transform_2, window_bounds = array<i64: 128, 16>}, {pipeline_mode = #tpu.pipeline_mode<synchronous>, transform_indices = @transform_3, window_bounds = array<i64: 1, 128>}, {transform_indices = @transform_4, window_bounds = array<i64: 128, 128>}]} {
    %get3A = arith.constant 0 : index
    %get3A_0 = arith.constant 0 : index
    %get3A_1 = vector.load %arg3[%get3A, %get3A_0] : memref<128x16xf32, #tpu.memory_space<vmem>>, vector<128x16xf32>
    %slice3A = vector.extract_strided_slice %get3A_1 {offsets = [0, 0], sizes = [128, 1], strides = [1, 1]} : vector<128x16xf32> to vector<128x1xf32>
    %get3A_2 = arith.constant 0 : index
    %get3A_3 = arith.constant 0 : index
    %get3A_4 = arith.constant 0 : index
    %get3A_5 = vector.load %arg1[%get3A_2, %get3A_3, %get3A_4] : memref<2x128x128xf32, #tpu.memory_space<vmem>>, vector<1x128x128xf32>
    %get3A_6 = vector.shape_cast %get3A_5 : vector<1x128x128xf32> to vector<128x128xf32>
    %get3A_7 = arith.constant 1 : index
    %get3A_8 = arith.constant 0 : index
    %get3A_9 = arith.constant 0 : index
    %get3A_10 = vector.load %arg1[%get3A_7, %get3A_8, %get3A_9] : memref<2x128x128xf32, #tpu.memory_space<vmem>>, vector<1x128x128xf32>
    %get3A_11 = vector.shape_cast %get3A_10 : vector<1x128x128xf32> to vector<128x128xf32>
    %add3A = arith.addf %get3A_6, %get3A_11 : vector<128x128xf32>
    %get3A_12 = arith.constant 0 : index
    %get3A_13 = arith.constant 0 : index
    %get3A_14 = vector.load %arg2[%get3A_12, %get3A_13] : memref<128x128xf32, #tpu.memory_space<vmem>>, vector<128x128xf32>
    %add3A_15 = arith.addf %add3A, %get3A_14 : vector<128x128xf32>
    %mul3A = vector.broadcast %slice3A : vector<128x1xf32> to vector<128x128xf32>
    %mul3A_16 = arith.mulf %add3A_15, %mul3A : vector<128x128xf32>
    %get3A_17 = arith.constant 0 : index
    %get3A_18 = arith.constant 0 : index
    %get3A_19 = vector.load %arg4[%get3A_17, %get3A_18] : memref<1x128xf32, #tpu.memory_space<vmem>>, vector<1x128xf32>
    %add3A_20 = vector.broadcast %get3A_19 : vector<1x128xf32> to vector<128x128xf32>
    %add3A_21 = arith.addf %mul3A_16, %add3A_20 : vector<128x128xf32>
    %swap3A = arith.constant 0 : index
    %swap3A_22 = arith.constant 0 : index
    %swap3A_23 = vector.load %arg5[%swap3A, %swap3A_22] : memref<128x128xf32, #tpu.memory_space<vmem>>, vector<128x128xf32>
    tpu.vector_store %arg5[%swap3A, %swap3A_22], %add3A_21 {strides = array<i32>} : memref<128x128xf32, #tpu.memory_space<vmem>>, vector<128x128xf32>,
    return
  }
  func.func @transform_0(%arg0: i32) -> (i32, i32, i32) {
    %c0_i32 = arith.constant 0 : i32
    %c0_i32_0 = arith.constant 0 : i32
    %c0_i32_1 = arith.constant 0 : i32
    return %c0_i32, %arg0, %c0_i32_0 : i32, i32, i32
  }
  func.func @transform_1(%arg0: i32) -> (i32, i32) {
    %c0_i32 = arith.constant 0 : i32
    %c0_i32_0 = arith.constant 0 : i32
    return %arg0, %c0_i32 : i32, i32
  }
  func.func @transform_2(%arg0: i32) -> (i32, i32) {
    %c0_i32 = arith.constant 0 : i32
    %c0_i32_0 = arith.constant 0 : i32
    return %arg0, %c0_i32 : i32, i32
  }
  func.func @transform_3(%arg0: i32) -> (i32, i32) {
    %c0_i32 = arith.constant 0 : i32
    %c0_i32_0 = arith.constant 0 : i32
    %c0_i32_1 = arith.constant 0 : i32
    return %c0_i32, %c0_i32_0 : i32, i32
  }
  func.func @transform_4(%arg0: i32) -> (i32, i32) {
    %c0_i32 = arith.constant 0 : i32
    %c0_i32_0 = arith.constant 0 : i32
    return %arg0, %c0_i32 : i32, i32
  }
}

</mosaic_0001>

<sc_bundles>
// kernel: kernel.11.cloned.1.call-start
scs
__scs_entry_jumppad:
0x0: {  	(pc) =	sbr.rel $0x88, $3  }
0x1: {  	(tag) =	ssettag $0x0;
	lr =	simm.s32 $0x1  }
0x2: {  	[smem:$0x3F9B] =	sst lr;
	_ =	strace $0xD0000000  }
0x3: {  	_ = 	snop  }
0x4: {  	_ = 	snop  }
0x5: {  	_ = 	snop  }
0x6: {  	_ = 	snop  }
0x7: {  	_ = 	snop  }
__scs_overlays_trampoline_lowered:
0x8: {  	[smem:$0x3FAA] =	sst s0  }
0x9: {  	[smem:$0x3FAB] =	sst s1  }
0xa: {  	[smem:$0x3FAC] =	sst s2  }
0xb: {  	[smem:$0x3FAD] =	sst s3  }
0xc: {  	[smem:$0x3FAE] =	sst s4  }
0xd: {  	[smem:$0x3FAF] =	sst s5  }
0xe: {  	[smem:$0x3FB0] =	sst s6  }
0xf: {  	[smem:$0x3FB1] =	sst s7  }
0x10: {  	[smem:$0x3FB2] =	sst s8  }
0x11: {  	[smem:$0x3FB3] =	sst s9;
	s0 =	simm.s32 @!p0 $0x0  }
0x12: {  	s1 =	sld [smem:$0x3F99];
	s0 =	simm.s32 @p0 $0x1  }
0x13: {  	[smem:$0x3FB4] =	sst s0;
	s0 =	simm.s32 @!p1 $0x0  }
0x14: {  	s2 =	sld [smem:$0x3F98];
	s0 =	simm.s32 @p1 $0x1  }
0x15: {  	[smem:$0x3FB5] =	sst s0;
	s0 =	simm.s32 @!p2 $0x0  }
0x16: {  	s3 =	sld [smem:$0x3FDB];
	s0 =	simm.s32 @p2 $0x1  }
0x17: {  	s4 =	simm.s32 $0x1BF5;
	[smem:$0x3FB7] =	sst s0  }
0x18: {  	s0 =	sld [smem:$0x3F9A];
	_ =	swait.ge [sflag:s4], $0x0  }
0x19: {  	s7 =	sld [smem:$0x3F9B]  }
0x1a: {  	s8 =	sadd.s32 $0xFFFFE003, lr  }
0x1b: {  	s9 =	sadd.s32 $0xFFFFFEF7, lr;
	s5 =	simm.s32 $0xFFFFFFFF;
	p2 =	slt.u32 s8, $0xFFFFF086  }
0x1c: {  	p1 =	slt.u32 s9, $0xF7A;
	s5 =	simm.s32 @!p2 $0x0  }
0x1d: {  	s5 =	simm.s32 @p1 $0x1;
	p0 =	seq.s32 s7, s2  }
0x1e: {  	s7 =	smul.u32 @!p0 $0xF7A, s2;
	p2 =	seq.s32 @!p0 s5, $0x0  }
0x1f: {  	s9 =	smul.u32 $0xF7A, s1;
	s8 =	simm.s32 @!p0 $0x1BF5;
	p2 =	por !p2, p0  }
0x20: {  	[sflag:s8] =	ssyncset.s32 @!p0 $0xFFFFF086;
	s6 =	sadd.s32 @!p0 s3, s7;
	s7 =	simm.s32 @!p0 $0x108  }
0x21: {  	s3 =	sadd.s32 s3, s9;
	s6 =	sadd.s32 @!p0 $0x88, s6;
	s7 =	simm.s32 @p2 $0x1082  }
0x22: {  	[simem:s7], [sflag:s8] =	dma.local @!p0 [hbm:s6], $0xF7A  }
0x23: {  	s9 =	sor.u32 $0xD0000000, s2;
	s6 =	simm.s32 $0x108;
	_ =	swait.ge @!p0 [sflag:s8], $0x0  }
0x24: {  	s3 =	sadd.s32 $0x88, s3;
	s6 =	simm.s32 @!p1 $0x1082;
	[sflag:s4] =	ssyncset.s32 $0xFFFFF086  }
0x25: {  	[simem:s6], [sflag:s4] =	dma.local [hbm:s3], $0xF7A  }
0x26: {  	[smem:$0x3F9B] =	sst s1;
	(tag) =	ssettag s2;
	_ =	strace s9  }
0x27: {  	s1 =	sld [smem:$0x3FAB]  }
0x28: {  	s2 =	sld [smem:$0x3FAC]  }
0x29: {  	s4 =	sld [smem:$0x3FAE]  }
0x2a: {  	p0 =	seq.s32 s5, $0x0;
	s5 =	sld [smem:$0x3FAF]  }
0x2b: {  	s6 =	sld [smem:$0x3FB0]  }
0x2c: {  	s7 =	sld [smem:$0x3FB1]  }
0x2d: {  	s3 =	simm.s32 $0x108;
	s8 =	sld [smem:$0x3FB2]  }
0x2e: {  	s3 =	simm.s32 @!p0 $0x1082;
	s9 =	sld [smem:$0x3FB3]  }
0x2f: {  	lr =	sadd.s32 s0, s3;
	s0 =	sld [smem:$0x3FAA]  }
0x30: {  	s3 =	sld [smem:$0x3FAD]  }
0x31: {  	[smem:$0x3FB6] =	sst s10  }
0x32: {  	s10 =	sld [smem:$0x3FB4];
	_ =	sdelay $0x3  }
0x33: {  	p0 =	seq.s32 s10, $0x1;
	s10 =	sld [smem:$0x3FB6];
	_ =	sdelay $0x3  }
0x34: {  	[smem:$0x3FB6] =	sst s10  }
0x35: {  	s10 =	sld [smem:$0x3FB5];
	_ =	sdelay $0x3  }
0x36: {  	p1 =	seq.s32 s10, $0x1;
	s10 =	sld [smem:$0x3FB6];
	_ =	sdelay $0x3  }
0x37: {  	[smem:$0x3FB6] =	sst s10  }
0x38: {  	s10 =	sld [smem:$0x3FB7]  }
0x39: {  	_ = 	snop;
	(pc) =	sbr.ind lr, $3  }
0x3a: {  	_ = 	snop  }
0x3b: {  	_ = 	snop  }
0x3c: {  	p2 =	seq.s32 s10, $0x1;
	s10 =	sld [smem:$0x3FB6]  }
0x3d: {  	_ =	shalt  }
0x3e: {  	_ =	shalt  }
0x3f: {  	_ =	shalt  }
0x40: {  	_ =	shalt  }
0x41: {  	_ =	shalt  }
0x42: {  	_ =	shalt  }
0x43: {  	_ =	shalt  }
0x44: {  	_ =	shalt  }
0x45: {  	_ =	shalt  }
0x46: {  	_ =	shalt  }
0x47: {  	_ =	shalt  }
0x48: {  	_ =	shalt  }
0x49: {  	_ =	shalt  }
0x4a: {  	_ =	shalt  }
0x4b: {  	_ =	shalt  }
0x4c: {  	_ =	shalt  }
0x4d: {  	_ =	shalt  }
0x4e: {  	_ =	shalt  }
0x4f: {  	_ =	shalt  }
0x50: {  	_ =	shalt  }
0x51: {  	_ =	shalt  }
0x52: {  	_ =	shalt  }
0x53: {  	_ =	shalt  }
0x54: {  	_ =	shalt  }
0x55: {  	_ =	shalt  }
0x56: {  	_ =	shalt  }
0x57: {  	_ =	shalt  }
0x58: {  	_ =	shalt  }
0x59: {  	_ =	shalt  }
0x5a: {  	_ =	shalt  }
0x5b: {  	_ =	shalt  }
0x5c: {  	_ =	shalt  }
0x5d: {  	_ =	shalt  }
0x5e: {  	_ =	shalt  }
0x5f: {  	_ =	shalt  }
0x60: {  	_ =	shalt  }
0x61: {  	_ =	shalt  }
0x62: {  	_ =	shalt  }
0x63: {  	_ =	shalt  }
0x64: {  	_ =	shalt  }
0x65: {  	_ =	shalt  }
0x66: {  	_ =	shalt  }
0x67: {  	_ =	shalt  }
0x68: {  	_ =	shalt  }
0x69: {  	_ =	shalt  }
0x6a: {  	_ =	shalt  }
0x6b: {  	_ =	shalt  }
0x6c: {  	_ =	shalt  }
0x6d: {  	_ =	shalt  }
0x6e: {  	_ =	shalt  }
0x6f: {  	_ =	shalt  }
0x70: {  	_ =	shalt  }
0x71: {  	_ =	shalt  }
0x72: {  	_ =	shalt  }
0x73: {  	_ =	shalt  }
0x74: {  	_ =	shalt  }
0x75: {  	_ =	shalt  }
0x76: {  	_ =	shalt  }
0x77: {  	_ =	shalt  }
0x78: {  	_ =	shalt  }
0x79: {  	_ =	shalt  }
0x7a: {  	_ =	shalt  }
0x7b: {  	_ =	shalt  }
0x7c: {  	_ =	shalt  }
0x7d: {  	_ =	shalt  }
0x7e: {  	_ =	shalt  }
0x7f: {  	_ =	shalt  }
0x80: {  	_ =	shalt  }
0x81: {  	_ =	shalt  }
0x82: {  	_ =	shalt  }
0x83: {  	_ =	shalt  }
0x84: {  	_ =	shalt  }
0x85: {  	_ =	shalt  }
0x86: {  	_ =	shalt  }
0x87: {  	_ =	shalt  }
.Lfunc_end0:
.L_simem_size_0:
called_computation.1_lowered:
.L_overlay_start_0:
0x88: {  	s2 =	sld [smem:$0x3FD9]  }
0x89: {  	s3 =	sld [smem:$0x3FFE];
	_ =	sdelay $0x1  }
0x8a: {  	s1 =	srdreg.scid  }
0x8b: {  	s0 =	sand.u32 $0x1, s1  }
0x8c: {  	s17 =	sshll.u32 s0, $0xA;
	s2 =	sadd.s32 s3, s2  }
0x8d: {  	s2 =	sadd.s32 s2, s17  }
0x8e: {  	[smem:$0x3FC2] =	sst s2  }
0x8f: {  	_ = 	snop  }
0x90: {  	s2 =	sld [smem:$0x3FD0];
	(tm) =	ssettm $0x1  }
0x91: {  	s18 =	sld [smem:$0x3FFB];
	_ =	sdelay $0x3  }
0x92: {  	_ =	strace s18  }
0x93: {  	s3 =	sld [smem:$0x3FFC];
	_ =	sdelay $0x3  }
0x94: {  	_ =	strace s3  }
0x95: {  	s3 =	sld [smem:$0x3FFD];
	_ =	sdelay $0x3  }
0x96: {  	_ =	strace s3  }
0x97: {  	_ =	strace $0x8FFFFFFF  }
0x98: {  	s19 =	sld [smem:$0x3FDB];
	_ =	sdelay $0x1  }
0x99: {  	s4 =	simm.s32 $_scs_section_size  }
0x9a: {  	s5 =	simm.s32 $_size__tile_overlayer_lowered;
	s6 =	simm.s32 $_tile_overlayer_lowered  }
0x9b: {  	s22 =	simm.s32 $0x1BFF;
	s21 =	sshll.u32 s6, $0x1;
	s3 =	sadd.s32 s4, s19  }
0x9c: {  	s7 =	simm.s32 $0x0;
	s20 =	sshll.u32 s5, $0x1;
	s5 =	sadd.s32 s21, s3  }
0x9d: {  	[timem:s7], [sflag:s22] =	dma.local [hbm:s5], s20  }
0x9e: {  	_ =	swait.ge [sflag:s22], s20  }
0x9f: {  	s4 =	ssub.s32 $0x0, s20;
	[sflag:s22] =	ssyncset.done $0x0  }
0xa0: {  	[sflag:s22] =	ssyncadd.s32 s4;
	_ =	sdelay $0x1  }
0xa1: {  	s23 =	simm.s32 $0x1B8B  }
0xa2: {  	_ =	swait.ge [sflag:s23], $0x1  }
0xa3: {  	[sflag:s23] =	ssyncset.done $0x0  }
0xa4: {  	s25 =	simm.s32 $0x1B8E;
	s24 =	sld [smem:$0x3FFE];
	[sflag:s23] =	ssyncadd.s32 $0xFFFFFFFF  }
0xa5: {  	s26 =	simm.s32 $execute0_lowered;
	[smem:$0x3FD2] =	sst s25  }
0xa6: {  	s5 =	sshll.u32 s26, $0x1;
	_ =	strace $0x80000049;
	[dreg:$0x1] =	wrdreg $0xFFFFFFFF  }
0xa7: {  	s28 =	simm.s32 $_size_execute0_lowered;
	s3 =	sadd.s32 s3, s5;
	[dreg:$0x0] =	wrdreg $0x0  }
0xa8: {  	s5 =	sshll.u32 s28, $0x1;
	[dreg:$0x2] =	wrdreg s3  }
0xa9: {  	[dreg:$0x3] =	wrdreg s5  }
0xaa: {  	[dreg:$0x4] =	wrdreg $0xC0  }
0xab: {  	_ =	task [dreg:s7], $0x5FFFF  }
0xac: {  	[dreg:$0x1] =	wrdreg $0xFFFFFFFF  }
0xad: {  	[dreg:$0x0] =	wrdreg $0x60  }
0xae: {  	[dreg:$0x2] =	wrdreg s24  }
0xaf: {  	[dreg:$0x3] =	wrdreg s2  }
0xb0: {  	[dreg:$0x4] =	wrdreg $0xC0000  }
0xb1: {  	[dreg:$0x5] =	wrdreg $0x9  }
0xb2: {  	_ =	task.clear_ibuf [dreg:s7], $0x6FFFF;
	_ =	strace $0x90000049  }
0xb3: {  	s29 =	simm.s32 $0x9;
	_ =	strace $0x8000004B  }
0xb4: {  	_ =	swait.ge [sflag:s29], $0x1  }
0xb5: {  	[sflag:s29] =	ssyncadd.s32 $0xFFFFFFFF  }
0xb6: {  	_ =	strace $0x9000004B  }
0xb7: {  	_ =	sfence  }
0xb8: {  	s30 =	sld [smem:$0x0];
	_ =	sdelay $0x2  }
0xb9: {  	s31 =	sshll.u32 s1, $0xD;
	s1 =	sshrl.u32 s1, $0x2  }
0xba: {  	s3 =	sand.u32 $0x4000, s31;
	s1 =	sadd.s32 s1, s30  }
0xbb: {  	s0 =	sor.u32 s3, s0;
	s1 =	sshll.u32 s1, $0x11  }
0xbc: {  	s0 =	sor.u32 s1, s0  }
0xbd: {  	s0 =	sadd.s32 $0x8F2B, s0  }
0xbe: {  	[sflag:s0] =	ssyncadd.remote.s32 $0x1  }
0xbf: {  	_ =	sfence.sel $0xFFFF  }
0xc0: {  	[dreg:$0x0] =	wrdreg $0xFFFFFFFF;
	(pc) =	sbr.abs _section_cstart, $3  }
0xc1: {  	[dreg:$0x1] =	wrdreg $0xFFFFFFFF  }
0xc2: {  	_ =	task.clear_ibuf [dreg:s7], $0x2FFFF;
	_ =	strace $0x9FFFFFFF  }
0xc3: {  	(tm) =	ssettm $0x7FFFFFFF  }
tec
execute0_lowered:
.L_overlay_start_1:
0x0: {  	(tag) =	ssettag $0x1  }
0x1: {  	s0 =	rddreg [dreg:$0x0]  }
0x2: {  	s3 =	rddreg [dreg:$0x1]  }
0x3: {  	s1 =	rddreg [dreg:$0x2];
	s2 =	simm.s32 $0x0  }
0x4: {  	s4 =	srdreg.scid;
	s17 =	stileid.u32;
	s28 =	simm.s32 $0x8000  }
0x5: {  	s29 =	simm.s32 $0x4;
	s30 =	simm.s32 $0x0;
	[smem:$0x7FF] =	sst s2  }
0x6: {  	s6 =	sand.u32 $0x1, s4;
	s4 =	sadd.s32 $0xCA00, s0;
	s7 =	sadd.s32 $0x2600, s0  }
0x7: {  	s9 =	sshll.u32 s17, $0x5;
	s10 =	sshll.u32 s17, $0x7;
	s0 =	sadd.s32 $0x34200, s0  }
0x8: {  	s19 =	sshll.u32 s17, $0xE;
	_ =	strace $0x8000004A;
	s5 =	ssub.s32 $0x2, s6  }
0x9: {  	p0 =	seq.s32 s6, $0x0;
	s11 =	sor.u32 $0x800, s9;
	s9 =	sor.u32 $0x810, s9  }
0xa: {  	s12 =	sadd.s32 s19, s1;
	s20 =	sor.u32 $0x40000, s19;
	s21 =	sor.u32 $0x80000, s19  }
0xb: {  	s22 =	sor.u32 $0xC0000, s19;
	s8 =	sshrl.u32 s5, $0x1;
	s11 =	smov.u32 @p0 s10  }
0xc: {  	s10 =	sor.u32 $0x40, s10;
	s13 =	sadd.s32 s20, s1;
	s14 =	sadd.s32 s21, s1  }
0xd: {  	s15 =	sadd.s32 s22, s1;
	s8 =	ssub.s32 s5, s8;
	s11 =	sshll.u32 s11, $0x4  }
0xe: {  	s5 =	simm.s32 $0x40;
	s9 =	smov.u32 @p0 s10;
	s25 =	sadd.s32 s3, s11  }
0xf: {  	s5 =	simm.s32 @!p0 $0x10;
	s26 =	sadd.s32 s7, s11;
	[dreg:$0x4] =	wrdreg s25  }
0x10: {  	s9 =	sshll.u32 s9, $0x4;
	s18 =	smax.u32 s8, $0x1;
	[dreg:$0x5] =	wrdreg s26  }
0x11: {  	s11 =	smul.u32 $0x13C000, s6;
	s31 =	sshrl.u32 s5, $0x1;
	[dreg:$0x9] =	wrdreg s18  }
0x12: {  	s6 =	sor.u32 $0x100000, s19;
	s3 =	sadd.s32 s3, s9;
	[dreg:$0x6] =	wrdreg s31  }
0x13: {  	p0 =	seq.s32 s17, $0xF;
	s10 =	sadd.s32 s7, s9;
	[dreg:$0x7] =	wrdreg s3  }
0x14: {  	s16 =	sadd.s32 s6, s1;
	[dreg:$0x8] =	wrdreg s10;
	s23 =	sadd.s32 s11, s19  }
0x15: {  	s7 =	sadd.s32 s11, s20;
	s24 =	sadd.s32 s11, s21;
	s25 =	sadd.s32 s11, s22  }
0x16: {  	s3 =	sadd.s32 s11, s6;
	s22 =	simm.s32 $0x4000;
	s10 =	sshrl.u32 s23, $0x3  }
0x17: {  	s7 =	sshrl.u32 s7, $0x3;
	s26 =	sshrl.u32 s24, $0x3;
	s31 =	sshrl.u32 s25, $0x3  }
0x18: {  	s3 =	sshrl.u32 s3, $0x3;
	s23 =	simm.s32 $0x3;
	s24 =	simm.s32 $0x1  }
0x19: {  	s25 =	simm.s32 $0x80;
	s10 =	sadd.s32 s0, s10;
	s7 =	sadd.s32 s0, s7  }
0x1a: {  	s19 =	sadd.s32 s0, s26;
	s20 =	sadd.s32 s0, s31;
	[dreg:$0xa] =	wrdreg s10  }
0x1b: {  	v0 =	vimm.f32 $0.0e+00;
	s21 =	sadd.s32 s0, s3;
	s26 =	simm.s32 $0x2;
	[dreg:$0xb] =	wrdreg s7  }
.LBB2_1:
0x1c: {  	s0 =	simm.s32 $0x0;
	s3 =	simm.s32 $0x200  }
.LBB2_2:
0x1d: {  	p1 =	sne.s32 s3, $0xFE00;
	[tilespmem:s0+$0x4070] =	vst v0  }
0x1e: {  	[tilespmem:s0+$0x4000] =	vst v0  }
0x1f: {  	[tilespmem:s0+$0x4010] =	vst v0  }
.Ltmp0:
0x20: {  	[tilespmem:s0+$0x4020] =	vst v0;
	(pc) =	sbr.rel @p1 .LBB2_2-.Ltmp0, $4  }
0x21: {  	[tilespmem:s0+$0x4030] =	vst v0  }
0x22: {  	[tilespmem:s0+$0x4040] =	vst v0  }
0x23: {  	[tilespmem:s0+$0x4050] =	vst v0  }
0x24: {  	[tilespmem:s0+$0x4060] =	vst v0;
	s0 =	sshra.s32 s3, $0x2;
	s3 =	sadd.s32 $0x200, s3  }
0x25: {  	[tilespmem:s0+$0x4070] =	vst v0  }
0x26: {  	[tilespmem:s0+$0x4000] =	vst v0  }
0x27: {  	[tilespmem:s0+$0x4010] =	vst v0  }
0x28: {  	[tilespmem:s0+$0x4020] =	vst v0  }
0x29: {  	[tilespmem:s0+$0x4030] =	vst v0  }
0x2a: {  	[tilespmem:s0+$0x4040] =	vst v0  }
0x2b: {  	[tilespmem:s0+$0x4050] =	vst v0  }
0x2c: {  	[tilespmem:s0+$0x4060] =	vst v0  }
0x2d: {  	[spmem:s12] =	stream.linear.scatter [tilespmem:s22], [sflag:$0x3], $0x4000, $0x38;
	[tilespmem:$0x1FC00] =	vst v63  }
0x2e: {  	_ =	swait.ge [sflag:s23], $0x4000  }
0x2f: {  	[sflag:s23] =	ssyncset.done $0x0  }
0x30: {  	[sflag:s23] =	ssyncadd.s32 $0xFFFFC000  }
0x31: {  	[spmem:s13] =	stream.linear.scatter [tilespmem:s22], [sflag:$0x3], $0x4000, $0x38;
	[tilespmem:$0x1FC00] =	vst v63  }
0x32: {  	_ =	swait.ge [sflag:s23], $0x4000  }
0x33: {  	[sflag:s23] =	ssyncset.done $0x0  }
0x34: {  	[sflag:s23] =	ssyncadd.s32 $0xFFFFC000  }
0x35: {  	[spmem:s14] =	stream.linear.scatter [tilespmem:s22], [sflag:$0x3], $0x4000, $0x38;
	[tilespmem:$0x1FC00] =	vst v63  }
0x36: {  	_ =	swait.ge [sflag:s23], $0x4000  }
0x37: {  	[sflag:s23] =	ssyncset.done $0x0  }
0x38: {  	[sflag:s23] =	ssyncadd.s32 $0xFFFFC000  }
0x39: {  	[spmem:s15] =	stream.linear.scatter [tilespmem:s22], [sflag:$0x3], $0x4000, $0x38;
	[tilespmem:$0x1FC00] =	vst v63  }
0x3a: {  	_ =	swait.ge [sflag:s23], $0x4000  }
0x3b: {  	[sflag:s23] =	ssyncset.done $0x0  }
0x3c: {  	s0 =	simm.s32 @!p0 $0x4000;
	[sflag:s23] =	ssyncadd.s32 $0xFFFFC000  }
0x3d: {  	[spmem:s16] =	stream.linear.scatter @!p0 [tilespmem:s0], [sflag:$0x3], $0x4000, $0x38;
	[tilespmem:$0x1FC00] =	vst v63  }
0x3e: {  	s0 =	simm.s32 @!p0 $0x3  }
0x3f: {  	_ =	swait.ge @!p0 [sflag:s0], $0x4000  }
0x40: {  	[sflag:s0] =	ssyncset.done @!p0 $0x0  }
0x41: {  	[sflag:s0] =	ssyncadd.s32 @!p0 $0xFFFFC000  }
0x42: {  	[bflag:$0x0] =	sbarrier.arrive $0xFFFF  }
0x43: {  	s17 =	rddreg [dreg:$0x4]  }
0x44: {  	[tilespmem:s2], [sflag:$0x3] =	stream.linear.gather [hbm4b:s17+s2], $0x2000, $0x38;
	[tilespmem:$0x1FC00] =	vst v63  }
0x45: {  	_ =	swait.ge [sflag:s23], $0x2000  }
0x46: {  	[sflag:s23] =	ssyncset.done $0x0  }
0x47: {  	s31 =	simm.s32 $0x2000;
	s18 =	rddreg [dreg:$0x5];
	[sflag:s23] =	ssyncadd.s32 $0xFFFFE000  }
0x48: {  	[tilespmem:s31], [sflag:$0x3] =	stream.linear.gather [hbm4b:s18+s2], $0x2000, $0x38;
	[tilespmem:$0x1FC00] =	vst v63  }
0x49: {  	_ =	swait.ge [sflag:s23], $0x2000  }
0x4a: {  	s3 =	rddreg [dreg:$0x6]  }
0x4b: {  	s6 =	sadd.s32 $0xFFFFFFFF, s3  }
0x4c: {  	p3 =	sne.s32 s6, $0x0  }
.Ltmp1:
0x4d: {  	p2 =	sle.u32 s5, $0x1;
	p1 =	por $0x0, $0x0;
	(pc) =	sbr.rel @!p3 .LBB2_6-.Ltmp1, $4  }
0x4e: {  	s7 =	simm.s32 $0x80;
	s9 =	simm.s32 $0x1;
	s8 =	simm.s32 $0x2000  }
0x4f: {  	p4 =	por $0x0, $0x0;
	p6 =	por p2, p2;
	[sflag:s23] =	ssyncset.done $0x0  }
0x50: {  	s0 =	simm.s32 $0x80;
	[sflag:s23] =	ssyncadd.s32 $0xFFFFE000;
	s3 =	simm.s32 $0x1  }
0x51: {  	[tilespmem:s22], [sflag:$0x1] =	stream.indirect.gather [hbm4b:s4+s0], $0x80, s2, s0, $0xb8;
	[tilespmem:$0x1FC00] =	vst v63  }
0x52: {  	s7 =	simm.s32 @!p2 $0x80;
	s8 =	simm.s32 @!p2 $0x8000  }
0x53: {  	[tilespmem:s8], [sflag:$0x2] =	stream.indirect.gather @!p2 [hbm4b:s4+s7], $0x80, s0, s7, $0xb8;
	[tilespmem:$0x1FC00] =	vst v63  }
0x54: {  	_ =	swait.ge [sflag:s24], $0x4000  }
0x55: {  	[sflag:s24] =	ssyncset.done $0x0  }
0x56: {  	[sflag:s24] =	ssyncadd.s32 $0xFFFFC000  }
0x57: {  	[spmem:s1] =	stream.indirect.scatter.add.f32 [tilespmem:s22], [sflag:$0x3], $0x80, s31, s25, $0xb8;
	[tilespmem:$0x1FC00] =	vst v63  }
0x58: {  	p4 =	sle.u32 s5, $0x2;
	s10 =	sadd.s32 $0xFFFFFFFF, s6;
	_ =	swait.ge [sflag:s23], $0x4000  }
0x59: {  	s7 =	simm.s32 @!p4 $0x100;
	s8 =	simm.s32 @!p4 $0x80;
	[sflag:s23] =	ssyncset.done $0x0  }
0x5a: {  	s9 =	simm.s32 @!p4 $0x4000;
	p5 =	sne.s32 s10, $0x0;
	[sflag:s23] =	ssyncadd.s32 $0xFFFFC000  }
0x5b: {  	[tilespmem:s9], [sflag:$0x1] =	stream.indirect.gather @!p4 [hbm4b:s4+s8], $0x80, s7, s8, $0xb8;
	[tilespmem:$0x1FC00] =	vst v63  }
.Ltmp2:
0x5c: {  	_ =	swait.ge [sflag:s26], $0x4000;
	(pc) =	sbr.rel @!p5 .LBB2_6-.Ltmp2, $4  }
0x5d: {  	s18 =	simm.s32 $0x2080;
	p6 =	sle.u32 s5, $0x3;
	[sflag:s26] =	ssyncset.done $0x0  }
0x5e: {  	s7 =	simm.s32 $0x180;
	s9 =	simm.s32 $0x3;
	[sflag:s26] =	ssyncadd.s32 $0xFFFFC000  }
0x5f: {  	[spmem:s1] =	stream.indirect.scatter.add.f32 [tilespmem:s28], [sflag:$0x3], $0x80, s18, s25, $0xb8;
	[tilespmem:$0x1FC00] =	vst v63  }
0x60: {  	s8 =	simm.s32 $0x2100;
	p4 =	por $0x1, $0x1;
	_ =	swait.ge [sflag:s23], $0x4000  }
.LBB2_5:
0x61: {  	s11 =	simm.s32 @!p6 $0x80;
	s17 =	simm.s32 @!p6 $0x8000;
	[sflag:s23] =	ssyncset.done $0x0  }
0x62: {  	s10 =	sadd.s32 $0xFFFFFFFF, s10;
	[sflag:s23] =	ssyncadd.s32 $0xFFFFC000  }
0x63: {  	[tilespmem:s17], [sflag:$0x2] =	stream.indirect.gather @!p6 [hbm4b:s4+s11], $0x80, s7, s11, $0xb8;
	[tilespmem:$0x1FC00] =	vst v63  }
0x64: {  	p5 =	sne.s32 s10, $0x0;
	_ =	swait.ge [sflag:s24], $0x4000  }
0x65: {  	[sflag:s24] =	ssyncset.done $0x0  }
0x66: {  	s11 =	sadd.s32 $0x1, s9;
	[sflag:s24] =	ssyncadd.s32 $0xFFFFC000  }
0x67: {  	[spmem:s1] =	stream.indirect.scatter.add.f32 [tilespmem:s22], [sflag:$0x3], $0x80, s8, s25, $0xb8;
	[tilespmem:$0x1FC00] =	vst v63  }
0x68: {  	p6 =	sge.u32 s11, s5;
	_ =	swait.ge [sflag:s23], $0x4000  }
0x69: {  	s11 =	sadd.s32 @!p6 $0x80, s7;
	s17 =	simm.s32 @!p6 $0x80;
	[sflag:s23] =	ssyncset.done $0x0  }
0x6a: {  	s18 =	simm.s32 @!p6 $0x4000;
	[sflag:s23] =	ssyncadd.s32 $0xFFFFC000  }
0x6b: {  	[tilespmem:s18], [sflag:$0x1] =	stream.indirect.gather @!p6 [hbm4b:s4+s17], $0x80, s11, s17, $0xb8;
	[tilespmem:$0x1FC00] =	vst v63  }
.Ltmp3:
0x6c: {  	_ =	swait.ge [sflag:s26], $0x4000;
	(pc) =	sbr.rel @p5 .LBB2_5-.Ltmp3, $4  }
0x6d: {  	s11 =	sadd.s32 $0x80, s8;
	[sflag:s26] =	ssyncset.done $0x0  }
0x6e: {  	s9 =	sadd.s32 $0x2, s9;
	s7 =	sadd.s32 $0x100, s7;
	[sflag:s26] =	ssyncadd.s32 $0xFFFFC000  }
0x6f: {  	[spmem:s1] =	stream.indirect.scatter.add.f32 [tilespmem:s28], [sflag:$0x3], $0x80, s11, s25, $0xb8;
	[tilespmem:$0x1FC00] =	vst v63  }
0x70: {  	p6 =	sge.u32 s9, s5;
	s8 =	sadd.s32 $0x100, s8;
	_ =	swait.ge [sflag:s23], $0x4000  }
.LBB2_6:
0x71: {  	[sflag:s23] =	ssyncset.done @p4 $0x0  }
0x72: {  	s10 =	simm.s32 @!p6 $0x80;
	s11 =	simm.s32 @!p6 $0x8000;
	[sflag:s23] =	ssyncadd.s32 @p4 $0xFFFFC000  }
0x73: {  	[tilespmem:s11], [sflag:$0x2] =	stream.indirect.gather @!p6 [hbm4b:s4+s10], $0x80, s7, s10, $0xb8;
	[tilespmem:$0x1FC00] =	vst v63  }
0x74: {  	_ =	swait.ge [sflag:s24], $0x4000  }
0x75: {  	[sflag:s24] =	ssyncset.done $0x0  }
0x76: {  	s9 =	sadd.s32 $0x1, s9;
	[sflag:s24] =	ssyncadd.s32 $0xFFFFC000  }
0x77: {  	[spmem:s1] =	stream.indirect.scatter.add.f32 [tilespmem:s22], [sflag:$0x3], $0x80, s8, s25, $0xb8;
	[tilespmem:$0x1FC00] =	vst v63  }
0x78: {  	p4 =	sge.u32 s9, s5;
	_ =	swait.ge [sflag:s23], $0x4000  }
0x79: {  	s7 =	sadd.s32 @!p4 $0x80, s7;
	[sflag:s23] =	ssyncset.done $0x0  }
0x7a: {  	s9 =	simm.s32 @!p4 $0x80;
	s10 =	simm.s32 @!p4 $0x4000;
	[sflag:s23] =	ssyncadd.s32 $0xFFFFC000  }
0x7b: {  	[tilespmem:s10], [sflag:$0x1] =	stream.indirect.gather @!p4 [hbm4b:s4+s9], $0x80, s7, s9, $0xb8;
	[tilespmem:$0x1FC00] =	vst v63  }
0x7c: {  	_ =	swait.ge [sflag:s26], $0x4000  }
0x7d: {  	[sflag:s26] =	ssyncset.done $0x0  }
0x7e: {  	s11 =	sadd.s32 $0x80, s8;
	[sflag:s26] =	ssyncadd.s32 $0xFFFFC000  }
0x7f: {  	[spmem:s1] =	stream.indirect.scatter.add.f32 [tilespmem:s28], [sflag:$0x3], $0x80, s11, s25, $0xb8;
	[tilespmem:$0x1FC00] =	vst v63  }
0x80: {  	_ =	swait.ge [sflag:s23], $0x4000  }
0x81: {  	[sflag:s23] =	ssyncset.done $0x0  }
0x82: {  	s17 =	rddreg [dreg:$0x7];
	[sflag:s23] =	ssyncadd.s32 $0xFFFFC000  }
0x83: {  	[tilespmem:s2], [sflag:$0x3] =	stream.linear.gather [hbm4b:s17+s2], $0x2000, $0x38;
	[tilespmem:$0x1FC00] =	vst v63  }
0x84: {  	_ =	swait.ge [sflag:s23], $0x2000  }
0x85: {  	[sflag:s23] =	ssyncset.done $0x0  }
0x86: {  	s18 =	rddreg [dreg:$0x8];
	[sflag:s23] =	ssyncadd.s32 $0xFFFFE000  }
0x87: {  	[tilespmem:s31], [sflag:$0x3] =	stream.linear.gather [hbm4b:s18+s2], $0x2000, $0x38;
	[tilespmem:$0x1FC00] =	vst v63  }
.Ltmp4:
0x88: {  	_ = 	snop;
	(pc) =	sbr.rel @!p3 .LBB2_9-.Ltmp4, $4  }
0x89: {  	_ =	swait.ge [sflag:s23], $0x2000  }
0x8a: {  	[sflag:s23] =	ssyncset.done $0x0  }
0x8b: {  	[sflag:s23] =	ssyncadd.s32 $0xFFFFE000  }
0x8c: {  	[tilespmem:s22], [sflag:$0x1] =	stream.indirect.gather [hbm4b:s4+s0], $0x80, s2, s0, $0xb8;
	[tilespmem:$0x1FC00] =	vst v63  }
0x8d: {  	s3 =	simm.s32 @!p2 $0x80;
	s7 =	simm.s32 @!p2 $0x8000  }
0x8e: {  	[tilespmem:s7], [sflag:$0x2] =	stream.indirect.gather @!p2 [hbm4b:s4+s3], $0x80, s0, s3, $0xb8;
	[tilespmem:$0x1FC00] =	vst v63  }
0x8f: {  	_ =	swait.ge [sflag:s24], $0x4000  }
0x90: {  	[sflag:s24] =	ssyncset.done $0x0  }
0x91: {  	[sflag:s24] =	ssyncadd.s32 $0xFFFFC000  }
0x92: {  	[spmem:s1] =	stream.indirect.scatter.add.f32 [tilespmem:s22], [sflag:$0x3], $0x80, s31, s25, $0xb8;
	[tilespmem:$0x1FC00] =	vst v63  }
0x93: {  	p1 =	sle.u32 s5, $0x2;
	s6 =	sadd.s32 $0xFFFFFFFF, s6;
	_ =	swait.ge [sflag:s23], $0x4000  }
0x94: {  	s0 =	simm.s32 @!p1 $0x100;
	s3 =	simm.s32 @!p1 $0x80;
	[sflag:s23] =	ssyncset.done $0x0  }
0x95: {  	s7 =	simm.s32 @!p1 $0x4000;
	p3 =	sne.s32 s6, $0x0;
	[sflag:s23] =	ssyncadd.s32 $0xFFFFC000  }
0x96: {  	[tilespmem:s7], [sflag:$0x1] =	stream.indirect.gather @!p1 [hbm4b:s4+s3], $0x80, s0, s3, $0xb8;
	[tilespmem:$0x1FC00] =	vst v63  }
.Ltmp5:
0x97: {  	_ =	swait.ge [sflag:s26], $0x4000;
	(pc) =	sbr.rel @!p3 .LBB2_9-.Ltmp5, $4  }
0x98: {  	s18 =	simm.s32 $0x2080;
	p2 =	sle.u32 s5, $0x3;
	[sflag:s26] =	ssyncset.done $0x0  }
0x99: {  	s31 =	simm.s32 $0x2100;
	s0 =	simm.s32 $0x180;
	[sflag:s26] =	ssyncadd.s32 $0xFFFFC000  }
0x9a: {  	[spmem:s1] =	stream.indirect.scatter.add.f32 [tilespmem:s28], [sflag:$0x3], $0x80, s18, s25, $0xb8;
	[tilespmem:$0x1FC00] =	vst v63  }
0x9b: {  	s3 =	simm.s32 $0x3;
	p1 =	por $0x1, $0x1;
	_ =	swait.ge [sflag:s23], $0x4000  }
.LBB2_8:
0x9c: {  	s7 =	simm.s32 @!p2 $0x80;
	s8 =	simm.s32 @!p2 $0x8000;
	[sflag:s23] =	ssyncset.done $0x0  }
0x9d: {  	s6 =	sadd.s32 $0xFFFFFFFF, s6;
	[sflag:s23] =	ssyncadd.s32 $0xFFFFC000  }
0x9e: {  	[tilespmem:s8], [sflag:$0x2] =	stream.indirect.gather @!p2 [hbm4b:s4+s7], $0x80, s0, s7, $0xb8;
	[tilespmem:$0x1FC00] =	vst v63  }
0x9f: {  	p3 =	sne.s32 s6, $0x0;
	_ =	swait.ge [sflag:s24], $0x4000  }
0xa0: {  	[sflag:s24] =	ssyncset.done $0x0  }
0xa1: {  	s7 =	sadd.s32 $0x1, s3;
	[sflag:s24] =	ssyncadd.s32 $0xFFFFC000  }
0xa2: {  	[spmem:s1] =	stream.indirect.scatter.add.f32 [tilespmem:s22], [sflag:$0x3], $0x80, s31, s25, $0xb8;
	[tilespmem:$0x1FC00] =	vst v63  }
0xa3: {  	p2 =	sge.u32 s7, s5;
	_ =	swait.ge [sflag:s23], $0x4000  }
0xa4: {  	s7 =	sadd.s32 @!p2 $0x80, s0;
	s8 =	simm.s32 @!p2 $0x80;
	[sflag:s23] =	ssyncset.done $0x0  }
0xa5: {  	s9 =	simm.s32 @!p2 $0x4000;
	[sflag:s23] =	ssyncadd.s32 $0xFFFFC000  }
0xa6: {  	[tilespmem:s9], [sflag:$0x1] =	stream.indirect.gather @!p2 [hbm4b:s4+s8], $0x80, s7, s8, $0xb8;
	[tilespmem:$0x1FC00] =	vst v63  }
.Ltmp6:
0xa7: {  	_ =	swait.ge [sflag:s26], $0x4000;
	(pc) =	sbr.rel @p3 .LBB2_8-.Ltmp6, $4  }
0xa8: {  	s7 =	sadd.s32 $0x80, s31;
	[sflag:s26] =	ssyncset.done $0x0  }
0xa9: {  	s3 =	sadd.s32 $0x2, s3;
	s0 =	sadd.s32 $0x100, s0;
	[sflag:s26] =	ssyncadd.s32 $0xFFFFC000  }
0xaa: {  	[spmem:s1] =	stream.indirect.scatter.add.f32 [tilespmem:s28], [sflag:$0x3], $0x80, s7, s25, $0xb8;
	[tilespmem:$0x1FC00] =	vst v63  }
0xab: {  	p2 =	sge.u32 s3, s5;
	s31 =	sadd.s32 $0x100, s31;
	_ =	swait.ge [sflag:s23], $0x4000  }
.LBB2_9:
0xac: {  	[sflag:s23] =	ssyncset.done @p1 $0x0  }
0xad: {  	s6 =	simm.s32 @!p2 $0x80;
	s7 =	simm.s32 @!p2 $0x8000;
	[sflag:s23] =	ssyncadd.s32 @p1 $0xFFFFC000  }
0xae: {  	[tilespmem:s7], [sflag:$0x2] =	stream.indirect.gather @!p2 [hbm4b:s4+s6], $0x80, s0, s6, $0xb8;
	[tilespmem:$0x1FC00] =	vst v63  }
0xaf: {  	_ =	swait.ge [sflag:s24], $0x4000  }
0xb0: {  	[sflag:s24] =	ssyncset.done $0x0  }
0xb1: {  	s3 =	sadd.s32 $0x1, s3;
	[sflag:s24] =	ssyncadd.s32 $0xFFFFC000  }
0xb2: {  	[spmem:s1] =	stream.indirect.scatter.add.f32 [tilespmem:s22], [sflag:$0x3], $0x80, s31, s25, $0xb8;
	[tilespmem:$0x1FC00] =	vst v63  }
0xb3: {  	p1 =	sge.u32 s3, s5;
	_ =	swait.ge [sflag:s23], $0x4000  }
0xb4: {  	s0 =	sadd.s32 @!p1 $0x80, s0;
	[sflag:s23] =	ssyncset.done $0x0  }
0xb5: {  	s3 =	simm.s32 @!p1 $0x80;
	s6 =	simm.s32 @!p1 $0x4000;
	[sflag:s23] =	ssyncadd.s32 $0xFFFFC000  }
0xb6: {  	[tilespmem:s6], [sflag:$0x1] =	stream.indirect.gather @!p1 [hbm4b:s4+s3], $0x80, s0, s3, $0xb8;
	[tilespmem:$0x1FC00] =	vst v63  }
0xb7: {  	_ =	swait.ge [sflag:s26], $0x4000  }
0xb8: {  	[sflag:s26] =	ssyncset.done $0x0  }
0xb9: {  	s11 =	sadd.s32 $0x80, s31;
	[sflag:s26] =	ssyncadd.s32 $0xFFFFC000  }
0xba: {  	[spmem:s1] =	stream.indirect.scatter.add.f32 [tilespmem:s28], [sflag:$0x3], $0x80, s11, s25, $0xb8;
	[tilespmem:$0x1FC00] =	vst v63  }
0xbb: {  	_ =	swait.ge [sflag:s23], $0x4000  }
0xbc: {  	[sflag:s23] =	ssyncset.done $0x0  }
0xbd: {  	[sflag:s23] =	ssyncadd.s32 $0xFFFFC000  }
0xbe: {  	[bflag:$0x0] =	sbarrier.arrive $0xFFFF  }
0xbf: {  	[tilespmem:s22], [sflag:$0x4] =	stream.linear.gather [spmem:s12], $0x4000, $0x38;
	[tilespmem:$0x1FC00] =	vst v63  }
0xc0: {  	_ =	swait.ge [sflag:s29], $0x4000  }
0xc1: {  	[sflag:s29] =	ssyncset.done $0x0  }
0xc2: {  	s17 =	rddreg [dreg:$0xa];
	[sflag:s29] =	ssyncadd.s32 $0xFFFFC000  }
0xc3: {  	[hbm4b:s17+s2] =	stream.linear.scatter [tilespmem:s22], [sflag:$0x3], $0x4000, $0x38;
	[tilespmem:$0x1FC00] =	vst v63  }
0xc4: {  	_ =	swait.ge [sflag:s23], $0x4000  }
0xc5: {  	[sflag:s23] =	ssyncset.done $0x0  }
0xc6: {  	[sflag:s23] =	ssyncadd.s32 $0xFFFFC000  }
0xc7: {  	[tilespmem:s22], [sflag:$0x4] =	stream.linear.gather [spmem:s13], $0x4000, $0x38;
	[tilespmem:$0x1FC00] =	vst v63  }
0xc8: {  	_ =	swait.ge [sflag:s29], $0x4000  }
0xc9: {  	[sflag:s29] =	ssyncset.done $0x0  }
0xca: {  	s18 =	rddreg [dreg:$0xb];
	[sflag:s29] =	ssyncadd.s32 $0xFFFFC000  }
0xcb: {  	[hbm4b:s18+s2] =	stream.linear.scatter [tilespmem:s22], [sflag:$0x3], $0x4000, $0x38;
	[tilespmem:$0x1FC00] =	vst v63  }
0xcc: {  	_ =	swait.ge [sflag:s23], $0x4000  }
0xcd: {  	[sflag:s23] =	ssyncset.done $0x0  }
0xce: {  	[sflag:s23] =	ssyncadd.s32 $0xFFFFC000  }
0xcf: {  	[tilespmem:s22], [sflag:$0x4] =	stream.linear.gather [spmem:s14], $0x4000, $0x38;
	[tilespmem:$0x1FC00] =	vst v63  }
0xd0: {  	_ =	swait.ge [sflag:s29], $0x4000  }
0xd1: {  	[sflag:s29] =	ssyncset.done $0x0  }
0xd2: {  	[sflag:s29] =	ssyncadd.s32 $0xFFFFC000  }
0xd3: {  	[hbm4b:s19+s2] =	stream.linear.scatter [tilespmem:s22], [sflag:$0x3], $0x4000, $0x38;
	[tilespmem:$0x1FC00] =	vst v63  }
0xd4: {  	_ =	swait.ge [sflag:s23], $0x4000  }
0xd5: {  	[sflag:s23] =	ssyncset.done $0x0  }
0xd6: {  	[sflag:s23] =	ssyncadd.s32 $0xFFFFC000  }
0xd7: {  	[tilespmem:s22], [sflag:$0x4] =	stream.linear.gather [spmem:s15], $0x4000, $0x38;
	[tilespmem:$0x1FC00] =	vst v63  }
0xd8: {  	_ =	swait.ge [sflag:s29], $0x4000  }
0xd9: {  	[sflag:s29] =	ssyncset.done $0x0  }
0xda: {  	[sflag:s29] =	ssyncadd.s32 $0xFFFFC000  }
0xdb: {  	[hbm4b:s20+s2] =	stream.linear.scatter [tilespmem:s22], [sflag:$0x3], $0x4000, $0x38;
	[tilespmem:$0x1FC00] =	vst v63  }
0xdc: {  	_ =	swait.ge [sflag:s23], $0x4000  }
0xdd: {  	[sflag:s23] =	ssyncset.done $0x0  }
0xde: {  	s0 =	simm.s32 @!p0 $0x4000;
	s3 =	simm.s32 @!p0 $0x4;
	[sflag:s23] =	ssyncadd.s32 $0xFFFFC000  }
0xdf: {  	[tilespmem:s0], [sflag:$0x4] =	stream.linear.gather @!p0 [spmem:s16], $0x4000, $0x38;
	[tilespmem:$0x1FC00] =	vst v63  }
0xe0: {  	_ =	swait.ge @!p0 [sflag:s3], $0x4000  }
0xe1: {  	[sflag:s3] =	ssyncset.done @!p0 $0x0  }
0xe2: {  	[sflag:s3] =	ssyncadd.s32 @!p0 $0xFFFFC000;
	s3 =	simm.s32 @!p0 $0x0  }
0xe3: {  	[hbm4b:s21+s3] =	stream.linear.scatter @!p0 [tilespmem:s0], [sflag:$0x3], $0x4000, $0x38;
	[tilespmem:$0x1FC00] =	vst v63  }
0xe4: {  	s0 =	simm.s32 @!p0 $0x3  }
0xe5: {  	_ =	swait.ge @!p0 [sflag:s0], $0x4000  }
0xe6: {  	s30 =	sadd.s32 $0x1, s30;
	s31 =	rddreg [dreg:$0x9]  }
0xe7: {  	p1 =	sne.s32 s30, s31  }
.Ltmp7:
0xe8: {  	_ = 	snop;
	(pc) =	sbr.rel @p1 .LBB2_1-.Ltmp7, $3  }
0xe9: {  	_ =	sdelay $0x1  }
0xea: {  	[sflag:s0] =	ssyncset.done @!p0 $0x0  }
0xeb: {  	[sflag:s0] =	ssyncadd.s32 @!p0 $0xFFFFC000  }
0xec: {  	_ =	sfence.sel $0x180000  }
0xed: {  	[bflag:$0x0] =	sbarrier.arrive $0xFFFF  }
0xee: {  	_ =	strace $0x9000004A  }
0xef: {  	s0 =	stileid.u32;
	[bflag:$0x2] =	sbarrier.arrive $0xFFFF  }
0xf0: {  	p0 =	sne.s32 s0, $0x0;
	s0 =	rddreg [dreg:$0x3]  }
0xf1: {  	s0 =	sadd.s32 @!p0 $0x100000, s0  }
0xf2: {  	[sflag:s0] =	ssyncadd.tile.s32 @!p0 $0x1;
	_ =	shalt  }
.Lfunc_end2:
_tile_overlayer_lowered:
.L_overlay_start_2:
0xf3: {  	(tag) =	ssettag $0x2  }
0xf4: {  	s0 =	rddreg [dreg:$0x0];
	s2 =	stileid.u32  }
0xf5: {  	s1 =	rddreg [dreg:$0x1];
	p0 =	sne.s32 s2, $0x0  }
0xf6: {  	s3 =	rddreg [dreg:$0x2];
	[bflag:$0x3] =	sbarrier.arrive $0xFFFF;
	s2 =	simm.s32 @!p0 $0x1C03  }
0xf7: {  	[timem:s3], [sflag:s2] =	dma.local @!p0 [hbm:s0], s1  }
0xf8: {  	s0 =	simm.s32 @!p0 $0x3  }
0xf9: {  	_ =	swait.ge @!p0 [sflag:s0], s1  }
0xfa: {  	s1 =	ssub.s32 @!p0 $0x0, s1;
	[sflag:s0] =	ssyncset.done @!p0 $0x0  }
0xfb: {  	[sflag:s0] =	ssyncadd.s32 @!p0 s1  }
0xfc: {  	[bflag:$0x3] =	sbarrier.arrive $0xFFFF  }
0xfd: {  	_ =	shalt  }

// kernel: kernel.14.cloned.1.call-start
scs
__scs_entry_jumppad:
0x0: {  	(pc) =	sbr.rel $0x88, $3  }
0x1: {  	(tag) =	ssettag $0x0;
	lr =	simm.s32 $0x1  }
0x2: {  	[smem:$0x3F9B] =	sst lr;
	_ =	strace $0xD0000000  }
0x3: {  	_ = 	snop  }
0x4: {  	_ = 	snop  }
0x5: {  	_ = 	snop  }
0x6: {  	_ = 	snop  }
0x7: {  	_ = 	snop  }
__scs_overlays_trampoline_lowered:
0x8: {  	[smem:$0x3FAA] =	sst s0  }
0x9: {  	[smem:$0x3FAB] =	sst s1  }
0xa: {  	[smem:$0x3FAC] =	sst s2  }
0xb: {  	[smem:$0x3FAD] =	sst s3  }
0xc: {  	[smem:$0x3FAE] =	sst s4  }
0xd: {  	[smem:$0x3FAF] =	sst s5  }
0xe: {  	[smem:$0x3FB0] =	sst s6  }
0xf: {  	[smem:$0x3FB1] =	sst s7  }
0x10: {  	[smem:$0x3FB2] =	sst s8  }
0x11: {  	[smem:$0x3FB3] =	sst s9;
	s0 =	simm.s32 @!p0 $0x0  }
0x12: {  	s1 =	sld [smem:$0x3F99];
	s0 =	simm.s32 @p0 $0x1  }
0x13: {  	[smem:$0x3FB4] =	sst s0;
	s0 =	simm.s32 @!p1 $0x0  }
0x14: {  	s2 =	sld [smem:$0x3F98];
	s0 =	simm.s32 @p1 $0x1  }
0x15: {  	[smem:$0x3FB5] =	sst s0;
	s0 =	simm.s32 @!p2 $0x0  }
0x16: {  	s3 =	sld [smem:$0x3FDB];
	s0 =	simm.s32 @p2 $0x1  }
0x17: {  	s4 =	simm.s32 $0x1BF5;
	[smem:$0x3FB7] =	sst s0  }
0x18: {  	s0 =	sld [smem:$0x3F9A];
	_ =	swait.ge [sflag:s4], $0x0  }
0x19: {  	s7 =	sld [smem:$0x3F9B]  }
0x1a: {  	s8 =	sadd.s32 $0xFFFFE003, lr  }
0x1b: {  	s9 =	sadd.s32 $0xFFFFFEF7, lr;
	s5 =	simm.s32 $0xFFFFFFFF;
	p2 =	slt.u32 s8, $0xFFFFF086  }
0x1c: {  	p1 =	slt.u32 s9, $0xF7A;
	s5 =	simm.s32 @!p2 $0x0  }
0x1d: {  	s5 =	simm.s32 @p1 $0x1;
	p0 =	seq.s32 s7, s2  }
0x1e: {  	s7 =	smul.u32 @!p0 $0xF7A, s2;
	p2 =	seq.s32 @!p0 s5, $0x0  }
0x1f: {  	s9 =	smul.u32 $0xF7A, s1;
	s8 =	simm.s32 @!p0 $0x1BF5;
	p2 =	por !p2, p0  }
0x20: {  	[sflag:s8] =	ssyncset.s32 @!p0 $0xFFFFF086;
	s6 =	sadd.s32 @!p0 s3, s7;
	s7 =	simm.s32 @!p0 $0x108  }
0x21: {  	s3 =	sadd.s32 s3, s9;
	s6 =	sadd.s32 @!p0 $0x88, s6;
	s7 =	simm.s32 @p2 $0x1082  }
0x22: {  	[simem:s7], [sflag:s8] =	dma.local @!p0 [hbm:s6], $0xF7A  }
0x23: {  	s9 =	sor.u32 $0xD0000000, s2;
	s6 =	simm.s32 $0x108;
	_ =	swait.ge @!p0 [sflag:s8], $0x0  }
0x24: {  	s3 =	sadd.s32 $0x88, s3;
	s6 =	simm.s32 @!p1 $0x1082;
	[sflag:s4] =	ssyncset.s32 $0xFFFFF086  }
0x25: {  	[simem:s6], [sflag:s4] =	dma.local [hbm:s3], $0xF7A  }
0x26: {  	[smem:$0x3F9B] =	sst s1;
	(tag) =	ssettag s2;
	_ =	strace s9  }
0x27: {  	s1 =	sld [smem:$0x3FAB]  }
0x28: {  	s2 =	sld [smem:$0x3FAC]  }
0x29: {  	s4 =	sld [smem:$0x3FAE]  }
0x2a: {  	p0 =	seq.s32 s5, $0x0;
	s5 =	sld [smem:$0x3FAF]  }
0x2b: {  	s6 =	sld [smem:$0x3FB0]  }
0x2c: {  	s7 =	sld [smem:$0x3FB1]  }
0x2d: {  	s3 =	simm.s32 $0x108;
	s8 =	sld [smem:$0x3FB2]  }
0x2e: {  	s3 =	simm.s32 @!p0 $0x1082;
	s9 =	sld [smem:$0x3FB3]  }
0x2f: {  	lr =	sadd.s32 s0, s3;
	s0 =	sld [smem:$0x3FAA]  }
0x30: {  	s3 =	sld [smem:$0x3FAD]  }
0x31: {  	[smem:$0x3FB6] =	sst s10  }
0x32: {  	s10 =	sld [smem:$0x3FB4];
	_ =	sdelay $0x3  }
0x33: {  	p0 =	seq.s32 s10, $0x1;
	s10 =	sld [smem:$0x3FB6];
	_ =	sdelay $0x3  }
0x34: {  	[smem:$0x3FB6] =	sst s10  }
0x35: {  	s10 =	sld [smem:$0x3FB5];
	_ =	sdelay $0x3  }
0x36: {  	p1 =	seq.s32 s10, $0x1;
	s10 =	sld [smem:$0x3FB6];
	_ =	sdelay $0x3  }
0x37: {  	[smem:$0x3FB6] =	sst s10  }
0x38: {  	s10 =	sld [smem:$0x3FB7]  }
0x39: {  	_ = 	snop;
	(pc) =	sbr.ind lr, $3  }
0x3a: {  	_ = 	snop  }
0x3b: {  	_ = 	snop  }
0x3c: {  	p2 =	seq.s32 s10, $0x1;
	s10 =	sld [smem:$0x3FB6]  }
0x3d: {  	_ =	shalt  }
0x3e: {  	_ =	shalt  }
0x3f: {  	_ =	shalt  }
0x40: {  	_ =	shalt  }
0x41: {  	_ =	shalt  }
0x42: {  	_ =	shalt  }
0x43: {  	_ =	shalt  }
0x44: {  	_ =	shalt  }
0x45: {  	_ =	shalt  }
0x46: {  	_ =	shalt  }
0x47: {  	_ =	shalt  }
0x48: {  	_ =	shalt  }
0x49: {  	_ =	shalt  }
0x4a: {  	_ =	shalt  }
0x4b: {  	_ =	shalt  }
0x4c: {  	_ =	shalt  }
0x4d: {  	_ =	shalt  }
0x4e: {  	_ =	shalt  }
0x4f: {  	_ =	shalt  }
0x50: {  	_ =	shalt  }
0x51: {  	_ =	shalt  }
0x52: {  	_ =	shalt  }
0x53: {  	_ =	shalt  }
0x54: {  	_ =	shalt  }
0x55: {  	_ =	shalt  }
0x56: {  	_ =	shalt  }
0x57: {  	_ =	shalt  }
0x58: {  	_ =	shalt  }
0x59: {  	_ =	shalt  }
0x5a: {  	_ =	shalt  }
0x5b: {  	_ =	shalt  }
0x5c: {  	_ =	shalt  }
0x5d: {  	_ =	shalt  }
0x5e: {  	_ =	shalt  }
0x5f: {  	_ =	shalt  }
0x60: {  	_ =	shalt  }
0x61: {  	_ =	shalt  }
0x62: {  	_ =	shalt  }
0x63: {  	_ =	shalt  }
0x64: {  	_ =	shalt  }
0x65: {  	_ =	shalt  }
0x66: {  	_ =	shalt  }
0x67: {  	_ =	shalt  }
0x68: {  	_ =	shalt  }
0x69: {  	_ =	shalt  }
0x6a: {  	_ =	shalt  }
0x6b: {  	_ =	shalt  }
0x6c: {  	_ =	shalt  }
0x6d: {  	_ =	shalt  }
0x6e: {  	_ =	shalt  }
0x6f: {  	_ =	shalt  }
0x70: {  	_ =	shalt  }
0x71: {  	_ =	shalt  }
0x72: {  	_ =	shalt  }
0x73: {  	_ =	shalt  }
0x74: {  	_ =	shalt  }
0x75: {  	_ =	shalt  }
0x76: {  	_ =	shalt  }
0x77: {  	_ =	shalt  }
0x78: {  	_ =	shalt  }
0x79: {  	_ =	shalt  }
0x7a: {  	_ =	shalt  }
0x7b: {  	_ =	shalt  }
0x7c: {  	_ =	shalt  }
0x7d: {  	_ =	shalt  }
0x7e: {  	_ =	shalt  }
0x7f: {  	_ =	shalt  }
0x80: {  	_ =	shalt  }
0x81: {  	_ =	shalt  }
0x82: {  	_ =	shalt  }
0x83: {  	_ =	shalt  }
0x84: {  	_ =	shalt  }
0x85: {  	_ =	shalt  }
0x86: {  	_ =	shalt  }
0x87: {  	_ =	shalt  }
.Lfunc_end0:
.L_simem_size_0:
called_computation.2_lowered:
.L_overlay_start_0:
0x88: {  	s2 =	sld [smem:$0x3FD9]  }
0x89: {  	s3 =	sld [smem:$0x3FFE];
	_ =	sdelay $0x1  }
0x8a: {  	s1 =	srdreg.scid  }
0x8b: {  	s0 =	sand.u32 $0x1, s1  }
0x8c: {  	s17 =	sshll.u32 s0, $0xA;
	s2 =	sadd.s32 s3, s2  }
0x8d: {  	s2 =	sadd.s32 s2, s17  }
0x8e: {  	[smem:$0x3FC2] =	sst s2  }
0x8f: {  	_ = 	snop  }
0x90: {  	s2 =	sld [smem:$0x3FD0];
	(tm) =	ssettm $0x1  }
0x91: {  	s18 =	sld [smem:$0x3FFB];
	_ =	sdelay $0x3  }
0x92: {  	_ =	strace s18  }
0x93: {  	s3 =	sld [smem:$0x3FFC];
	_ =	sdelay $0x3  }
0x94: {  	_ =	strace s3  }
0x95: {  	s3 =	sld [smem:$0x3FFD];
	_ =	sdelay $0x3  }
0x96: {  	_ =	strace s3  }
0x97: {  	_ =	strace $0x8FFFFFFF  }
0x98: {  	s19 =	sld [smem:$0x3FDB];
	_ =	sdelay $0x1  }
0x99: {  	s4 =	simm.s32 $_scs_section_size  }
0x9a: {  	s5 =	simm.s32 $_size__tile_overlayer_lowered;
	s6 =	simm.s32 $_tile_overlayer_lowered  }
0x9b: {  	s22 =	simm.s32 $0x1BFF;
	s21 =	sshll.u32 s6, $0x1;
	s3 =	sadd.s32 s4, s19  }
0x9c: {  	s7 =	simm.s32 $0x0;
	s20 =	sshll.u32 s5, $0x1;
	s5 =	sadd.s32 s21, s3  }
0x9d: {  	[timem:s7], [sflag:s22] =	dma.local [hbm:s5], s20  }
0x9e: {  	_ =	swait.ge [sflag:s22], s20  }
0x9f: {  	s4 =	ssub.s32 $0x0, s20;
	[sflag:s22] =	ssyncset.done $0x0  }
0xa0: {  	[sflag:s22] =	ssyncadd.s32 s4;
	_ =	sdelay $0x1  }
0xa1: {  	s23 =	simm.s32 $0x1B8B  }
0xa2: {  	_ =	swait.ge [sflag:s23], $0x1  }
0xa3: {  	[sflag:s23] =	ssyncset.done $0x0  }
0xa4: {  	s25 =	simm.s32 $0x1B8E;
	s24 =	sld [smem:$0x3FFE];
	[sflag:s23] =	ssyncadd.s32 $0xFFFFFFFF  }
0xa5: {  	s26 =	simm.s32 $execute0_lowered;
	[smem:$0x3FD2] =	sst s25  }
0xa6: {  	s5 =	sshll.u32 s26, $0x1;
	_ =	strace $0x8000004C;
	[dreg:$0x1] =	wrdreg $0xFFFFFFFF  }
0xa7: {  	s28 =	simm.s32 $_size_execute0_lowered;
	s3 =	sadd.s32 s3, s5;
	[dreg:$0x0] =	wrdreg $0x0  }
0xa8: {  	s5 =	sshll.u32 s28, $0x1;
	[dreg:$0x2] =	wrdreg s3  }
0xa9: {  	[dreg:$0x3] =	wrdreg s5  }
0xaa: {  	[dreg:$0x4] =	wrdreg $0xC0  }
0xab: {  	_ =	task [dreg:s7], $0x5FFFF  }
0xac: {  	[dreg:$0x1] =	wrdreg $0xFFFFFFFF  }
0xad: {  	[dreg:$0x0] =	wrdreg $0x60  }
0xae: {  	[dreg:$0x2] =	wrdreg s24  }
0xaf: {  	[dreg:$0x3] =	wrdreg s2  }
0xb0: {  	[dreg:$0x4] =	wrdreg $0xC0000  }
0xb1: {  	[dreg:$0x5] =	wrdreg $0x9  }
0xb2: {  	_ =	task.clear_ibuf [dreg:s7], $0x6FFFF;
	_ =	strace $0x9000004C  }
0xb3: {  	s29 =	simm.s32 $0x9;
	_ =	strace $0x8000004E  }
0xb4: {  	_ =	swait.ge [sflag:s29], $0x1  }
0xb5: {  	[sflag:s29] =	ssyncadd.s32 $0xFFFFFFFF  }
0xb6: {  	_ =	strace $0x9000004E  }
0xb7: {  	_ =	sfence  }
0xb8: {  	s30 =	sld [smem:$0x0];
	_ =	sdelay $0x2  }
0xb9: {  	s31 =	sshll.u32 s1, $0xD;
	s1 =	sshrl.u32 s1, $0x2  }
0xba: {  	s3 =	sand.u32 $0x4000, s31;
	s1 =	sadd.s32 s1, s30  }
0xbb: {  	s0 =	sor.u32 s3, s0;
	s1 =	sshll.u32 s1, $0x11  }
0xbc: {  	s0 =	sor.u32 s1, s0  }
0xbd: {  	s0 =	sadd.s32 $0x8F2B, s0  }
0xbe: {  	[sflag:s0] =	ssyncadd.remote.s32 $0x1  }
0xbf: {  	_ =	sfence.sel $0xFFFF  }
0xc0: {  	[dreg:$0x0] =	wrdreg $0xFFFFFFFF;
	(pc) =	sbr.abs _section_cstart, $3  }
0xc1: {  	[dreg:$0x1] =	wrdreg $0xFFFFFFFF  }
0xc2: {  	_ =	task.clear_ibuf [dreg:s7], $0x2FFFF;
	_ =	strace $0x9FFFFFFF  }
0xc3: {  	(tm) =	ssettm $0x7FFFFFFF  }
tec
execute0_lowered:
.L_overlay_start_1:
0x0: {  	(tag) =	ssettag $0x1  }
0x1: {  	s0 =	rddreg [dreg:$0x0]  }
0x2: {  	s3 =	rddreg [dreg:$0x1]  }
0x3: {  	s1 =	rddreg [dreg:$0x2];
	s2 =	simm.s32 $0x0  }
0x4: {  	s4 =	srdreg.scid;
	s17 =	stileid.u32;
	s28 =	simm.s32 $0x8000  }
0x5: {  	s29 =	simm.s32 $0x4;
	s30 =	simm.s32 $0x0;
	[smem:$0x7FF] =	sst s2  }
0x6: {  	s6 =	sand.u32 $0x1, s4;
	s4 =	sadd.s32 $0xCA00, s0;
	s7 =	sadd.s32 $0x2600, s0  }
0x7: {  	s9 =	sshll.u32 s17, $0x5;
	s10 =	sshll.u32 s17, $0x7;
	s0 =	sadd.s32 $0x34200, s0  }
0x8: {  	s19 =	sshll.u32 s17, $0xE;
	_ =	strace $0x8000004D;
	s5 =	ssub.s32 $0x2, s6  }
0x9: {  	p0 =	seq.s32 s6, $0x0;
	s11 =	sor.u32 $0x800, s9;
	s9 =	sor.u32 $0x810, s9  }
0xa: {  	s12 =	sadd.s32 s19, s1;
	s20 =	sor.u32 $0x40000, s19;
	s21 =	sor.u32 $0x80000, s19  }
0xb: {  	s22 =	sor.u32 $0xC0000, s19;
	s8 =	sshrl.u32 s5, $0x1;
	s11 =	smov.u32 @p0 s10  }
0xc: {  	s10 =	sor.u32 $0x40, s10;
	s13 =	sadd.s32 s20, s1;
	s14 =	sadd.s32 s21, s1  }
0xd: {  	s15 =	sadd.s32 s22, s1;
	s8 =	ssub.s32 s5, s8;
	s11 =	sshll.u32 s11, $0x4  }
0xe: {  	s5 =	simm.s32 $0x40;
	s9 =	smov.u32 @p0 s10;
	s25 =	sadd.s32 s3, s11  }
0xf: {  	s5 =	simm.s32 @!p0 $0x10;
	s26 =	sadd.s32 s7, s11;
	[dreg:$0x4] =	wrdreg s25  }
0x10: {  	s9 =	sshll.u32 s9, $0x4;
	s18 =	smax.u32 s8, $0x1;
	[dreg:$0x5] =	wrdreg s26  }
0x11: {  	s11 =	smul.u32 $0x13C000, s6;
	s31 =	sshrl.u32 s5, $0x1;
	[dreg:$0x9] =	wrdreg s18  }
0x12: {  	s6 =	sor.u32 $0x100000, s19;
	s3 =	sadd.s32 s3, s9;
	[dreg:$0x6] =	wrdreg s31  }
0x13: {  	p0 =	seq.s32 s17, $0xF;
	s10 =	sadd.s32 s7, s9;
	[dreg:$0x7] =	wrdreg s3  }
0x14: {  	s16 =	sadd.s32 s6, s1;
	[dreg:$0x8] =	wrdreg s10;
	s23 =	sadd.s32 s11, s19  }
0x15: {  	s7 =	sadd.s32 s11, s20;
	s24 =	sadd.s32 s11, s21;
	s25 =	sadd.s32 s11, s22  }
0x16: {  	s3 =	sadd.s32 s11, s6;
	s22 =	simm.s32 $0x4000;
	s10 =	sshrl.u32 s23, $0x3  }
0x17: {  	s7 =	sshrl.u32 s7, $0x3;
	s26 =	sshrl.u32 s24, $0x3;
	s31 =	sshrl.u32 s25, $0x3  }
0x18: {  	s3 =	sshrl.u32 s3, $0x3;
	s23 =	simm.s32 $0x3;
	s24 =	simm.s32 $0x1  }
0x19: {  	s25 =	simm.s32 $0x80;
	s10 =	sadd.s32 s0, s10;
	s7 =	sadd.s32 s0, s7  }
0x1a: {  	s19 =	sadd.s32 s0, s26;
	s20 =	sadd.s32 s0, s31;
	[dreg:$0xa] =	wrdreg s10  }
0x1b: {  	v0 =	vimm.f32 $0.0e+00;
	s21 =	sadd.s32 s0, s3;
	s26 =	simm.s32 $0x2;
	[dreg:$0xb] =	wrdreg s7  }
.LBB2_1:
0x1c: {  	s0 =	simm.s32 $0x0;
	s3 =	simm.s32 $0x200  }
.LBB2_2:
0x1d: {  	p1 =	sne.s32 s3, $0xFE00;
	[tilespmem:s0+$0x4070] =	vst v0  }
0x1e: {  	[tilespmem:s0+$0x4000] =	vst v0  }
0x1f: {  	[tilespmem:s0+$0x4010] =	vst v0  }
.Ltmp0:
0x20: {  	[tilespmem:s0+$0x4020] =	vst v0;
	(pc) =	sbr.rel @p1 .LBB2_2-.Ltmp0, $4  }
0x21: {  	[tilespmem:s0+$0x4030] =	vst v0  }
0x22: {  	[tilespmem:s0+$0x4040] =	vst v0  }
0x23: {  	[tilespmem:s0+$0x4050] =	vst v0  }
0x24: {  	[tilespmem:s0+$0x4060] =	vst v0;
	s0 =	sshra.s32 s3, $0x2;
	s3 =	sadd.s32 $0x200, s3  }
0x25: {  	[tilespmem:s0+$0x4070] =	vst v0  }
0x26: {  	[tilespmem:s0+$0x4000] =	vst v0  }
0x27: {  	[tilespmem:s0+$0x4010] =	vst v0  }
0x28: {  	[tilespmem:s0+$0x4020] =	vst v0  }
0x29: {  	[tilespmem:s0+$0x4030] =	vst v0  }
0x2a: {  	[tilespmem:s0+$0x4040] =	vst v0  }
0x2b: {  	[tilespmem:s0+$0x4050] =	vst v0  }
0x2c: {  	[tilespmem:s0+$0x4060] =	vst v0  }
0x2d: {  	[spmem:s12] =	stream.linear.scatter [tilespmem:s22], [sflag:$0x3], $0x4000, $0x38;
	[tilespmem:$0x1FC00] =	vst v63  }
0x2e: {  	_ =	swait.ge [sflag:s23], $0x4000  }
0x2f: {  	[sflag:s23] =	ssyncset.done $0x0  }
0x30: {  	[sflag:s23] =	ssyncadd.s32 $0xFFFFC000  }
0x31: {  	[spmem:s13] =	stream.linear.scatter [tilespmem:s22], [sflag:$0x3], $0x4000, $0x38;
	[tilespmem:$0x1FC00] =	vst v63  }
0x32: {  	_ =	swait.ge [sflag:s23], $0x4000  }
0x33: {  	[sflag:s23] =	ssyncset.done $0x0  }
0x34: {  	[sflag:s23] =	ssyncadd.s32 $0xFFFFC000  }
0x35: {  	[spmem:s14] =	stream.linear.scatter [tilespmem:s22], [sflag:$0x3], $0x4000, $0x38;
	[tilespmem:$0x1FC00] =	vst v63  }
0x36: {  	_ =	swait.ge [sflag:s23], $0x4000  }
0x37: {  	[sflag:s23] =	ssyncset.done $0x0  }
0x38: {  	[sflag:s23] =	ssyncadd.s32 $0xFFFFC000  }
0x39: {  	[spmem:s15] =	stream.linear.scatter [tilespmem:s22], [sflag:$0x3], $0x4000, $0x38;
	[tilespmem:$0x1FC00] =	vst v63  }
0x3a: {  	_ =	swait.ge [sflag:s23], $0x4000  }
0x3b: {  	[sflag:s23] =	ssyncset.done $0x0  }
0x3c: {  	s0 =	simm.s32 @!p0 $0x4000;
	[sflag:s23] =	ssyncadd.s32 $0xFFFFC000  }
0x3d: {  	[spmem:s16] =	stream.linear.scatter @!p0 [tilespmem:s0], [sflag:$0x3], $0x4000, $0x38;
	[tilespmem:$0x1FC00] =	vst v63  }
0x3e: {  	s0 =	simm.s32 @!p0 $0x3  }
0x3f: {  	_ =	swait.ge @!p0 [sflag:s0], $0x4000  }
0x40: {  	[sflag:s0] =	ssyncset.done @!p0 $0x0  }
0x41: {  	[sflag:s0] =	ssyncadd.s32 @!p0 $0xFFFFC000  }
0x42: {  	[bflag:$0x0] =	sbarrier.arrive $0xFFFF  }
0x43: {  	s17 =	rddreg [dreg:$0x4]  }
0x44: {  	[tilespmem:s2], [sflag:$0x3] =	stream.linear.gather [hbm4b:s17+s2], $0x2000, $0x38;
	[tilespmem:$0x1FC00] =	vst v63  }
0x45: {  	_ =	swait.ge [sflag:s23], $0x2000  }
0x46: {  	[sflag:s23] =	ssyncset.done $0x0  }
0x47: {  	s31 =	simm.s32 $0x2000;
	s18 =	rddreg [dreg:$0x5];
	[sflag:s23] =	ssyncadd.s32 $0xFFFFE000  }
0x48: {  	[tilespmem:s31], [sflag:$0x3] =	stream.linear.gather [hbm4b:s18+s2], $0x2000, $0x38;
	[tilespmem:$0x1FC00] =	vst v63  }
0x49: {  	_ =	swait.ge [sflag:s23], $0x2000  }
0x4a: {  	s3 =	rddreg [dreg:$0x6]  }
0x4b: {  	s6 =	sadd.s32 $0xFFFFFFFF, s3  }
0x4c: {  	p3 =	sne.s32 s6, $0x0  }
.Ltmp1:
0x4d: {  	p2 =	sle.u32 s5, $0x1;
	p1 =	por $0x0, $0x0;
	(pc) =	sbr.rel @!p3 .LBB2_6-.Ltmp1, $4  }
0x4e: {  	s7 =	simm.s32 $0x80;
	s9 =	simm.s32 $0x1;
	s8 =	simm.s32 $0x2000  }
0x4f: {  	p4 =	por $0x0, $0x0;
	p6 =	por p2, p2;
	[sflag:s23] =	ssyncset.done $0x0  }
0x50: {  	s0 =	simm.s32 $0x80;
	[sflag:s23] =	ssyncadd.s32 $0xFFFFE000;
	s3 =	simm.s32 $0x1  }
0x51: {  	[tilespmem:s22], [sflag:$0x1] =	stream.indirect.gather [hbm4b:s4+s0], $0x80, s2, s0, $0xb8;
	[tilespmem:$0x1FC00] =	vst v63  }
0x52: {  	s7 =	simm.s32 @!p2 $0x80;
	s8 =	simm.s32 @!p2 $0x8000  }
0x53: {  	[tilespmem:s8], [sflag:$0x2] =	stream.indirect.gather @!p2 [hbm4b:s4+s7], $0x80, s0, s7, $0xb8;
	[tilespmem:$0x1FC00] =	vst v63  }
0x54: {  	_ =	swait.ge [sflag:s24], $0x4000  }
0x55: {  	[sflag:s24] =	ssyncset.done $0x0  }
0x56: {  	[sflag:s24] =	ssyncadd.s32 $0xFFFFC000  }
0x57: {  	[spmem:s1] =	stream.indirect.scatter.add.f32 [tilespmem:s22], [sflag:$0x3], $0x80, s31, s25, $0xb8;
	[tilespmem:$0x1FC00] =	vst v63  }
0x58: {  	p4 =	sle.u32 s5, $0x2;
	s10 =	sadd.s32 $0xFFFFFFFF, s6;
	_ =	swait.ge [sflag:s23], $0x4000  }
0x59: {  	s7 =	simm.s32 @!p4 $0x100;
	s8 =	simm.s32 @!p4 $0x80;
	[sflag:s23] =	ssyncset.done $0x0  }
0x5a: {  	s9 =	simm.s32 @!p4 $0x4000;
	p5 =	sne.s32 s10, $0x0;
	[sflag:s23] =	ssyncadd.s32 $0xFFFFC000  }
0x5b: {  	[tilespmem:s9], [sflag:$0x1] =	stream.indirect.gather @!p4 [hbm4b:s4+s8], $0x80, s7, s8, $0xb8;
	[tilespmem:$0x1FC00] =	vst v63  }
.Ltmp2:
0x5c: {  	_ =	swait.ge [sflag:s26], $0x4000;
	(pc) =	sbr.rel @!p5 .LBB2_6-.Ltmp2, $4  }
0x5d: {  	s18 =	simm.s32 $0x2080;
	p6 =	sle.u32 s5, $0x3;
	[sflag:s26] =	ssyncset.done $0x0  }
0x5e: {  	s7 =	simm.s32 $0x180;
	s9 =	simm.s32 $0x3;
	[sflag:s26] =	ssyncadd.s32 $0xFFFFC000  }
0x5f: {  	[spmem:s1] =	stream.indirect.scatter.add.f32 [tilespmem:s28], [sflag:$0x3], $0x80, s18, s25, $0xb8;
	[tilespmem:$0x1FC00] =	vst v63  }
0x60: {  	s8 =	simm.s32 $0x2100;
	p4 =	por $0x1, $0x1;
	_ =	swait.ge [sflag:s23], $0x4000  }
.LBB2_5:
0x61: {  	s11 =	simm.s32 @!p6 $0x80;
	s17 =	simm.s32 @!p6 $0x8000;
	[sflag:s23] =	ssyncset.done $0x0  }
0x62: {  	s10 =	sadd.s32 $0xFFFFFFFF, s10;
	[sflag:s23] =	ssyncadd.s32 $0xFFFFC000  }
0x63: {  	[tilespmem:s17], [sflag:$0x2] =	stream.indirect.gather @!p6 [hbm4b:s4+s11], $0x80, s7, s11, $0xb8;
	[tilespmem:$0x1FC00] =	vst v63  }
0x64: {  	p5 =	sne.s32 s10, $0x0;
	_ =	swait.ge [sflag:s24], $0x4000  }
0x65: {  	[sflag:s24] =	ssyncset.done $0x0  }
0x66: {  	s11 =	sadd.s32 $0x1, s9;
	[sflag:s24] =	ssyncadd.s32 $0xFFFFC000  }
0x67: {  	[spmem:s1] =	stream.indirect.scatter.add.f32 [tilespmem:s22], [sflag:$0x3], $0x80, s8, s25, $0xb8;
	[tilespmem:$0x1FC00] =	vst v63  }
0x68: {  	p6 =	sge.u32 s11, s5;
	_ =	swait.ge [sflag:s23], $0x4000  }
0x69: {  	s11 =	sadd.s32 @!p6 $0x80, s7;
	s17 =	simm.s32 @!p6 $0x80;
	[sflag:s23] =	ssyncset.done $0x0  }
0x6a: {  	s18 =	simm.s32 @!p6 $0x4000;
	[sflag:s23] =	ssyncadd.s32 $0xFFFFC000  }
0x6b: {  	[tilespmem:s18], [sflag:$0x1] =	stream.indirect.gather @!p6 [hbm4b:s4+s17], $0x80, s11, s17, $0xb8;
	[tilespmem:$0x1FC00] =	vst v63  }
.Ltmp3:
0x6c: {  	_ =	swait.ge [sflag:s26], $0x4000;
	(pc) =	sbr.rel @p5 .LBB2_5-.Ltmp3, $4  }
0x6d: {  	s11 =	sadd.s32 $0x80, s8;
	[sflag:s26] =	ssyncset.done $0x0  }
0x6e: {  	s9 =	sadd.s32 $0x2, s9;
	s7 =	sadd.s32 $0x100, s7;
	[sflag:s26] =	ssyncadd.s32 $0xFFFFC000  }
0x6f: {  	[spmem:s1] =	stream.indirect.scatter.add.f32 [tilespmem:s28], [sflag:$0x3], $0x80, s11, s25, $0xb8;
	[tilespmem:$0x1FC00] =	vst v63  }
0x70: {  	p6 =	sge.u32 s9, s5;
	s8 =	sadd.s32 $0x100, s8;
	_ =	swait.ge [sflag:s23], $0x4000  }
.LBB2_6:
0x71: {  	[sflag:s23] =	ssyncset.done @p4 $0x0  }
0x72: {  	s10 =	simm.s32 @!p6 $0x80;
	s11 =	simm.s32 @!p6 $0x8000;
	[sflag:s23] =	ssyncadd.s32 @p4 $0xFFFFC000  }
0x73: {  	[tilespmem:s11], [sflag:$0x2] =	stream.indirect.gather @!p6 [hbm4b:s4+s10], $0x80, s7, s10, $0xb8;
	[tilespmem:$0x1FC00] =	vst v63  }
0x74: {  	_ =	swait.ge [sflag:s24], $0x4000  }
0x75: {  	[sflag:s24] =	ssyncset.done $0x0  }
0x76: {  	s9 =	sadd.s32 $0x1, s9;
	[sflag:s24] =	ssyncadd.s32 $0xFFFFC000  }
0x77: {  	[spmem:s1] =	stream.indirect.scatter.add.f32 [tilespmem:s22], [sflag:$0x3], $0x80, s8, s25, $0xb8;
	[tilespmem:$0x1FC00] =	vst v63  }
0x78: {  	p4 =	sge.u32 s9, s5;
	_ =	swait.ge [sflag:s23], $0x4000  }
0x79: {  	s7 =	sadd.s32 @!p4 $0x80, s7;
	[sflag:s23] =	ssyncset.done $0x0  }
0x7a: {  	s9 =	simm.s32 @!p4 $0x80;
	s10 =	simm.s32 @!p4 $0x4000;
	[sflag:s23] =	ssyncadd.s32 $0xFFFFC000  }
0x7b: {  	[tilespmem:s10], [sflag:$0x1] =	stream.indirect.gather @!p4 [hbm4b:s4+s9], $0x80, s7, s9, $0xb8;
	[tilespmem:$0x1FC00] =	vst v63  }
0x7c: {  	_ =	swait.ge [sflag:s26], $0x4000  }
0x7d: {  	[sflag:s26] =	ssyncset.done $0x0  }
0x7e: {  	s11 =	sadd.s32 $0x80, s8;
	[sflag:s26] =	ssyncadd.s32 $0xFFFFC000  }
0x7f: {  	[spmem:s1] =	stream.indirect.scatter.add.f32 [tilespmem:s28], [sflag:$0x3], $0x80, s11, s25, $0xb8;
	[tilespmem:$0x1FC00] =	vst v63  }
0x80: {  	_ =	swait.ge [sflag:s23], $0x4000  }
0x81: {  	[sflag:s23] =	ssyncset.done $0x0  }
0x82: {  	s17 =	rddreg [dreg:$0x7];
	[sflag:s23] =	ssyncadd.s32 $0xFFFFC000  }
0x83: {  	[tilespmem:s2], [sflag:$0x3] =	stream.linear.gather [hbm4b:s17+s2], $0x2000, $0x38;
	[tilespmem:$0x1FC00] =	vst v63  }
0x84: {  	_ =	swait.ge [sflag:s23], $0x2000  }
0x85: {  	[sflag:s23] =	ssyncset.done $0x0  }
0x86: {  	s18 =	rddreg [dreg:$0x8];
	[sflag:s23] =	ssyncadd.s32 $0xFFFFE000  }
0x87: {  	[tilespmem:s31], [sflag:$0x3] =	stream.linear.gather [hbm4b:s18+s2], $0x2000, $0x38;
	[tilespmem:$0x1FC00] =	vst v63  }
.Ltmp4:
0x88: {  	_ = 	snop;
	(pc) =	sbr.rel @!p3 .LBB2_9-.Ltmp4, $4  }
0x89: {  	_ =	swait.ge [sflag:s23], $0x2000  }
0x8a: {  	[sflag:s23] =	ssyncset.done $0x0  }
0x8b: {  	[sflag:s23] =	ssyncadd.s32 $0xFFFFE000  }
0x8c: {  	[tilespmem:s22], [sflag:$0x1] =	stream.indirect.gather [hbm4b:s4+s0], $0x80, s2, s0, $0xb8;
	[tilespmem:$0x1FC00] =	vst v63  }
0x8d: {  	s3 =	simm.s32 @!p2 $0x80;
	s7 =	simm.s32 @!p2 $0x8000  }
0x8e: {  	[tilespmem:s7], [sflag:$0x2] =	stream.indirect.gather @!p2 [hbm4b:s4+s3], $0x80, s0, s3, $0xb8;
	[tilespmem:$0x1FC00] =	vst v63  }
0x8f: {  	_ =	swait.ge [sflag:s24], $0x4000  }
0x90: {  	[sflag:s24] =	ssyncset.done $0x0  }
0x91: {  	[sflag:s24] =	ssyncadd.s32 $0xFFFFC000  }
0x92: {  	[spmem:s1] =	stream.indirect.scatter.add.f32 [tilespmem:s22], [sflag:$0x3], $0x80, s31, s25, $0xb8;
	[tilespmem:$0x1FC00] =	vst v63  }
0x93: {  	p1 =	sle.u32 s5, $0x2;
	s6 =	sadd.s32 $0xFFFFFFFF, s6;
	_ =	swait.ge [sflag:s23], $0x4000  }
0x94: {  	s0 =	simm.s32 @!p1 $0x100;
	s3 =	simm.s32 @!p1 $0x80;
	[sflag:s23] =	ssyncset.done $0x0  }
0x95: {  	s7 =	simm.s32 @!p1 $0x4000;
	p3 =	sne.s32 s6, $0x0;
	[sflag:s23] =	ssyncadd.s32 $0xFFFFC000  }
0x96: {  	[tilespmem:s7], [sflag:$0x1] =	stream.indirect.gather @!p1 [hbm4b:s4+s3], $0x80, s0, s3, $0xb8;
	[tilespmem:$0x1FC00] =	vst v63  }
.Ltmp5:
0x97: {  	_ =	swait.ge [sflag:s26], $0x4000;
	(pc) =	sbr.rel @!p3 .LBB2_9-.Ltmp5, $4  }
0x98: {  	s18 =	simm.s32 $0x2080;
	p2 =	sle.u32 s5, $0x3;
	[sflag:s26] =	ssyncset.done $0x0  }
0x99: {  	s31 =	simm.s32 $0x2100;
	s0 =	simm.s32 $0x180;
	[sflag:s26] =	ssyncadd.s32 $0xFFFFC000  }
0x9a: {  	[spmem:s1] =	stream.indirect.scatter.add.f32 [tilespmem:s28], [sflag:$0x3], $0x80, s18, s25, $0xb8;
	[tilespmem:$0x1FC00] =	vst v63  }
0x9b: {  	s3 =	simm.s32 $0x3;
	p1 =	por $0x1, $0x1;
	_ =	swait.ge [sflag:s23], $0x4000  }
.LBB2_8:
0x9c: {  	s7 =	simm.s32 @!p2 $0x80;
	s8 =	simm.s32 @!p2 $0x8000;
	[sflag:s23] =	ssyncset.done $0x0  }
0x9d: {  	s6 =	sadd.s32 $0xFFFFFFFF, s6;
	[sflag:s23] =	ssyncadd.s32 $0xFFFFC000  }
0x9e: {  	[tilespmem:s8], [sflag:$0x2] =	stream.indirect.gather @!p2 [hbm4b:s4+s7], $0x80, s0, s7, $0xb8;
	[tilespmem:$0x1FC00] =	vst v63  }
0x9f: {  	p3 =	sne.s32 s6, $0x0;
	_ =	swait.ge [sflag:s24], $0x4000  }
0xa0: {  	[sflag:s24] =	ssyncset.done $0x0  }
0xa1: {  	s7 =	sadd.s32 $0x1, s3;
	[sflag:s24] =	ssyncadd.s32 $0xFFFFC000  }
0xa2: {  	[spmem:s1] =	stream.indirect.scatter.add.f32 [tilespmem:s22], [sflag:$0x3], $0x80, s31, s25, $0xb8;
	[tilespmem:$0x1FC00] =	vst v63  }
0xa3: {  	p2 =	sge.u32 s7, s5;
	_ =	swait.ge [sflag:s23], $0x4000  }
0xa4: {  	s7 =	sadd.s32 @!p2 $0x80, s0;
	s8 =	simm.s32 @!p2 $0x80;
	[sflag:s23] =	ssyncset.done $0x0  }
0xa5: {  	s9 =	simm.s32 @!p2 $0x4000;
	[sflag:s23] =	ssyncadd.s32 $0xFFFFC000  }
0xa6: {  	[tilespmem:s9], [sflag:$0x1] =	stream.indirect.gather @!p2 [hbm4b:s4+s8], $0x80, s7, s8, $0xb8;
	[tilespmem:$0x1FC00] =	vst v63  }
.Ltmp6:
0xa7: {  	_ =	swait.ge [sflag:s26], $0x4000;
	(pc) =	sbr.rel @p3 .LBB2_8-.Ltmp6, $4  }
0xa8: {  	s7 =	sadd.s32 $0x80, s31;
	[sflag:s26] =	ssyncset.done $0x0  }
0xa9: {  	s3 =	sadd.s32 $0x2, s3;
	s0 =	sadd.s32 $0x100, s0;
	[sflag:s26] =	ssyncadd.s32 $0xFFFFC000  }
0xaa: {  	[spmem:s1] =	stream.indirect.scatter.add.f32 [tilespmem:s28], [sflag:$0x3], $0x80, s7, s25, $0xb8;
	[tilespmem:$0x1FC00] =	vst v63  }
0xab: {  	p2 =	sge.u32 s3, s5;
	s31 =	sadd.s32 $0x100, s31;
	_ =	swait.ge [sflag:s23], $0x4000  }
.LBB2_9:
0xac: {  	[sflag:s23] =	ssyncset.done @p1 $0x0  }
0xad: {  	s6 =	simm.s32 @!p2 $0x80;
	s7 =	simm.s32 @!p2 $0x8000;
	[sflag:s23] =	ssyncadd.s32 @p1 $0xFFFFC000  }
0xae: {  	[tilespmem:s7], [sflag:$0x2] =	stream.indirect.gather @!p2 [hbm4b:s4+s6], $0x80, s0, s6, $0xb8;
	[tilespmem:$0x1FC00] =	vst v63  }
0xaf: {  	_ =	swait.ge [sflag:s24], $0x4000  }
0xb0: {  	[sflag:s24] =	ssyncset.done $0x0  }
0xb1: {  	s3 =	sadd.s32 $0x1, s3;
	[sflag:s24] =	ssyncadd.s32 $0xFFFFC000  }
0xb2: {  	[spmem:s1] =	stream.indirect.scatter.add.f32 [tilespmem:s22], [sflag:$0x3], $0x80, s31, s25, $0xb8;
	[tilespmem:$0x1FC00] =	vst v63  }
0xb3: {  	p1 =	sge.u32 s3, s5;
	_ =	swait.ge [sflag:s23], $0x4000  }
0xb4: {  	s0 =	sadd.s32 @!p1 $0x80, s0;
	[sflag:s23] =	ssyncset.done $0x0  }
0xb5: {  	s3 =	simm.s32 @!p1 $0x80;
	s6 =	simm.s32 @!p1 $0x4000;
	[sflag:s23] =	ssyncadd.s32 $0xFFFFC000  }
0xb6: {  	[tilespmem:s6], [sflag:$0x1] =	stream.indirect.gather @!p1 [hbm4b:s4+s3], $0x80, s0, s3, $0xb8;
	[tilespmem:$0x1FC00] =	vst v63  }
0xb7: {  	_ =	swait.ge [sflag:s26], $0x4000  }
0xb8: {  	[sflag:s26] =	ssyncset.done $0x0  }
0xb9: {  	s11 =	sadd.s32 $0x80, s31;
	[sflag:s26] =	ssyncadd.s32 $0xFFFFC000  }
0xba: {  	[spmem:s1] =	stream.indirect.scatter.add.f32 [tilespmem:s28], [sflag:$0x3], $0x80, s11, s25, $0xb8;
	[tilespmem:$0x1FC00] =	vst v63  }
0xbb: {  	_ =	swait.ge [sflag:s23], $0x4000  }
0xbc: {  	[sflag:s23] =	ssyncset.done $0x0  }
0xbd: {  	[sflag:s23] =	ssyncadd.s32 $0xFFFFC000  }
0xbe: {  	[bflag:$0x0] =	sbarrier.arrive $0xFFFF  }
0xbf: {  	[tilespmem:s22], [sflag:$0x4] =	stream.linear.gather [spmem:s12], $0x4000, $0x38;
	[tilespmem:$0x1FC00] =	vst v63  }
0xc0: {  	_ =	swait.ge [sflag:s29], $0x4000  }
0xc1: {  	[sflag:s29] =	ssyncset.done $0x0  }
0xc2: {  	s17 =	rddreg [dreg:$0xa];
	[sflag:s29] =	ssyncadd.s32 $0xFFFFC000  }
0xc3: {  	[hbm4b:s17+s2] =	stream.linear.scatter [tilespmem:s22], [sflag:$0x3], $0x4000, $0x38;
	[tilespmem:$0x1FC00] =	vst v63  }
0xc4: {  	_ =	swait.ge [sflag:s23], $0x4000  }
0xc5: {  	[sflag:s23] =	ssyncset.done $0x0  }
0xc6: {  	[sflag:s23] =	ssyncadd.s32 $0xFFFFC000  }
0xc7: {  	[tilespmem:s22], [sflag:$0x4] =	stream.linear.gather [spmem:s13], $0x4000, $0x38;
	[tilespmem:$0x1FC00] =	vst v63  }
0xc8: {  	_ =	swait.ge [sflag:s29], $0x4000  }
0xc9: {  	[sflag:s29] =	ssyncset.done $0x0  }
0xca: {  	s18 =	rddreg [dreg:$0xb];
	[sflag:s29] =	ssyncadd.s32 $0xFFFFC000  }
0xcb: {  	[hbm4b:s18+s2] =	stream.linear.scatter [tilespmem:s22], [sflag:$0x3], $0x4000, $0x38;
	[tilespmem:$0x1FC00] =	vst v63  }
0xcc: {  	_ =	swait.ge [sflag:s23], $0x4000  }
0xcd: {  	[sflag:s23] =	ssyncset.done $0x0  }
0xce: {  	[sflag:s23] =	ssyncadd.s32 $0xFFFFC000  }
0xcf: {  	[tilespmem:s22], [sflag:$0x4] =	stream.linear.gather [spmem:s14], $0x4000, $0x38;
	[tilespmem:$0x1FC00] =	vst v63  }
0xd0: {  	_ =	swait.ge [sflag:s29], $0x4000  }
0xd1: {  	[sflag:s29] =	ssyncset.done $0x0  }
0xd2: {  	[sflag:s29] =	ssyncadd.s32 $0xFFFFC000  }
0xd3: {  	[hbm4b:s19+s2] =	stream.linear.scatter [tilespmem:s22], [sflag:$0x3], $0x4000, $0x38;
	[tilespmem:$0x1FC00] =	vst v63  }
0xd4: {  	_ =	swait.ge [sflag:s23], $0x4000  }
0xd5: {  	[sflag:s23] =	ssyncset.done $0x0  }
0xd6: {  	[sflag:s23] =	ssyncadd.s32 $0xFFFFC000  }
0xd7: {  	[tilespmem:s22], [sflag:$0x4] =	stream.linear.gather [spmem:s15], $0x4000, $0x38;
	[tilespmem:$0x1FC00] =	vst v63  }
0xd8: {  	_ =	swait.ge [sflag:s29], $0x4000  }
0xd9: {  	[sflag:s29] =	ssyncset.done $0x0  }
0xda: {  	[sflag:s29] =	ssyncadd.s32 $0xFFFFC000  }
0xdb: {  	[hbm4b:s20+s2] =	stream.linear.scatter [tilespmem:s22], [sflag:$0x3], $0x4000, $0x38;
	[tilespmem:$0x1FC00] =	vst v63  }
0xdc: {  	_ =	swait.ge [sflag:s23], $0x4000  }
0xdd: {  	[sflag:s23] =	ssyncset.done $0x0  }
0xde: {  	s0 =	simm.s32 @!p0 $0x4000;
	s3 =	simm.s32 @!p0 $0x4;
	[sflag:s23] =	ssyncadd.s32 $0xFFFFC000  }
0xdf: {  	[tilespmem:s0], [sflag:$0x4] =	stream.linear.gather @!p0 [spmem:s16], $0x4000, $0x38;
	[tilespmem:$0x1FC00] =	vst v63  }
0xe0: {  	_ =	swait.ge @!p0 [sflag:s3], $0x4000  }
0xe1: {  	[sflag:s3] =	ssyncset.done @!p0 $0x0  }
0xe2: {  	[sflag:s3] =	ssyncadd.s32 @!p0 $0xFFFFC000;
	s3 =	simm.s32 @!p0 $0x0  }
0xe3: {  	[hbm4b:s21+s3] =	stream.linear.scatter @!p0 [tilespmem:s0], [sflag:$0x3], $0x4000, $0x38;
	[tilespmem:$0x1FC00] =	vst v63  }
0xe4: {  	s0 =	simm.s32 @!p0 $0x3  }
0xe5: {  	_ =	swait.ge @!p0 [sflag:s0], $0x4000  }
0xe6: {  	s30 =	sadd.s32 $0x1, s30;
	s31 =	rddreg [dreg:$0x9]  }
0xe7: {  	p1 =	sne.s32 s30, s31  }
.Ltmp7:
0xe8: {  	_ = 	snop;
	(pc) =	sbr.rel @p1 .LBB2_1-.Ltmp7, $3  }
0xe9: {  	_ =	sdelay $0x1  }
0xea: {  	[sflag:s0] =	ssyncset.done @!p0 $0x0  }
0xeb: {  	[sflag:s0] =	ssyncadd.s32 @!p0 $0xFFFFC000  }
0xec: {  	_ =	sfence.sel $0x180000  }
0xed: {  	[bflag:$0x0] =	sbarrier.arrive $0xFFFF  }
0xee: {  	_ =	strace $0x9000004D  }
0xef: {  	s0 =	stileid.u32;
	[bflag:$0x2] =	sbarrier.arrive $0xFFFF  }
0xf0: {  	p0 =	sne.s32 s0, $0x0;
	s0 =	rddreg [dreg:$0x3]  }
0xf1: {  	s0 =	sadd.s32 @!p0 $0x100000, s0  }
0xf2: {  	[sflag:s0] =	ssyncadd.tile.s32 @!p0 $0x1;
	_ =	shalt  }
.Lfunc_end2:
_tile_overlayer_lowered:
.L_overlay_start_2:
0xf3: {  	(tag) =	ssettag $0x2  }
0xf4: {  	s0 =	rddreg [dreg:$0x0];
	s2 =	stileid.u32  }
0xf5: {  	s1 =	rddreg [dreg:$0x1];
	p0 =	sne.s32 s2, $0x0  }
0xf6: {  	s3 =	rddreg [dreg:$0x2];
	[bflag:$0x3] =	sbarrier.arrive $0xFFFF;
	s2 =	simm.s32 @!p0 $0x1C03  }
0xf7: {  	[timem:s3], [sflag:s2] =	dma.local @!p0 [hbm:s0], s1  }
0xf8: {  	s0 =	simm.s32 @!p0 $0x3  }
0xf9: {  	_ =	swait.ge @!p0 [sflag:s0], s1  }
0xfa: {  	s1 =	ssub.s32 @!p0 $0x0, s1;
	[sflag:s0] =	ssyncset.done @!p0 $0x0  }
0xfb: {  	[sflag:s0] =	ssyncadd.s32 @!p0 s1  }
0xfc: {  	[bflag:$0x3] =	sbarrier.arrive $0xFFFF  }
0xfd: {  	_ =	shalt  }

// kernel: kernel.8.cloned.1.call-start
scs
__scs_entry_jumppad:
0x0: {  	(pc) =	sbr.rel $0x88, $3  }
0x1: {  	(tag) =	ssettag $0x0;
	lr =	simm.s32 $0x1  }
0x2: {  	[smem:$0x3F9B] =	sst lr;
	_ =	strace $0xD0000000  }
0x3: {  	_ = 	snop  }
0x4: {  	_ = 	snop  }
0x5: {  	_ = 	snop  }
0x6: {  	_ = 	snop  }
0x7: {  	_ = 	snop  }
__scs_overlays_trampoline_lowered:
0x8: {  	[smem:$0x3FAA] =	sst s0  }
0x9: {  	[smem:$0x3FAB] =	sst s1  }
0xa: {  	[smem:$0x3FAC] =	sst s2  }
0xb: {  	[smem:$0x3FAD] =	sst s3  }
0xc: {  	[smem:$0x3FAE] =	sst s4  }
0xd: {  	[smem:$0x3FAF] =	sst s5  }
0xe: {  	[smem:$0x3FB0] =	sst s6  }
0xf: {  	[smem:$0x3FB1] =	sst s7  }
0x10: {  	[smem:$0x3FB2] =	sst s8  }
0x11: {  	[smem:$0x3FB3] =	sst s9;
	s0 =	simm.s32 @!p0 $0x0  }
0x12: {  	s1 =	sld [smem:$0x3F99];
	s0 =	simm.s32 @p0 $0x1  }
0x13: {  	[smem:$0x3FB4] =	sst s0;
	s0 =	simm.s32 @!p1 $0x0  }
0x14: {  	s2 =	sld [smem:$0x3F98];
	s0 =	simm.s32 @p1 $0x1  }
0x15: {  	[smem:$0x3FB5] =	sst s0;
	s0 =	simm.s32 @!p2 $0x0  }
0x16: {  	s3 =	sld [smem:$0x3FDB];
	s0 =	simm.s32 @p2 $0x1  }
0x17: {  	s4 =	simm.s32 $0x1BF5;
	[smem:$0x3FB7] =	sst s0  }
0x18: {  	s0 =	sld [smem:$0x3F9A];
	_ =	swait.ge [sflag:s4], $0x0  }
0x19: {  	s7 =	sld [smem:$0x3F9B]  }
0x1a: {  	s8 =	sadd.s32 $0xFFFFE003, lr  }
0x1b: {  	s9 =	sadd.s32 $0xFFFFFEF7, lr;
	s5 =	simm.s32 $0xFFFFFFFF;
	p2 =	slt.u32 s8, $0xFFFFF086  }
0x1c: {  	p1 =	slt.u32 s9, $0xF7A;
	s5 =	simm.s32 @!p2 $0x0  }
0x1d: {  	s5 =	simm.s32 @p1 $0x1;
	p0 =	seq.s32 s7, s2  }
0x1e: {  	s7 =	smul.u32 @!p0 $0xF7A, s2;
	p2 =	seq.s32 @!p0 s5, $0x0  }
0x1f: {  	s9 =	smul.u32 $0xF7A, s1;
	s8 =	simm.s32 @!p0 $0x1BF5;
	p2 =	por !p2, p0  }
0x20: {  	[sflag:s8] =	ssyncset.s32 @!p0 $0xFFFFF086;
	s6 =	sadd.s32 @!p0 s3, s7;
	s7 =	simm.s32 @!p0 $0x108  }
0x21: {  	s3 =	sadd.s32 s3, s9;
	s6 =	sadd.s32 @!p0 $0x88, s6;
	s7 =	simm.s32 @p2 $0x1082  }
0x22: {  	[simem:s7], [sflag:s8] =	dma.local @!p0 [hbm:s6], $0xF7A  }
0x23: {  	s9 =	sor.u32 $0xD0000000, s2;
	s6 =	simm.s32 $0x108;
	_ =	swait.ge @!p0 [sflag:s8], $0x0  }
0x24: {  	s3 =	sadd.s32 $0x88, s3;
	s6 =	simm.s32 @!p1 $0x1082;
	[sflag:s4] =	ssyncset.s32 $0xFFFFF086  }
0x25: {  	[simem:s6], [sflag:s4] =	dma.local [hbm:s3], $0xF7A  }
0x26: {  	[smem:$0x3F9B] =	sst s1;
	(tag) =	ssettag s2;
	_ =	strace s9  }
0x27: {  	s1 =	sld [smem:$0x3FAB]  }
0x28: {  	s2 =	sld [smem:$0x3FAC]  }
0x29: {  	s4 =	sld [smem:$0x3FAE]  }
0x2a: {  	p0 =	seq.s32 s5, $0x0;
	s5 =	sld [smem:$0x3FAF]  }
0x2b: {  	s6 =	sld [smem:$0x3FB0]  }
0x2c: {  	s7 =	sld [smem:$0x3FB1]  }
0x2d: {  	s3 =	simm.s32 $0x108;
	s8 =	sld [smem:$0x3FB2]  }
0x2e: {  	s3 =	simm.s32 @!p0 $0x1082;
	s9 =	sld [smem:$0x3FB3]  }
0x2f: {  	lr =	sadd.s32 s0, s3;
	s0 =	sld [smem:$0x3FAA]  }
0x30: {  	s3 =	sld [smem:$0x3FAD]  }
0x31: {  	[smem:$0x3FB6] =	sst s10  }
0x32: {  	s10 =	sld [smem:$0x3FB4];
	_ =	sdelay $0x3  }
0x33: {  	p0 =	seq.s32 s10, $0x1;
	s10 =	sld [smem:$0x3FB6];
	_ =	sdelay $0x3  }
0x34: {  	[smem:$0x3FB6] =	sst s10  }
0x35: {  	s10 =	sld [smem:$0x3FB5];
	_ =	sdelay $0x3  }
0x36: {  	p1 =	seq.s32 s10, $0x1;
	s10 =	sld [smem:$0x3FB6];
	_ =	sdelay $0x3  }
0x37: {  	[smem:$0x3FB6] =	sst s10  }
0x38: {  	s10 =	sld [smem:$0x3FB7]  }
0x39: {  	_ = 	snop;
	(pc) =	sbr.ind lr, $3  }
0x3a: {  	_ = 	snop  }
0x3b: {  	_ = 	snop  }
0x3c: {  	p2 =	seq.s32 s10, $0x1;
	s10 =	sld [smem:$0x3FB6]  }
0x3d: {  	_ =	shalt  }
0x3e: {  	_ =	shalt  }
0x3f: {  	_ =	shalt  }
0x40: {  	_ =	shalt  }
0x41: {  	_ =	shalt  }
0x42: {  	_ =	shalt  }
0x43: {  	_ =	shalt  }
0x44: {  	_ =	shalt  }
0x45: {  	_ =	shalt  }
0x46: {  	_ =	shalt  }
0x47: {  	_ =	shalt  }
0x48: {  	_ =	shalt  }
0x49: {  	_ =	shalt  }
0x4a: {  	_ =	shalt  }
0x4b: {  	_ =	shalt  }
0x4c: {  	_ =	shalt  }
0x4d: {  	_ =	shalt  }
0x4e: {  	_ =	shalt  }
0x4f: {  	_ =	shalt  }
0x50: {  	_ =	shalt  }
0x51: {  	_ =	shalt  }
0x52: {  	_ =	shalt  }
0x53: {  	_ =	shalt  }
0x54: {  	_ =	shalt  }
0x55: {  	_ =	shalt  }
0x56: {  	_ =	shalt  }
0x57: {  	_ =	shalt  }
0x58: {  	_ =	shalt  }
0x59: {  	_ =	shalt  }
0x5a: {  	_ =	shalt  }
0x5b: {  	_ =	shalt  }
0x5c: {  	_ =	shalt  }
0x5d: {  	_ =	shalt  }
0x5e: {  	_ =	shalt  }
0x5f: {  	_ =	shalt  }
0x60: {  	_ =	shalt  }
0x61: {  	_ =	shalt  }
0x62: {  	_ =	shalt  }
0x63: {  	_ =	shalt  }
0x64: {  	_ =	shalt  }
0x65: {  	_ =	shalt  }
0x66: {  	_ =	shalt  }
0x67: {  	_ =	shalt  }
0x68: {  	_ =	shalt  }
0x69: {  	_ =	shalt  }
0x6a: {  	_ =	shalt  }
0x6b: {  	_ =	shalt  }
0x6c: {  	_ =	shalt  }
0x6d: {  	_ =	shalt  }
0x6e: {  	_ =	shalt  }
0x6f: {  	_ =	shalt  }
0x70: {  	_ =	shalt  }
0x71: {  	_ =	shalt  }
0x72: {  	_ =	shalt  }
0x73: {  	_ =	shalt  }
0x74: {  	_ =	shalt  }
0x75: {  	_ =	shalt  }
0x76: {  	_ =	shalt  }
0x77: {  	_ =	shalt  }
0x78: {  	_ =	shalt  }
0x79: {  	_ =	shalt  }
0x7a: {  	_ =	shalt  }
0x7b: {  	_ =	shalt  }
0x7c: {  	_ =	shalt  }
0x7d: {  	_ =	shalt  }
0x7e: {  	_ =	shalt  }
0x7f: {  	_ =	shalt  }
0x80: {  	_ =	shalt  }
0x81: {  	_ =	shalt  }
0x82: {  	_ =	shalt  }
0x83: {  	_ =	shalt  }
0x84: {  	_ =	shalt  }
0x85: {  	_ =	shalt  }
0x86: {  	_ =	shalt  }
0x87: {  	_ =	shalt  }
.Lfunc_end0:
.L_simem_size_0:
called_computation_lowered:
.L_overlay_start_0:
0x88: {  	s2 =	sld [smem:$0x3FD9]  }
0x89: {  	s3 =	sld [smem:$0x3FFE];
	_ =	sdelay $0x1  }
0x8a: {  	s1 =	srdreg.scid  }
0x8b: {  	s0 =	sand.u32 $0x1, s1  }
0x8c: {  	s16 =	sshll.u32 s0, $0xA;
	s2 =	sadd.s32 s3, s2  }
0x8d: {  	s2 =	sadd.s32 s2, s16  }
0x8e: {  	[smem:$0x3FC2] =	sst s2  }
0x8f: {  	_ = 	snop  }
0x90: {  	(tm) =	ssettm $0x1  }
0x91: {  	s17 =	sld [smem:$0x3FFB];
	_ =	sdelay $0x3  }
0x92: {  	_ =	strace s17  }
0x93: {  	s2 =	sld [smem:$0x3FFC];
	_ =	sdelay $0x3  }
0x94: {  	_ =	strace s2  }
0x95: {  	s2 =	sld [smem:$0x3FFD];
	_ =	sdelay $0x3  }
0x96: {  	_ =	strace s2  }
0x97: {  	_ =	strace $0x8FFFFFFF  }
0x98: {  	s18 =	sld [smem:$0x3FDB];
	_ =	sdelay $0x1  }
0x99: {  	s19 =	simm.s32 $_scs_section_size  }
0x9a: {  	s4 =	simm.s32 $_size__tile_overlayer_lowered;
	s5 =	simm.s32 $_tile_overlayer_lowered  }
0x9b: {  	s22 =	simm.s32 $0x1BFF;
	s21 =	sshll.u32 s5, $0x1;
	s2 =	sadd.s32 s19, s18  }
0x9c: {  	s6 =	simm.s32 $0x0;
	s20 =	sshll.u32 s4, $0x1;
	s4 =	sadd.s32 s21, s2  }
0x9d: {  	[timem:s6], [sflag:s22] =	dma.local [hbm:s4], s20  }
0x9e: {  	_ =	swait.ge [sflag:s22], s20  }
0x9f: {  	s3 =	ssub.s32 $0x0, s20;
	[sflag:s22] =	ssyncset.done $0x0  }
0xa0: {  	[sflag:s22] =	ssyncadd.s32 s3;
	_ =	sdelay $0x1  }
0xa1: {  	s23 =	simm.s32 $0x1B8B  }
0xa2: {  	_ =	swait.ge [sflag:s23], $0x1  }
0xa3: {  	[sflag:s23] =	ssyncset.done $0x0  }
0xa4: {  	s25 =	simm.s32 $0x1B8E;
	s24 =	sld [smem:$0x3FFE];
	[sflag:s23] =	ssyncadd.s32 $0xFFFFFFFF  }
0xa5: {  	s26 =	simm.s32 $execute0_lowered;
	[smem:$0x3FD2] =	sst s25  }
0xa6: {  	s4 =	sshll.u32 s26, $0x1;
	_ =	strace $0x80000046;
	[dreg:$0x1] =	wrdreg $0xFFFFFFFF  }
0xa7: {  	s28 =	simm.s32 $_size_execute0_lowered;
	s2 =	sadd.s32 s2, s4;
	[dreg:$0x0] =	wrdreg $0x0  }
0xa8: {  	s4 =	sshll.u32 s28, $0x1;
	[dreg:$0x2] =	wrdreg s2  }
0xa9: {  	[dreg:$0x3] =	wrdreg s4  }
0xaa: {  	[dreg:$0x4] =	wrdreg $0xC0  }
0xab: {  	_ =	task [dreg:s6], $0x5FFFF  }
0xac: {  	[dreg:$0x1] =	wrdreg $0xFFFFFFFF  }
0xad: {  	[dreg:$0x0] =	wrdreg $0x60  }
0xae: {  	[dreg:$0x2] =	wrdreg s24  }
0xaf: {  	[dreg:$0x3] =	wrdreg $0x68000  }
0xb0: {  	[dreg:$0x4] =	wrdreg $0x9  }
0xb1: {  	_ =	task.clear_ibuf [dreg:s6], $0x5FFFF;
	_ =	strace $0x90000046  }
0xb2: {  	s29 =	simm.s32 $0x9;
	_ =	strace $0x80000048  }
0xb3: {  	_ =	swait.ge [sflag:s29], $0x1  }
0xb4: {  	[sflag:s29] =	ssyncadd.s32 $0xFFFFFFFF  }
0xb5: {  	_ =	strace $0x90000048  }
0xb6: {  	_ =	sfence  }
0xb7: {  	s30 =	sld [smem:$0x0];
	_ =	sdelay $0x2  }
0xb8: {  	s31 =	sshll.u32 s1, $0xD;
	s1 =	sshrl.u32 s1, $0x2  }
0xb9: {  	s3 =	sand.u32 $0x4000, s31;
	s1 =	sadd.s32 s1, s30  }
0xba: {  	s0 =	sor.u32 s3, s0;
	s1 =	sshll.u32 s1, $0x11  }
0xbb: {  	s0 =	sor.u32 s1, s0  }
0xbc: {  	s0 =	sadd.s32 $0x8F2B, s0  }
0xbd: {  	[sflag:s0] =	ssyncadd.remote.s32 $0x1  }
0xbe: {  	_ =	sfence.sel $0xFFFF  }
0xbf: {  	[dreg:$0x0] =	wrdreg $0xFFFFFFFF;
	(pc) =	sbr.abs _section_cstart, $3  }
0xc0: {  	[dreg:$0x1] =	wrdreg $0xFFFFFFFF  }
0xc1: {  	_ =	task.clear_ibuf [dreg:s6], $0x2FFFF;
	_ =	strace $0x9FFFFFFF  }
0xc2: {  	(tm) =	ssettm $0x7FFFFFFF  }
0xc3: {  	_ =	shalt  }
tec
execute0_lowered:
.L_overlay_start_1:
0x0: {  	(tag) =	ssettag $0x1  }
0x1: {  	s0 =	srdreg.scid;
	s4 =	rddreg [dreg:$0x0]  }
0x2: {  	s2 =	rddreg [dreg:$0x1];
	s1 =	stileid.u32  }
0x3: {  	s3 =	simm.s32 $0x0;
	s19 =	simm.s32 $0x1;
	s20 =	simm.s32 $0x3  }
0x4: {  	s21 =	simm.s32 $0x0;
	s5 =	sand.u32 $0x1, s0;
	s0 =	rddreg [dreg:$0x2]  }
0x5: {  	[smem:$0x7FF] =	sst s3;
	s15 =	sadd.s32 $0xCA00, s4;
	s10 =	sshll.u32 s1, $0xE  }
0x6: {  	p0 =	seq.s32 s1, $0xF;
	s6 =	sshll.u32 s5, $0x4;
	_ =	strace $0x80000047  }
0x7: {  	s7 =	ssub.s32 $0x2, s5;
	s13 =	smul.u32 $0x13C000, s5;
	s11 =	sor.u32 $0x40000, s10  }
0x8: {  	s14 =	sor.u32 $0x80000, s10;
	s16 =	sor.u32 $0xC0000, s10;
	s17 =	sor.u32 $0x100000, s10  }
0x9: {  	s6 =	sor.u32 s1, s6;
	s29 =	sshrl.u32 s7, $0x1;
	s8 =	sadd.s32 s14, s2  }
0xa: {  	s9 =	sadd.s32 s16, s2;
	s6 =	smul.u32 $0x500, s6;
	s7 =	ssub.s32 s7, s29  }
0xb: {  	s12 =	sadd.s32 s13, s10;
	s14 =	sadd.s32 s13, s14;
	s16 =	sadd.s32 s13, s16  }
0xc: {  	s5 =	smax.u32 s7, $0x1;
	s7 =	sadd.s32 s11, s2;
	s11 =	sadd.s32 s13, s11  }
0xd: {  	s12 =	sshrl.u32 s12, $0x3;
	s14 =	sshrl.u32 s14, $0x3;
	s30 =	sshrl.u32 s16, $0x3  }
0xe: {  	s16 =	simm.s32 $0x2800;
	s6 =	sadd.s32 s6, s4;
	s18 =	sshrl.u32 s11, $0x3  }
0xf: {  	s11 =	sadd.s32 s15, s12;
	s4 =	sadd.s32 $0x2600, s6;
	s6 =	sadd.s32 s10, s2  }
0x10: {  	s10 =	sadd.s32 s17, s2;
	s12 =	sadd.s32 s15, s18;
	s17 =	sadd.s32 s13, s17  }
0x11: {  	s13 =	sadd.s32 s15, s14;
	s14 =	sadd.s32 s15, s30;
	s31 =	sshrl.u32 s17, $0x3  }
0x12: {  	v0 =	vimm.f32 $0.0e+00;
	v1 =	vimm.f32 $1.000000000e+00;
	s18 =	simm.s32 $0x80;
	s17 =	simm.s32 $0x2;
	s15 =	sadd.s32 s15, s31  }
.LBB2_1:
0x13: {  	s22 =	simm.s32 $0x0;
	s23 =	simm.s32 $0x200  }
.LBB2_2:
0x14: {  	p1 =	sne.s32 s23, $0xFE00;
	[tilespmem:s22+$0x2870] =	vst v0  }
0x15: {  	[tilespmem:s22+$0x2800] =	vst v0  }
0x16: {  	[tilespmem:s22+$0x2810] =	vst v0  }
.Ltmp0:
0x17: {  	[tilespmem:s22+$0x2820] =	vst v0;
	(pc) =	sbr.rel @p1 .LBB2_2-.Ltmp0, $4  }
0x18: {  	[tilespmem:s22+$0x2830] =	vst v0  }
0x19: {  	[tilespmem:s22+$0x2840] =	vst v0  }
0x1a: {  	[tilespmem:s22+$0x2850] =	vst v0  }
0x1b: {  	[tilespmem:s22+$0x2860] =	vst v0;
	s22 =	sshra.s32 s23, $0x2;
	s23 =	sadd.s32 $0x200, s23  }
0x1c: {  	[tilespmem:s22+$0x2870] =	vst v0  }
0x1d: {  	[tilespmem:s22+$0x2800] =	vst v0  }
0x1e: {  	[tilespmem:s22+$0x2810] =	vst v0  }
0x1f: {  	[tilespmem:s22+$0x2820] =	vst v0  }
0x20: {  	[tilespmem:s22+$0x2830] =	vst v0  }
0x21: {  	[tilespmem:s22+$0x2840] =	vst v0  }
0x22: {  	[tilespmem:s22+$0x2850] =	vst v0  }
0x23: {  	[tilespmem:s22+$0x2860] =	vst v0  }
0x24: {  	[spmem:s6] =	stream.linear.scatter [tilespmem:s16], [sflag:$0x2], $0x4000, $0x38;
	[tilespmem:$0x1A400] =	vst v63  }
0x25: {  	_ =	swait.ge [sflag:s17], $0x4000  }
0x26: {  	[sflag:s17] =	ssyncset.done $0x0  }
0x27: {  	[sflag:s17] =	ssyncadd.s32 $0xFFFFC000  }
0x28: {  	[spmem:s7] =	stream.linear.scatter [tilespmem:s16], [sflag:$0x2], $0x4000, $0x38;
	[tilespmem:$0x1A400] =	vst v63  }
0x29: {  	_ =	swait.ge [sflag:s17], $0x4000  }
0x2a: {  	[sflag:s17] =	ssyncset.done $0x0  }
0x2b: {  	[sflag:s17] =	ssyncadd.s32 $0xFFFFC000  }
0x2c: {  	[spmem:s8] =	stream.linear.scatter [tilespmem:s16], [sflag:$0x2], $0x4000, $0x38;
	[tilespmem:$0x1A400] =	vst v63  }
0x2d: {  	_ =	swait.ge [sflag:s17], $0x4000  }
0x2e: {  	[sflag:s17] =	ssyncset.done $0x0  }
0x2f: {  	[sflag:s17] =	ssyncadd.s32 $0xFFFFC000  }
0x30: {  	[spmem:s9] =	stream.linear.scatter [tilespmem:s16], [sflag:$0x2], $0x4000, $0x38;
	[tilespmem:$0x1A400] =	vst v63  }
0x31: {  	_ =	swait.ge [sflag:s17], $0x4000  }
0x32: {  	[sflag:s17] =	ssyncset.done $0x0  }
0x33: {  	s22 =	simm.s32 @!p0 $0x2800;
	[sflag:s17] =	ssyncadd.s32 $0xFFFFC000  }
0x34: {  	[spmem:s10] =	stream.linear.scatter @!p0 [tilespmem:s22], [sflag:$0x2], $0x4000, $0x38;
	[tilespmem:$0x1A400] =	vst v63  }
0x35: {  	s22 =	simm.s32 @!p0 $0x2  }
0x36: {  	_ =	swait.ge @!p0 [sflag:s22], $0x4000  }
0x37: {  	[sflag:s22] =	ssyncset.done @!p0 $0x0  }
0x38: {  	[sflag:s22] =	ssyncadd.s32 @!p0 $0xFFFFC000  }
0x39: {  	s23 =	simm.s32 $0x200;
	s22 =	simm.s32 $0x0;
	[bflag:$0x0] =	sbarrier.arrive $0xFFFF  }
.LBB2_4:
0x3a: {  	p1 =	sne.s32 s23, $0xFE00;
	[tilespmem:s22+$0x2870] =	vst v1  }
0x3b: {  	[tilespmem:s22+$0x2800] =	vst v1  }
0x3c: {  	[tilespmem:s22+$0x2810] =	vst v1  }
.Ltmp1:
0x3d: {  	[tilespmem:s22+$0x2820] =	vst v1;
	(pc) =	sbr.rel @p1 .LBB2_4-.Ltmp1, $4  }
0x3e: {  	[tilespmem:s22+$0x2830] =	vst v1  }
0x3f: {  	[tilespmem:s22+$0x2840] =	vst v1  }
0x40: {  	[tilespmem:s22+$0x2850] =	vst v1  }
0x41: {  	[tilespmem:s22+$0x2860] =	vst v1;
	s22 =	sshra.s32 s23, $0x2;
	s23 =	sadd.s32 $0x200, s23  }
0x42: {  	[tilespmem:s22+$0x2870] =	vst v1  }
0x43: {  	[tilespmem:s22+$0x2800] =	vst v1  }
0x44: {  	[tilespmem:s22+$0x2810] =	vst v1  }
0x45: {  	[tilespmem:s22+$0x2820] =	vst v1  }
0x46: {  	[tilespmem:s22+$0x2830] =	vst v1  }
0x47: {  	[tilespmem:s22+$0x2840] =	vst v1  }
0x48: {  	[tilespmem:s22+$0x2850] =	vst v1  }
0x49: {  	[tilespmem:s22+$0x2860] =	vst v1;
	s31 =	simm.s32 $0x0  }
0x4a: {  	[tilespmem:s31], [sflag:$0x2] =	stream.linear.gather [hbm4b:s4+s31], $0x2800, $0x38;
	[tilespmem:$0x1A400] =	vst v63  }
0x4b: {  	_ =	swait.ge [sflag:s17], $0x2800  }
0x4c: {  	[sflag:s17] =	ssyncset.done $0x0  }
0x4d: {  	s23 =	simm.s32 $0x0;
	[sflag:s17] =	ssyncadd.s32 $0xFFFFD800  }
0x4e: {  	[spmem:s2] =	stream.indirect.scatter.add.f32 [tilespmem:s16], [sflag:$0x1], $0x80, s23, s18, $0xb8;
	[tilespmem:$0x1A400] =	vst v63  }
0x4f: {  	s24 =	simm.s32 $0x80  }
0x50: {  	[spmem:s2] =	stream.indirect.scatter.add.f32 [tilespmem:s16], [sflag:$0x1], $0x80, s24, s18, $0xb8;
	[tilespmem:$0x1A400] =	vst v63  }
0x51: {  	s25 =	simm.s32 $0x100  }
0x52: {  	[spmem:s2] =	stream.indirect.scatter.add.f32 [tilespmem:s16], [sflag:$0x1], $0x80, s25, s18, $0xb8;
	[tilespmem:$0x1A400] =	vst v63  }
0x53: {  	s26 =	simm.s32 $0x180  }
0x54: {  	[spmem:s2] =	stream.indirect.scatter.add.f32 [tilespmem:s16], [sflag:$0x1], $0x80, s26, s18, $0xb8;
	[tilespmem:$0x1A400] =	vst v63  }
0x55: {  	s28 =	simm.s32 $0x200  }
0x56: {  	[spmem:s2] =	stream.indirect.scatter.add.f32 [tilespmem:s16], [sflag:$0x1], $0x80, s28, s18, $0xb8;
	[tilespmem:$0x1A400] =	vst v63  }
0x57: {  	s29 =	simm.s32 $0x280  }
0x58: {  	[spmem:s2] =	stream.indirect.scatter.add.f32 [tilespmem:s16], [sflag:$0x1], $0x80, s29, s18, $0xb8;
	[tilespmem:$0x1A400] =	vst v63  }
0x59: {  	s30 =	simm.s32 $0x300  }
0x5a: {  	[spmem:s2] =	stream.indirect.scatter.add.f32 [tilespmem:s16], [sflag:$0x1], $0x80, s30, s18, $0xb8;
	[tilespmem:$0x1A400] =	vst v63  }
0x5b: {  	s31 =	simm.s32 $0x380  }
0x5c: {  	[spmem:s2] =	stream.indirect.scatter.add.f32 [tilespmem:s16], [sflag:$0x1], $0x80, s31, s18, $0xb8;
	[tilespmem:$0x1A400] =	vst v63  }
0x5d: {  	_ =	swait.ge [sflag:s19], $0x4000  }
0x5e: {  	[sflag:s19] =	ssyncset.done $0x0  }
0x5f: {  	[sflag:s19] =	ssyncadd.s32 $0xFFFFC000  }
0x60: {  	_ =	swait.ge [sflag:s19], $0x4000  }
0x61: {  	[sflag:s19] =	ssyncset.done $0x0  }
0x62: {  	[sflag:s19] =	ssyncadd.s32 $0xFFFFC000  }
0x63: {  	_ =	swait.ge [sflag:s19], $0x4000  }
0x64: {  	[sflag:s19] =	ssyncset.done $0x0  }
0x65: {  	[sflag:s19] =	ssyncadd.s32 $0xFFFFC000  }
0x66: {  	_ =	swait.ge [sflag:s19], $0x4000  }
0x67: {  	[sflag:s19] =	ssyncset.done $0x0  }
0x68: {  	[sflag:s19] =	ssyncadd.s32 $0xFFFFC000  }
0x69: {  	_ =	swait.ge [sflag:s19], $0x4000  }
0x6a: {  	[sflag:s19] =	ssyncset.done $0x0  }
0x6b: {  	[sflag:s19] =	ssyncadd.s32 $0xFFFFC000  }
0x6c: {  	_ =	swait.ge [sflag:s19], $0x4000  }
0x6d: {  	[sflag:s19] =	ssyncset.done $0x0  }
0x6e: {  	[sflag:s19] =	ssyncadd.s32 $0xFFFFC000  }
0x6f: {  	_ =	swait.ge [sflag:s19], $0x4000  }
0x70: {  	[sflag:s19] =	ssyncset.done $0x0  }
0x71: {  	[sflag:s19] =	ssyncadd.s32 $0xFFFFC000  }
0x72: {  	_ =	swait.ge [sflag:s19], $0x4000  }
0x73: {  	s22 =	simm.s32 $0x1000;
	s24 =	simm.s32 $0x2000;
	[sflag:s19] =	ssyncset.done $0x0  }
.LBB2_6:
0x74: {  	s25 =	sshra.s32 s22, $0x2  }
0x75: {  	[sflag:s19] =	ssyncadd.s32 $0xFFFFC000;
	s22 =	smov.u32 s24;
	s23 =	sadd.s32 $0x1000, s24  }
0x76: {  	[spmem:s2] =	stream.indirect.scatter.add.f32 [tilespmem:s16], [sflag:$0x1], $0x80, s25, s18, $0xb8;
	[tilespmem:$0x1A400] =	vst v63  }
0x77: {  	p1 =	sne.s32 s24, $0x9000;
	s24 =	sadd.s32 $0x80, s25  }
0x78: {  	[spmem:s2] =	stream.indirect.scatter.add.f32 [tilespmem:s16], [sflag:$0x1], $0x80, s24, s18, $0xb8;
	[tilespmem:$0x1A400] =	vst v63  }
0x79: {  	s24 =	sadd.s32 $0x100, s25  }
0x7a: {  	[spmem:s2] =	stream.indirect.scatter.add.f32 [tilespmem:s16], [sflag:$0x1], $0x80, s24, s18, $0xb8;
	[tilespmem:$0x1A400] =	vst v63  }
0x7b: {  	s24 =	sadd.s32 $0x180, s25  }
0x7c: {  	[spmem:s2] =	stream.indirect.scatter.add.f32 [tilespmem:s16], [sflag:$0x1], $0x80, s24, s18, $0xb8;
	[tilespmem:$0x1A400] =	vst v63  }
0x7d: {  	s24 =	sadd.s32 $0x200, s25  }
0x7e: {  	[spmem:s2] =	stream.indirect.scatter.add.f32 [tilespmem:s16], [sflag:$0x1], $0x80, s24, s18, $0xb8;
	[tilespmem:$0x1A400] =	vst v63  }
0x7f: {  	s24 =	sadd.s32 $0x280, s25  }
0x80: {  	[spmem:s2] =	stream.indirect.scatter.add.f32 [tilespmem:s16], [sflag:$0x1], $0x80, s24, s18, $0xb8;
	[tilespmem:$0x1A400] =	vst v63  }
0x81: {  	s24 =	sadd.s32 $0x300, s25  }
0x82: {  	[spmem:s2] =	stream.indirect.scatter.add.f32 [tilespmem:s16], [sflag:$0x1], $0x80, s24, s18, $0xb8;
	[tilespmem:$0x1A400] =	vst v63  }
0x83: {  	s24 =	sadd.s32 $0x380, s25  }
0x84: {  	[spmem:s2] =	stream.indirect.scatter.add.f32 [tilespmem:s16], [sflag:$0x1], $0x80, s24, s18, $0xb8;
	[tilespmem:$0x1A400] =	vst v63  }
0x85: {  	_ =	swait.ge [sflag:s19], $0x4000  }
0x86: {  	[sflag:s19] =	ssyncset.done $0x0  }
0x87: {  	[sflag:s19] =	ssyncadd.s32 $0xFFFFC000  }
0x88: {  	_ =	swait.ge [sflag:s19], $0x4000  }
0x89: {  	[sflag:s19] =	ssyncset.done $0x0  }
0x8a: {  	[sflag:s19] =	ssyncadd.s32 $0xFFFFC000  }
0x8b: {  	_ =	swait.ge [sflag:s19], $0x4000  }
0x8c: {  	[sflag:s19] =	ssyncset.done $0x0  }
0x8d: {  	[sflag:s19] =	ssyncadd.s32 $0xFFFFC000  }
0x8e: {  	_ =	swait.ge [sflag:s19], $0x4000  }
0x8f: {  	[sflag:s19] =	ssyncset.done $0x0  }
0x90: {  	[sflag:s19] =	ssyncadd.s32 $0xFFFFC000  }
0x91: {  	_ =	swait.ge [sflag:s19], $0x4000  }
0x92: {  	[sflag:s19] =	ssyncset.done $0x0  }
0x93: {  	[sflag:s19] =	ssyncadd.s32 $0xFFFFC000  }
0x94: {  	_ =	swait.ge [sflag:s19], $0x4000  }
0x95: {  	[sflag:s19] =	ssyncset.done $0x0  }
0x96: {  	[sflag:s19] =	ssyncadd.s32 $0xFFFFC000  }
.Ltmp2:
0x97: {  	_ =	swait.ge [sflag:s19], $0x4000;
	(pc) =	sbr.rel @p1 .LBB2_6-.Ltmp2, $4  }
0x98: {  	[sflag:s19] =	ssyncset.done $0x0  }
0x99: {  	[sflag:s19] =	ssyncadd.s32 $0xFFFFC000  }
0x9a: {  	_ =	swait.ge [sflag:s19], $0x4000  }
0x9b: {  	s24 =	smov.u32 s23;
	[sflag:s19] =	ssyncset.done $0x0  }
0x9c: {  	s22 =	sshra.s32 s22, $0x2;
	[sflag:s19] =	ssyncadd.s32 $0xFFFFC000  }
0x9d: {  	[spmem:s2] =	stream.indirect.scatter.add.f32 [tilespmem:s16], [sflag:$0x1], $0x80, s22, s18, $0xb8;
	[tilespmem:$0x1A400] =	vst v63  }
0x9e: {  	s23 =	sadd.s32 $0x80, s22  }
0x9f: {  	[spmem:s2] =	stream.indirect.scatter.add.f32 [tilespmem:s16], [sflag:$0x1], $0x80, s23, s18, $0xb8;
	[tilespmem:$0x1A400] =	vst v63  }
0xa0: {  	s26 =	sadd.s32 $0x100, s22  }
0xa1: {  	[spmem:s2] =	stream.indirect.scatter.add.f32 [tilespmem:s16], [sflag:$0x1], $0x80, s26, s18, $0xb8;
	[tilespmem:$0x1A400] =	vst v63  }
0xa2: {  	s28 =	sadd.s32 $0x180, s22  }
0xa3: {  	[spmem:s2] =	stream.indirect.scatter.add.f32 [tilespmem:s16], [sflag:$0x1], $0x80, s28, s18, $0xb8;
	[tilespmem:$0x1A400] =	vst v63  }
0xa4: {  	s29 =	sadd.s32 $0x200, s22  }
0xa5: {  	[spmem:s2] =	stream.indirect.scatter.add.f32 [tilespmem:s16], [sflag:$0x1], $0x80, s29, s18, $0xb8;
	[tilespmem:$0x1A400] =	vst v63  }
0xa6: {  	s30 =	sadd.s32 $0x280, s22  }
0xa7: {  	[spmem:s2] =	stream.indirect.scatter.add.f32 [tilespmem:s16], [sflag:$0x1], $0x80, s30, s18, $0xb8;
	[tilespmem:$0x1A400] =	vst v63  }
0xa8: {  	s31 =	sadd.s32 $0x300, s22  }
0xa9: {  	[spmem:s2] =	stream.indirect.scatter.add.f32 [tilespmem:s16], [sflag:$0x1], $0x80, s31, s18, $0xb8;
	[tilespmem:$0x1A400] =	vst v63  }
0xaa: {  	s22 =	sadd.s32 $0x380, s22  }
0xab: {  	[spmem:s2] =	stream.indirect.scatter.add.f32 [tilespmem:s16], [sflag:$0x1], $0x80, s22, s18, $0xb8;
	[tilespmem:$0x1A400] =	vst v63  }
0xac: {  	_ =	swait.ge [sflag:s19], $0x4000  }
0xad: {  	[sflag:s19] =	ssyncset.done $0x0  }
0xae: {  	[sflag:s19] =	ssyncadd.s32 $0xFFFFC000  }
0xaf: {  	_ =	swait.ge [sflag:s19], $0x4000  }
0xb0: {  	[sflag:s19] =	ssyncset.done $0x0  }
0xb1: {  	[sflag:s19] =	ssyncadd.s32 $0xFFFFC000  }
0xb2: {  	_ =	swait.ge [sflag:s19], $0x4000  }
0xb3: {  	[sflag:s19] =	ssyncset.done $0x0  }
0xb4: {  	[sflag:s19] =	ssyncadd.s32 $0xFFFFC000  }
0xb5: {  	_ =	swait.ge [sflag:s19], $0x4000  }
0xb6: {  	[sflag:s19] =	ssyncset.done $0x0  }
0xb7: {  	[sflag:s19] =	ssyncadd.s32 $0xFFFFC000  }
0xb8: {  	_ =	swait.ge [sflag:s19], $0x4000  }
0xb9: {  	[sflag:s19] =	ssyncset.done $0x0  }
0xba: {  	[sflag:s19] =	ssyncadd.s32 $0xFFFFC000  }
0xbb: {  	_ =	swait.ge [sflag:s19], $0x4000  }
0xbc: {  	[sflag:s19] =	ssyncset.done $0x0  }
0xbd: {  	[sflag:s19] =	ssyncadd.s32 $0xFFFFC000  }
0xbe: {  	_ =	swait.ge [sflag:s19], $0x4000  }
0xbf: {  	[sflag:s19] =	ssyncset.done $0x0  }
0xc0: {  	[sflag:s19] =	ssyncadd.s32 $0xFFFFC000  }
0xc1: {  	_ =	swait.ge [sflag:s19], $0x4000  }
0xc2: {  	[sflag:s19] =	ssyncset.done $0x0  }
0xc3: {  	[sflag:s19] =	ssyncadd.s32 $0xFFFFC000  }
0xc4: {  	[bflag:$0x0] =	sbarrier.arrive $0xFFFF  }
0xc5: {  	[tilespmem:s16], [sflag:$0x3] =	stream.linear.gather [spmem:s6], $0x4000, $0x38;
	[tilespmem:$0x1A400] =	vst v63  }
0xc6: {  	_ =	swait.ge [sflag:s20], $0x4000  }
0xc7: {  	[sflag:s20] =	ssyncset.done $0x0  }
0xc8: {  	[sflag:s20] =	ssyncadd.s32 $0xFFFFC000  }
0xc9: {  	[hbm4b:s11+s3] =	stream.linear.scatter [tilespmem:s16], [sflag:$0x2], $0x4000, $0x38;
	[tilespmem:$0x1A400] =	vst v63  }
0xca: {  	_ =	swait.ge [sflag:s17], $0x4000  }
0xcb: {  	[sflag:s17] =	ssyncset.done $0x0  }
0xcc: {  	[sflag:s17] =	ssyncadd.s32 $0xFFFFC000  }
0xcd: {  	[tilespmem:s16], [sflag:$0x3] =	stream.linear.gather [spmem:s7], $0x4000, $0x38;
	[tilespmem:$0x1A400] =	vst v63  }
0xce: {  	_ =	swait.ge [sflag:s20], $0x4000  }
0xcf: {  	[sflag:s20] =	ssyncset.done $0x0  }
0xd0: {  	[sflag:s20] =	ssyncadd.s32 $0xFFFFC000  }
0xd1: {  	[hbm4b:s12+s3] =	stream.linear.scatter [tilespmem:s16], [sflag:$0x2], $0x4000, $0x38;
	[tilespmem:$0x1A400] =	vst v63  }
0xd2: {  	_ =	swait.ge [sflag:s17], $0x4000  }
0xd3: {  	[sflag:s17] =	ssyncset.done $0x0  }
0xd4: {  	[sflag:s17] =	ssyncadd.s32 $0xFFFFC000  }
0xd5: {  	[tilespmem:s16], [sflag:$0x3] =	stream.linear.gather [spmem:s8], $0x4000, $0x38;
	[tilespmem:$0x1A400] =	vst v63  }
0xd6: {  	_ =	swait.ge [sflag:s20], $0x4000  }
0xd7: {  	[sflag:s20] =	ssyncset.done $0x0  }
0xd8: {  	[sflag:s20] =	ssyncadd.s32 $0xFFFFC000  }
0xd9: {  	[hbm4b:s13+s3] =	stream.linear.scatter [tilespmem:s16], [sflag:$0x2], $0x4000, $0x38;
	[tilespmem:$0x1A400] =	vst v63  }
0xda: {  	_ =	swait.ge [sflag:s17], $0x4000  }
0xdb: {  	[sflag:s17] =	ssyncset.done $0x0  }
0xdc: {  	[sflag:s17] =	ssyncadd.s32 $0xFFFFC000  }
0xdd: {  	[tilespmem:s16], [sflag:$0x3] =	stream.linear.gather [spmem:s9], $0x4000, $0x38;
	[tilespmem:$0x1A400] =	vst v63  }
0xde: {  	_ =	swait.ge [sflag:s20], $0x4000  }
0xdf: {  	[sflag:s20] =	ssyncset.done $0x0  }
0xe0: {  	[sflag:s20] =	ssyncadd.s32 $0xFFFFC000  }
0xe1: {  	[hbm4b:s14+s3] =	stream.linear.scatter [tilespmem:s16], [sflag:$0x2], $0x4000, $0x38;
	[tilespmem:$0x1A400] =	vst v63  }
0xe2: {  	_ =	swait.ge [sflag:s17], $0x4000  }
0xe3: {  	[sflag:s17] =	ssyncset.done $0x0  }
0xe4: {  	s23 =	simm.s32 @!p0 $0x3;
	s22 =	simm.s32 @!p0 $0x2800;
	[sflag:s17] =	ssyncadd.s32 $0xFFFFC000  }
0xe5: {  	[tilespmem:s22], [sflag:$0x3] =	stream.linear.gather @!p0 [spmem:s10], $0x4000, $0x38;
	[tilespmem:$0x1A400] =	vst v63  }
0xe6: {  	_ =	swait.ge @!p0 [sflag:s23], $0x4000  }
0xe7: {  	s21 =	sadd.s32 $0x1, s21;
	[sflag:s23] =	ssyncset.done @!p0 $0x0  }
0xe8: {  	p1 =	sne.s32 s21, s5;
	[sflag:s23] =	ssyncadd.s32 @!p0 $0xFFFFC000;
	s23 =	simm.s32 @!p0 $0x0  }
0xe9: {  	[hbm4b:s15+s23] =	stream.linear.scatter @!p0 [tilespmem:s22], [sflag:$0x2], $0x4000, $0x38;
	[tilespmem:$0x1A400] =	vst v63  }
.Ltmp3:
0xea: {  	_ = 	snop;
	(pc) =	sbr.rel @p1 .LBB2_1-.Ltmp3, $4  }
0xeb: {  	s22 =	simm.s32 @!p0 $0x2  }
0xec: {  	_ =	swait.ge @!p0 [sflag:s22], $0x4000  }
0xed: {  	[sflag:s22] =	ssyncset.done @!p0 $0x0  }
0xee: {  	[sflag:s22] =	ssyncadd.s32 @!p0 $0xFFFFC000  }
0xef: {  	_ =	sfence.sel $0x180000  }
0xf0: {  	[bflag:$0x0] =	sbarrier.arrive $0xFFFF  }
0xf1: {  	p0 =	sne.s32 s1, $0x0;
	_ =	strace $0x90000047  }
0xf2: {  	s0 =	sadd.s32 @!p0 $0x100000, s0;
	[bflag:$0x2] =	sbarrier.arrive $0xFFFF  }
0xf3: {  	[sflag:s0] =	ssyncadd.tile.s32 @!p0 $0x1;
	_ =	shalt  }
.Lfunc_end2:
_tile_overlayer_lowered:
.L_overlay_start_2:
0xf4: {  	(tag) =	ssettag $0x2  }
0xf5: {  	s0 =	rddreg [dreg:$0x0];
	s2 =	stileid.u32  }
0xf6: {  	s1 =	rddreg [dreg:$0x1];
	p0 =	sne.s32 s2, $0x0  }
0xf7: {  	s3 =	rddreg [dreg:$0x2];
	[bflag:$0x3] =	sbarrier.arrive $0xFFFF;
	s2 =	simm.s32 @!p0 $0x1C02  }
0xf8: {  	[timem:s3], [sflag:s2] =	dma.local @!p0 [hbm:s0], s1  }
0xf9: {  	s0 =	simm.s32 @!p0 $0x2  }
0xfa: {  	_ =	swait.ge @!p0 [sflag:s0], s1  }
0xfb: {  	s1 =	ssub.s32 @!p0 $0x0, s1;
	[sflag:s0] =	ssyncset.done @!p0 $0x0  }
0xfc: {  	[sflag:s0] =	ssyncadd.s32 @!p0 s1  }
0xfd: {  	[bflag:$0x3] =	sbarrier.arrive $0xFFFF  }
0xfe: {  	_ =	shalt  }

</sc_bundles>
